<compile_context>
chip_gen: v7x
topology: tpu7x:2x2x1
jax: 0.10.2.dev20260603
libtpu: 0.0.44.dev20260713+nightly
codegen_flags: <defaults>
</compile_context>

<pallas_src>
import functools

import jax
import jax.numpy as jnp
from jax import lax
from jax.experimental import pallas as pl
from jax.experimental.pallas import tpu as pltpu
from jax.experimental.pallas import tpu_sc as plsc

F = 128
NSC = 2
NSUB = 16
K = 125


def _mesh():
  return plsc.VectorSubcoreMesh(core_axis_name="c", subcore_axis_name="s")


def _sc_degree(dstd, zeros_f, ones_f, n_pad):
  nbd = dstd.shape[1]
  np_rows = n_pad // NSUB

  def body(dstd_h, zeros_h, ones_h, deg0_h, deg1_h, dstv, onesv, hist):
    cid = lax.axis_index("c")
    sid = lax.axis_index("s")
    w = cid * NSUB + sid
    pltpu.sync_copy(dstd_h.at[w], dstv)
    pltpu.sync_copy(ones_h, onesv)
    pltpu.sync_copy(zeros_h, hist.at[pl.ds(sid * np_rows, np_rows)])
    plsc.subcore_barrier()

    def batch(j, carry):
      pltpu.sync_copy(onesv, hist.at[dstv.at[j]], add=True)
      return carry

    lax.fori_loop(0, nbd, batch, 0)
    plsc.subcore_barrier()

    @pl.when(cid == 0)
    def _():
      pltpu.sync_copy(hist.at[pl.ds(sid * np_rows, np_rows)],
                      deg0_h.at[pl.ds(sid * np_rows, np_rows)])

    @pl.when(cid == 1)
    def _():
      pltpu.sync_copy(hist.at[pl.ds(sid * np_rows, np_rows)],
                      deg1_h.at[pl.ds(sid * np_rows, np_rows)])

  out_type = (jax.ShapeDtypeStruct((n_pad, F), jnp.float32),
              jax.ShapeDtypeStruct((n_pad, F), jnp.float32))
  scratch = [
      pltpu.VMEM((nbd, K), jnp.int32),
      pltpu.VMEM((K, F), jnp.float32),
      pltpu.VMEM_SHARED((n_pad, F), jnp.float32),
  ]
  return pl.kernel(body, out_type, mesh=_mesh(), scratch_types=scratch)(
      dstd, zeros_f, ones_f)


def _sc_spmm(p_chunks, src4, dst4, zeros_f, n_pad):
  c_total = len(p_chunks)
  assert c_total % NSC == 0
  ch = c_total // NSC
  nb = src4.shape[1]
  np_rows = n_pad // NSUB
  assert zeros_f.shape[0] == np_rows

  def body(*refs):
    p_refs = refs[:c_total]
    src4_h, dst4_h, zeros_h = refs[c_total:c_total + 3]
    u_refs = refs[c_total + 3:2 * c_total + 3]
    srcv, dstv, rows, acc = refs[2 * c_total + 3:]
    cid = lax.axis_index("c")
    sid = lax.axis_index("s")

    def run_chunk(p_h):
      pltpu.sync_copy(src4_h.at[sid], srcv)
      pltpu.sync_copy(dst4_h.at[sid], dstv)

      def batch(j, carry):
        pltpu.sync_copy(p_h.at[srcv.at[j]], rows)
        pltpu.sync_copy(rows, acc.at[dstv.at[j]], add=True)
        return carry

      lax.fori_loop(0, nb, batch, 0)

    def copy_out(u_h):
      pltpu.sync_copy(acc.at[pl.ds(sid * np_rows, np_rows)],
                      u_h.at[pl.ds(sid * np_rows, np_rows)])

    for i in range(ch):
      pltpu.sync_copy(zeros_h, acc.at[pl.ds(sid * np_rows, np_rows)])
      plsc.subcore_barrier()
      pl.when(cid == 0)(functools.partial(run_chunk, p_refs[i]))
      pl.when(cid == 1)(functools.partial(run_chunk, p_refs[ch + i]))
      plsc.subcore_barrier()
      pl.when(cid == 0)(functools.partial(copy_out, u_refs[i]))
      pl.when(cid == 1)(functools.partial(copy_out, u_refs[ch + i]))

  out_type = tuple(jax.ShapeDtypeStruct((n_pad, F), jnp.float32)
                   for _ in range(c_total))
  scratch = [
      pltpu.VMEM((nb, K), jnp.int32),
      pltpu.VMEM((nb, K), jnp.int32),
      pltpu.VMEM((K, F), jnp.float32),
      pltpu.VMEM_SHARED((n_pad, F), jnp.float32),
  ]
  return pl.kernel(body, out_type, mesh=_mesh(), scratch_types=scratch)(
      *p_chunks, src4, dst4, zeros_f)


def _block(bn, d):
  return pl.BlockSpec((bn, d), lambda i: (i, 0))


def _full(shape):
  return pl.BlockSpec(shape, lambda i: tuple(0 for _ in shape))


def _tc_prep(deg0, deg1, x, bn=1000):
  n, d = x.shape
  c = d // F

  def body(d0, d1, xr, dv_r, *p_refs):
    deg = d0[:, 0:1] + d1[:, 0:1] + 1.0
    dv = lax.rsqrt(deg)
    dv_r[...] = dv
    p = xr[...] * dv
    for i in range(c):
      p_refs[i][...] = p[:, i * F:(i + 1) * F]

  out_shape = ([jax.ShapeDtypeStruct((n, 1), jnp.float32)] +
               [jax.ShapeDtypeStruct((n, F), jnp.float32)] * c)
  return pl.pallas_call(
      body, grid=(n // bn,),
      in_specs=[_block(bn, F), _block(bn, F), _block(bn, d)],
      out_specs=[_block(bn, 1)] + [_block(bn, F)] * c,
      out_shape=out_shape)(deg0, deg1, x)


def _tc_layer(dinv, p_chunks, u_chunks, w, b, w_next=None, last_bias=None,
              bn=1000):
  n = dinv.shape[0]
  c_in = len(p_chunks)
  d_out = (w_next.shape[1] if w_next is not None else w.shape[1])
  c_out = d_out // F

  def body(*refs):
    dv_r = refs[0]
    p_refs = refs[1:1 + c_in]
    u_refs = refs[1 + c_in:1 + 2 * c_in]
    idx = 1 + 2 * c_in
    w_r = refs[idx]; idx += 1
    b_r = refs[idx] if b is not None else None
    idx += (b is not None)
    wn_r = refs[idx] if w_next is not None else None
    idx += (w_next is not None)
    lb_r = refs[idx] if last_bias is not None else None
    idx += (last_bias is not None)
    out_refs = refs[idx:]

    dv = dv_r[...]
    acc = None
    for i in range(c_in):
      s = (p_refs[i][...] + u_refs[i][...]) * dv
      part = jnp.dot(s, w_r[i * F:(i + 1) * F, :],
                     preferred_element_type=jnp.float32)
      acc = part if acc is None else acc + part
    if b is not None:
      acc = acc + b_r[...]
      h = jnp.tanh(acc)
    else:
      h = acc
    if w_next is not None:
      h = jnp.dot(h, wn_r[...], preferred_element_type=jnp.float32)
    if last_bias is not None:
      out_refs[0][...] = h + lb_r[...]
    else:
      h = h * dv
      for i in range(c_out):
        out_refs[i][...] = h[:, i * F:(i + 1) * F]

  in_specs = [_block(bn, 1)] + [_block(bn, F)] * (2 * c_in) + [_full(w.shape)]
  args = [dinv] + list(p_chunks) + list(u_chunks) + [w]
  if b is not None:
    in_specs.append(_full(b.shape)); args.append(b)
  if w_next is not None:
    in_specs.append(_full(w_next.shape)); args.append(w_next)
  if last_bias is not None:
    in_specs.append(_full(last_bias.shape)); args.append(last_bias)
    out_specs = [_block(bn, d_out)]
    out_shape = [jax.ShapeDtypeStruct((n, d_out), jnp.float32)]
  else:
    out_specs = [_block(bn, F)] * c_out
    out_shape = [jax.ShapeDtypeStruct((n, F), jnp.float32)] * c_out
  res = pl.pallas_call(body, grid=(n // bn,), in_specs=in_specs,
                       out_specs=out_specs, out_shape=out_shape)(*args)
  return res if last_bias is None else res[0]


def _tc_final(dinv, p_chunks, u_chunks, b, bn=1000):
  n = dinv.shape[0]
  c = len(p_chunks)
  d = c * F

  def body(*refs):
    dv_r = refs[0]
    p_refs = refs[1:1 + c]
    u_refs = refs[1 + c:1 + 2 * c]
    b_r = refs[1 + 2 * c]
    out_r = refs[2 + 2 * c]
    dv = dv_r[...]
    parts = [(p_refs[i][...] + u_refs[i][...]) * dv for i in range(c)]
    out_r[...] = jnp.concatenate(parts, axis=1) + b_r[...]

  in_specs = ([_block(bn, 1)] + [_block(bn, F)] * (2 * c) + [_full(b.shape)])
  return pl.pallas_call(
      body, grid=(n // bn,), in_specs=in_specs,
      out_specs=[_block(bn, d)],
      out_shape=[jax.ShapeDtypeStruct((n, d), jnp.float32)])(
          dinv, *p_chunks, *u_chunks, b)[0]


def kernel(x, edge_index, t, W1, b1, W2, b2, W3, b3):
  n, d_in = x.shape
  e = edge_index.shape[1]
  n_pad = NSUB * 128 * ((n + NSUB * 128 - 1) // (NSUB * 128))
  quantum = NSC * NSUB * K
  e_pad = quantum * ((e + quantum - 1) // quantum)
  ep = e_pad // NSUB
  nb = ep // K
  epd = e_pad // (NSC * NSUB)
  nbd = epd // K

  pad_dst = n + jnp.arange(e_pad - e, dtype=jnp.int32) % (n_pad - n)
  src = jnp.concatenate(
      [edge_index[0], jnp.zeros((e_pad - e,), jnp.int32)])
  dst = jnp.concatenate([edge_index[1], pad_dst])
  src4 = src.reshape(NSUB, nb, K)
  dst4 = dst.reshape(NSUB, nb, K)
  dstd = dst.reshape(NSC * NSUB, nbd, K)

  zeros_f = jnp.zeros((n_pad // NSUB, F), jnp.float32)
  ones_f = jnp.ones((K, F), jnp.float32)

  deg0, deg1 = _sc_degree(dstd, zeros_f, ones_f, n_pad)
  prep = _tc_prep(deg0, deg1, x)
  dinv, p0 = prep[0], tuple(prep[1:])

  u0 = _sc_spmm(p0, src4, dst4, zeros_f, n_pad)
  p1 = _tc_layer(dinv, p0, u0, W1, b1.reshape(1, -1))
  u1 = _sc_spmm(tuple(p1), src4, dst4, zeros_f, n_pad)
  p2 = _tc_layer(dinv, p1, u1, W2, b2.reshape(1, -1), w_next=W3)
  u2 = _sc_spmm(tuple(p2), src4, dst4, zeros_f, n_pad)
  out = _tc_final(dinv, p2, u2, b3.reshape(1, -1))
  return out

# --- scband reference (transcript-rebuilt; emitter-appended) ---
"""Pipeline reference for scband-graph-sdefunc-72078141161483 (READ-ONLY COPY).

The authoritative reference and input builder live on the scoring server;
editing this copy changes nothing except your own understanding.
"""

import jax, jax.numpy as jnp
import numpy as np

N = 10000
D_IN = 256
D_H = 512
E = 160000


def setup_inputs(seed: int = 0) -> dict:
    key = jax.random.key(seed)
    ks = jax.random.split(key, 9)
    x = jax.random.normal(ks[0], (N, D_IN), dtype=jnp.float32)
    edge_index = jax.random.randint(ks[1], (2, E), 0, N, dtype=jnp.int32)
    t = jnp.zeros((1,), dtype=jnp.float32)
    # Drift GCN stack parameters (GCNConv i: weight [in, out], bias [out])
    W1 = jax.random.normal(ks[2], (D_IN, D_H), dtype=jnp.float32) * (1.0 / np.sqrt(D_IN))
    b1 = jnp.zeros((D_H,), dtype=jnp.float32)
    W2 = jax.random.normal(ks[3], (D_H, D_H), dtype=jnp.float32) * (1.0 / np.sqrt(D_H))
    b2 = jnp.zeros((D_H,), dtype=jnp.float32)
    W3 = jax.random.normal(ks[4], (D_H, D_IN), dtype=jnp.float32) * (1.0 / np.sqrt(D_H))
    b3 = jnp.zeros((D_IN,), dtype=jnp.float32)
    return {"x": x, "edge_index": edge_index, "t": t,
            "W1": W1, "b1": b1, "W2": W2, "b2": b2, "W3": W3, "b3": b3}


def _gcn_conv(x, edge_index, W, b):
    # Kipf & Welling GCN: D^{-1/2} (A + I) D^{-1/2} X W + b
    src = edge_index[0]
    dst = edge_index[1]
    loop = jnp.arange(N, dtype=edge_index.dtype)
    src = jnp.concatenate([src, loop])
    dst = jnp.concatenate([dst, loop])
    deg = jnp.zeros((N,), dtype=jnp.float32).at[dst].add(1.0)
    dinv = jax.lax.rsqrt(deg)
    norm = dinv[src] * dinv[dst]
    h = x @ W
    msg = jnp.take(h, src, axis=0) * norm[:, None]
    out = jnp.zeros((N, W.shape[1]), dtype=jnp.float32).at[dst].add(msg)
    return out + b


def reference(x, edge_index, t, W1, b1, W2, b2, W3, b3):
    # Drift function f(t, x): 3-layer GCN with tanh between layers
    # (t is unused by the network itself, matching the torch module).
    h = jnp.tanh(_gcn_conv(x, edge_index, W1, b1))
    h = jnp.tanh(_gcn_conv(h, edge_index, W2, b2))
    h = _gcn_conv(h, edge_index, W3, b3)
    return h

if __name__ == "__main__":
    import jax
    _d = setup_inputs()
    print(jax.jit(kernel)(*tuple(_d.values())))

</pallas_src>

<mosaic_0001>
#map = affine_map<(d0, d1) -> (0, 0)>
#map1 = affine_map<(d0, d1) -> (0, 0, 0)>
module attributes {stable_mosaic.version = 14 : i64} {
  func.func @body(%arg0: i32, %arg1: i32, %arg2: memref<10000x128xf32, #tpu.memory_space<hbm>>, %arg3: memref<10000x128xf32, #tpu.memory_space<hbm>>, %arg4: memref<16x80x125xi32, #tpu.memory_space<hbm>>, %arg5: memref<16x80x125xi32, #tpu.memory_space<hbm>>, %arg6: memref<640x128xf32, #tpu.memory_space<hbm>>, %arg7: memref<10240x128xf32, #tpu.memory_space<hbm>>, %arg8: memref<10240x128xf32, #tpu.memory_space<hbm>>, %arg9: memref<80x125xi32, #tpu.memory_space<vmem>>, %arg10: memref<80x125xi32, #tpu.memory_space<vmem>>, %arg11: memref<125x128xf32, #tpu.memory_space<vmem>>, %arg12: memref<10240x128xf32, #tpu.memory_space<vmem_shared>>) attributes {dimension_semantics = [#tpu.dimension_semantics<core_parallel>, #tpu.dimension_semantics<subcore_parallel>], iteration_bounds = array<i64: 2, 16>, scalar_prefetch = 0 : i64, scratch_operands = 4 : i64, tpu.core_type = #tpu.core_type<sc_vector_subcore>, window_params = [{transform_indices = #map}, {transform_indices = #map}, {transform_indices = #map1}, {transform_indices = #map1}, {transform_indices = #map}, {transform_indices = #map}, {transform_indices = #map}]} {
    %mul3A = arith.constant 640 : i32
    %mul3A_0 = arith.muli %arg1, %mul3A : i32
    "tpu.region"() ({
      %run_scoped3A = tpu.sem_alloc : memref<!tpu.dma_semaphore, #tpu.memory_space<semaphore_mem>>
      %dma_start3A = arith.constant 0 : i32
      %dma_start3A_19 = tpu.memref_slice %arg12[%mul3A_0, %dma_start3A] : memref<10240x128xf32, #tpu.memory_space<vmem_shared>> -> memref<640x128xf32, #tpu.memory_space<vmem_shared>>
      tpu.enqueue_dma source(%arg6 : memref<640x128xf32, #tpu.memory_space<hbm>>) target(%dma_start3A_19 : memref<640x128xf32, #tpu.memory_space<vmem_shared>>) target_semaphore(%run_scoped3A : memref<!tpu.dma_semaphore, #tpu.memory_space<semaphore_mem>>)
      %dma_wait3A = arith.constant 0 : i32
      %dma_wait3A_20 = tpu.memref_slice %arg12[%mul3A_0, %dma_wait3A] : memref<10240x128xf32, #tpu.memory_space<vmem_shared>> -> memref<640x128xf32, #tpu.memory_space<vmem_shared>>
      tpu.wait_dma2 semaphore(%run_scoped3A : memref<!tpu.dma_semaphore, #tpu.memory_space<semaphore_mem>>) src(%arg6 : memref<640x128xf32, #tpu.memory_space<hbm>>) dst(%dma_wait3A_20 : memref<640x128xf32, #tpu.memory_space<vmem_shared>>)
      tpu.yield
    }) : () -> ()
    %barrier3A = arith.constant 0 : index
    tpu.barrier barrier_id(%barrier3A)
    %eq3A = arith.constant 0 : i32
    %eq3A_1 = arith.cmpi eq, %arg0, %eq3A : i32
    %convert_element_type3A = arith.extui %eq3A_1 : i1 to i32
    %cond3A = arith.constant 0 : i32
    %cond3A_2 = arith.cmpi ne, %convert_element_type3A, %cond3A : i32
    scf.if %cond3A_2 {
      "tpu.region"() ({
        %run_scoped3A = tpu.sem_alloc : memref<!tpu.dma_semaphore, #tpu.memory_space<semaphore_mem>>
        %dma_start3A = arith.constant 0 : i32
        %dma_start3A_24 = arith.constant 0 : i32
        %dma_start3A_25 = tpu.memref_slice %arg4[%arg1, %dma_start3A, %dma_start3A_24] : memref<16x80x125xi32, #tpu.memory_space<hbm>> -> memref<1x80x125xi32, #tpu.memory_space<hbm>>
        %dma_start3A_26 = tpu.memref_squeeze %dma_start3A_25 : memref<1x80x125xi32, #tpu.memory_space<hbm>> -> memref<80x125xi32, #tpu.memory_space<hbm>>
        %dma_start3A_27 = arith.constant 0 : i32
        %dma_start3A_28 = arith.constant 0 : i32
        %dma_start3A_29 = tpu.memref_slice %arg4[%arg1, %dma_start3A_27, %dma_start3A_28] : memref<16x80x125xi32, #tpu.memory_space<hbm>> -> memref<1x80x125xi32, #tpu.memory_space<hbm>>
        %dma_start3A_30 = tpu.memref_squeeze %dma_start3A_29 : memref<1x80x125xi32, #tpu.memory_space<hbm>> -> memref<80x125xi32, #tpu.memory_space<hbm>>
        tpu.enqueue_dma source(%dma_start3A_30 : memref<80x125xi32, #tpu.memory_space<hbm>>) target(%arg9 : memref<80x125xi32, #tpu.memory_space<vmem>>) target_semaphore(%run_scoped3A : memref<!tpu.dma_semaphore, #tpu.memory_space<semaphore_mem>>)
        %dma_wait3A = arith.constant 0 : i32
        %dma_wait3A_31 = arith.constant 0 : i32
        %dma_wait3A_32 = tpu.memref_slice %arg4[%arg1, %dma_wait3A, %dma_wait3A_31] : memref<16x80x125xi32, #tpu.memory_space<hbm>> -> memref<1x80x125xi32, #tpu.memory_space<hbm>>
        %dma_wait3A_33 = tpu.memref_squeeze %dma_wait3A_32 : memref<1x80x125xi32, #tpu.memory_space<hbm>> -> memref<80x125xi32, #tpu.memory_space<hbm>>
        %dma_wait3A_34 = arith.constant 0 : i32
        %dma_wait3A_35 = arith.constant 0 : i32
        %dma_wait3A_36 = tpu.memref_slice %arg4[%arg1, %dma_wait3A_34, %dma_wait3A_35] : memref<16x80x125xi32, #tpu.memory_space<hbm>> -> memref<1x80x125xi32, #tpu.memory_space<hbm>>
        %dma_wait3A_37 = tpu.memref_squeeze %dma_wait3A_36 : memref<1x80x125xi32, #tpu.memory_space<hbm>> -> memref<80x125xi32, #tpu.memory_space<hbm>>
        tpu.wait_dma2 semaphore(%run_scoped3A : memref<!tpu.dma_semaphore, #tpu.memory_space<semaphore_mem>>) src(%dma_wait3A_37 : memref<80x125xi32, #tpu.memory_space<hbm>>) dst(%arg9 : memref<80x125xi32, #tpu.memory_space<vmem>>)
        tpu.yield
      }) : () -> ()
      "tpu.region"() ({
        %run_scoped3A = tpu.sem_alloc : memref<!tpu.dma_semaphore, #tpu.memory_space<semaphore_mem>>
        %dma_start3A = arith.constant 0 : i32
        %dma_start3A_24 = arith.constant 0 : i32
        %dma_start3A_25 = tpu.memref_slice %arg5[%arg1, %dma_start3A, %dma_start3A_24] : memref<16x80x125xi32, #tpu.memory_space<hbm>> -> memref<1x80x125xi32, #tpu.memory_space<hbm>>
        %dma_start3A_26 = tpu.memref_squeeze %dma_start3A_25 : memref<1x80x125xi32, #tpu.memory_space<hbm>> -> memref<80x125xi32, #tpu.memory_space<hbm>>
        %dma_start3A_27 = arith.constant 0 : i32
        %dma_start3A_28 = arith.constant 0 : i32
        %dma_start3A_29 = tpu.memref_slice %arg5[%arg1, %dma_start3A_27, %dma_start3A_28] : memref<16x80x125xi32, #tpu.memory_space<hbm>> -> memref<1x80x125xi32, #tpu.memory_space<hbm>>
        %dma_start3A_30 = tpu.memref_squeeze %dma_start3A_29 : memref<1x80x125xi32, #tpu.memory_space<hbm>> -> memref<80x125xi32, #tpu.memory_space<hbm>>
        tpu.enqueue_dma source(%dma_start3A_30 : memref<80x125xi32, #tpu.memory_space<hbm>>) target(%arg10 : memref<80x125xi32, #tpu.memory_space<vmem>>) target_semaphore(%run_scoped3A : memref<!tpu.dma_semaphore, #tpu.memory_space<semaphore_mem>>)
        %dma_wait3A = arith.constant 0 : i32
        %dma_wait3A_31 = arith.constant 0 : i32
        %dma_wait3A_32 = tpu.memref_slice %arg5[%arg1, %dma_wait3A, %dma_wait3A_31] : memref<16x80x125xi32, #tpu.memory_space<hbm>> -> memref<1x80x125xi32, #tpu.memory_space<hbm>>
        %dma_wait3A_33 = tpu.memref_squeeze %dma_wait3A_32 : memref<1x80x125xi32, #tpu.memory_space<hbm>> -> memref<80x125xi32, #tpu.memory_space<hbm>>
        %dma_wait3A_34 = arith.constant 0 : i32
        %dma_wait3A_35 = arith.constant 0 : i32
        %dma_wait3A_36 = tpu.memref_slice %arg5[%arg1, %dma_wait3A_34, %dma_wait3A_35] : memref<16x80x125xi32, #tpu.memory_space<hbm>> -> memref<1x80x125xi32, #tpu.memory_space<hbm>>
        %dma_wait3A_37 = tpu.memref_squeeze %dma_wait3A_36 : memref<1x80x125xi32, #tpu.memory_space<hbm>> -> memref<80x125xi32, #tpu.memory_space<hbm>>
        tpu.wait_dma2 semaphore(%run_scoped3A : memref<!tpu.dma_semaphore, #tpu.memory_space<semaphore_mem>>) src(%dma_wait3A_37 : memref<80x125xi32, #tpu.memory_space<hbm>>) dst(%arg10 : memref<80x125xi32, #tpu.memory_space<vmem>>)
        tpu.yield
      }) : () -> ()
      %scan3A = arith.constant 0 : i32
      %scan3A_19 = arith.constant 0 : i32
      %scan3A_20 = arith.constant 80 : i32
      %scan3A_21 = arith.addi %scan3A_19, %scan3A_20 : i32
      %scan3A_22 = arith.constant 1 : i32
      scf.for %scan3A_24 = %scan3A_19 to %scan3A_21 step %scan3A_22  : i32 {
        "tpu.region"() ({
          %run_scoped3A = tpu.sem_alloc : memref<!tpu.dma_semaphore, #tpu.memory_space<semaphore_mem>>
          %dma_start3A = arith.constant 0 : i32
          %dma_start3A_25 = tpu.memref_slice %arg9[%scan3A_24, %dma_start3A] : memref<80x125xi32, #tpu.memory_space<vmem>> -> memref<1x125xi32, #tpu.memory_space<vmem>>
          %dma_start3A_26 = tpu.memref_squeeze %dma_start3A_25 : memref<1x125xi32, #tpu.memory_space<vmem>> -> memref<125xi32, #tpu.memory_space<vmem>>
          %dma_start3A_27 = arith.constant 0 : i32
          %dma_start3A_28 = arith.constant 0 : i32
          %dma_start3A_29 = tpu.memref_slice %arg2[%dma_start3A_27, %dma_start3A_28] : memref<10000x128xf32, #tpu.memory_space<hbm>> -> memref<10000x128xf32, #tpu.memory_space<hbm>>
          tpu.enqueue_indirect_dma source(%dma_start3A_29 : memref<10000x128xf32, #tpu.memory_space<hbm>>) target(%arg11 : memref<125x128xf32, #tpu.memory_space<vmem>>) offsets(%dma_start3A_26 : memref<125xi32, #tpu.memory_space<vmem>>) semaphore(%run_scoped3A : memref<!tpu.dma_semaphore, #tpu.memory_space<semaphore_mem>>)
          %dma_wait3A = arith.constant 0 : i32
          %dma_wait3A_30 = tpu.memref_slice %arg9[%scan3A_24, %dma_wait3A] : memref<80x125xi32, #tpu.memory_space<vmem>> -> memref<1x125xi32, #tpu.memory_space<vmem>>
          %dma_wait3A_31 = tpu.memref_squeeze %dma_wait3A_30 : memref<1x125xi32, #tpu.memory_space<vmem>> -> memref<125xi32, #tpu.memory_space<vmem>>
          %dma_wait3A_32 = arith.constant 0 : i32
          %dma_wait3A_33 = arith.constant 0 : i32
          %dma_wait3A_34 = tpu.memref_slice %arg2[%dma_wait3A_32, %dma_wait3A_33] : memref<10000x128xf32, #tpu.memory_space<hbm>> -> memref<10000x128xf32, #tpu.memory_space<hbm>>
          tpu.wait_indirect_dma semaphore(%run_scoped3A : memref<!tpu.dma_semaphore, #tpu.memory_space<semaphore_mem>>) src(%dma_wait3A_34 : memref<10000x128xf32, #tpu.memory_space<hbm>>) dst(%arg11 : memref<125x128xf32, #tpu.memory_space<vmem>>)
          tpu.yield
        }) : () -> ()
        "tpu.region"() ({
          %run_scoped3A = tpu.sem_alloc : memref<!tpu.dma_semaphore, #tpu.memory_space<semaphore_mem>>
          %dma_start3A = arith.constant 0 : i32
          %dma_start3A_25 = tpu.memref_slice %arg10[%scan3A_24, %dma_start3A] : memref<80x125xi32, #tpu.memory_space<vmem>> -> memref<1x125xi32, #tpu.memory_space<vmem>>
          %dma_start3A_26 = tpu.memref_squeeze %dma_start3A_25 : memref<1x125xi32, #tpu.memory_space<vmem>> -> memref<125xi32, #tpu.memory_space<vmem>>
          %dma_start3A_27 = arith.constant 0 : i32
          %dma_start3A_28 = arith.constant 0 : i32
          %dma_start3A_29 = tpu.memref_slice %arg12[%dma_start3A_27, %dma_start3A_28] : memref<10240x128xf32, #tpu.memory_space<vmem_shared>> -> memref<10240x128xf32, #tpu.memory_space<vmem_shared>>
          tpu.enqueue_indirect_dma source(%arg11 : memref<125x128xf32, #tpu.memory_space<vmem>>) target(%dma_start3A_29 : memref<10240x128xf32, #tpu.memory_space<vmem_shared>>) offsets(%dma_start3A_26 : memref<125xi32, #tpu.memory_space<vmem>>) semaphore(%run_scoped3A : memref<!tpu.dma_semaphore, #tpu.memory_space<semaphore_mem>>) {add = true}
          %dma_wait3A = arith.constant 0 : i32
          %dma_wait3A_30 = tpu.memref_slice %arg10[%scan3A_24, %dma_wait3A] : memref<80x125xi32, #tpu.memory_space<vmem>> -> memref<1x125xi32, #tpu.memory_space<vmem>>
          %dma_wait3A_31 = tpu.memref_squeeze %dma_wait3A_30 : memref<1x125xi32, #tpu.memory_space<vmem>> -> memref<125xi32, #tpu.memory_space<vmem>>
          %dma_wait3A_32 = arith.constant 0 : i32
          %dma_wait3A_33 = arith.constant 0 : i32
          %dma_wait3A_34 = tpu.memref_slice %arg12[%dma_wait3A_32, %dma_wait3A_33] : memref<10240x128xf32, #tpu.memory_space<vmem_shared>> -> memref<10240x128xf32, #tpu.memory_space<vmem_shared>>
          tpu.wait_indirect_dma semaphore(%run_scoped3A : memref<!tpu.dma_semaphore, #tpu.memory_space<semaphore_mem>>) src(%arg11 : memref<125x128xf32, #tpu.memory_space<vmem>>) dst(%dma_wait3A_34 : memref<10240x128xf32, #tpu.memory_space<vmem_shared>>)
          tpu.yield
        }) : () -> ()
      }
      %scan3A_23 = arith.constant 80 : i32
    } else {
    }
    %eq3A_3 = arith.constant 1 : i32
    %eq3A_4 = arith.cmpi eq, %arg0, %eq3A_3 : i32
    %convert_element_type3A_5 = arith.extui %eq3A_4 : i1 to i32
    %cond3A_6 = arith.constant 0 : i32
    %cond3A_7 = arith.cmpi ne, %convert_element_type3A_5, %cond3A_6 : i32
    scf.if %cond3A_7 {
      "tpu.region"() ({
        %run_scoped3A = tpu.sem_alloc : memref<!tpu.dma_semaphore, #tpu.memory_space<semaphore_mem>>
        %dma_start3A = arith.constant 0 : i32
        %dma_start3A_24 = arith.constant 0 : i32
        %dma_start3A_25 = tpu.memref_slice %arg4[%arg1, %dma_start3A, %dma_start3A_24] : memref<16x80x125xi32, #tpu.memory_space<hbm>> -> memref<1x80x125xi32, #tpu.memory_space<hbm>>
        %dma_start3A_26 = tpu.memref_squeeze %dma_start3A_25 : memref<1x80x125xi32, #tpu.memory_space<hbm>> -> memref<80x125xi32, #tpu.memory_space<hbm>>
        %dma_start3A_27 = arith.constant 0 : i32
        %dma_start3A_28 = arith.constant 0 : i32
        %dma_start3A_29 = tpu.memref_slice %arg4[%arg1, %dma_start3A_27, %dma_start3A_28] : memref<16x80x125xi32, #tpu.memory_space<hbm>> -> memref<1x80x125xi32, #tpu.memory_space<hbm>>
        %dma_start3A_30 = tpu.memref_squeeze %dma_start3A_29 : memref<1x80x125xi32, #tpu.memory_space<hbm>> -> memref<80x125xi32, #tpu.memory_space<hbm>>
        tpu.enqueue_dma source(%dma_start3A_30 : memref<80x125xi32, #tpu.memory_space<hbm>>) target(%arg9 : memref<80x125xi32, #tpu.memory_space<vmem>>) target_semaphore(%run_scoped3A : memref<!tpu.dma_semaphore, #tpu.memory_space<semaphore_mem>>)
        %dma_wait3A = arith.constant 0 : i32
        %dma_wait3A_31 = arith.constant 0 : i32
        %dma_wait3A_32 = tpu.memref_slice %arg4[%arg1, %dma_wait3A, %dma_wait3A_31] : memref<16x80x125xi32, #tpu.memory_space<hbm>> -> memref<1x80x125xi32, #tpu.memory_space<hbm>>
        %dma_wait3A_33 = tpu.memref_squeeze %dma_wait3A_32 : memref<1x80x125xi32, #tpu.memory_space<hbm>> -> memref<80x125xi32, #tpu.memory_space<hbm>>
        %dma_wait3A_34 = arith.constant 0 : i32
        %dma_wait3A_35 = arith.constant 0 : i32
        %dma_wait3A_36 = tpu.memref_slice %arg4[%arg1, %dma_wait3A_34, %dma_wait3A_35] : memref<16x80x125xi32, #tpu.memory_space<hbm>> -> memref<1x80x125xi32, #tpu.memory_space<hbm>>
        %dma_wait3A_37 = tpu.memref_squeeze %dma_wait3A_36 : memref<1x80x125xi32, #tpu.memory_space<hbm>> -> memref<80x125xi32, #tpu.memory_space<hbm>>
        tpu.wait_dma2 semaphore(%run_scoped3A : memref<!tpu.dma_semaphore, #tpu.memory_space<semaphore_mem>>) src(%dma_wait3A_37 : memref<80x125xi32, #tpu.memory_space<hbm>>) dst(%arg9 : memref<80x125xi32, #tpu.memory_space<vmem>>)
        tpu.yield
      }) : () -> ()
      "tpu.region"() ({
        %run_scoped3A = tpu.sem_alloc : memref<!tpu.dma_semaphore, #tpu.memory_space<semaphore_mem>>
        %dma_start3A = arith.constant 0 : i32
        %dma_start3A_24 = arith.constant 0 : i32
        %dma_start3A_25 = tpu.memref_slice %arg5[%arg1, %dma_start3A, %dma_start3A_24] : memref<16x80x125xi32, #tpu.memory_space<hbm>> -> memref<1x80x125xi32, #tpu.memory_space<hbm>>
        %dma_start3A_26 = tpu.memref_squeeze %dma_start3A_25 : memref<1x80x125xi32, #tpu.memory_space<hbm>> -> memref<80x125xi32, #tpu.memory_space<hbm>>
        %dma_start3A_27 = arith.constant 0 : i32
        %dma_start3A_28 = arith.constant 0 : i32
        %dma_start3A_29 = tpu.memref_slice %arg5[%arg1, %dma_start3A_27, %dma_start3A_28] : memref<16x80x125xi32, #tpu.memory_space<hbm>> -> memref<1x80x125xi32, #tpu.memory_space<hbm>>
        %dma_start3A_30 = tpu.memref_squeeze %dma_start3A_29 : memref<1x80x125xi32, #tpu.memory_space<hbm>> -> memref<80x125xi32, #tpu.memory_space<hbm>>
        tpu.enqueue_dma source(%dma_start3A_30 : memref<80x125xi32, #tpu.memory_space<hbm>>) target(%arg10 : memref<80x125xi32, #tpu.memory_space<vmem>>) target_semaphore(%run_scoped3A : memref<!tpu.dma_semaphore, #tpu.memory_space<semaphore_mem>>)
        %dma_wait3A = arith.constant 0 : i32
        %dma_wait3A_31 = arith.constant 0 : i32
        %dma_wait3A_32 = tpu.memref_slice %arg5[%arg1, %dma_wait3A, %dma_wait3A_31] : memref<16x80x125xi32, #tpu.memory_space<hbm>> -> memref<1x80x125xi32, #tpu.memory_space<hbm>>
        %dma_wait3A_33 = tpu.memref_squeeze %dma_wait3A_32 : memref<1x80x125xi32, #tpu.memory_space<hbm>> -> memref<80x125xi32, #tpu.memory_space<hbm>>
        %dma_wait3A_34 = arith.constant 0 : i32
        %dma_wait3A_35 = arith.constant 0 : i32
        %dma_wait3A_36 = tpu.memref_slice %arg5[%arg1, %dma_wait3A_34, %dma_wait3A_35] : memref<16x80x125xi32, #tpu.memory_space<hbm>> -> memref<1x80x125xi32, #tpu.memory_space<hbm>>
        %dma_wait3A_37 = tpu.memref_squeeze %dma_wait3A_36 : memref<1x80x125xi32, #tpu.memory_space<hbm>> -> memref<80x125xi32, #tpu.memory_space<hbm>>
        tpu.wait_dma2 semaphore(%run_scoped3A : memref<!tpu.dma_semaphore, #tpu.memory_space<semaphore_mem>>) src(%dma_wait3A_37 : memref<80x125xi32, #tpu.memory_space<hbm>>) dst(%arg10 : memref<80x125xi32, #tpu.memory_space<vmem>>)
        tpu.yield
      }) : () -> ()
      %scan3A = arith.constant 0 : i32
      %scan3A_19 = arith.constant 0 : i32
      %scan3A_20 = arith.constant 80 : i32
      %scan3A_21 = arith.addi %scan3A_19, %scan3A_20 : i32
      %scan3A_22 = arith.constant 1 : i32
      scf.for %scan3A_24 = %scan3A_19 to %scan3A_21 step %scan3A_22  : i32 {
        "tpu.region"() ({
          %run_scoped3A = tpu.sem_alloc : memref<!tpu.dma_semaphore, #tpu.memory_space<semaphore_mem>>
          %dma_start3A = arith.constant 0 : i32
          %dma_start3A_25 = tpu.memref_slice %arg9[%scan3A_24, %dma_start3A] : memref<80x125xi32, #tpu.memory_space<vmem>> -> memref<1x125xi32, #tpu.memory_space<vmem>>
          %dma_start3A_26 = tpu.memref_squeeze %dma_start3A_25 : memref<1x125xi32, #tpu.memory_space<vmem>> -> memref<125xi32, #tpu.memory_space<vmem>>
          %dma_start3A_27 = arith.constant 0 : i32
          %dma_start3A_28 = arith.constant 0 : i32
          %dma_start3A_29 = tpu.memref_slice %arg3[%dma_start3A_27, %dma_start3A_28] : memref<10000x128xf32, #tpu.memory_space<hbm>> -> memref<10000x128xf32, #tpu.memory_space<hbm>>
          tpu.enqueue_indirect_dma source(%dma_start3A_29 : memref<10000x128xf32, #tpu.memory_space<hbm>>) target(%arg11 : memref<125x128xf32, #tpu.memory_space<vmem>>) offsets(%dma_start3A_26 : memref<125xi32, #tpu.memory_space<vmem>>) semaphore(%run_scoped3A : memref<!tpu.dma_semaphore, #tpu.memory_space<semaphore_mem>>)
          %dma_wait3A = arith.constant 0 : i32
          %dma_wait3A_30 = tpu.memref_slice %arg9[%scan3A_24, %dma_wait3A] : memref<80x125xi32, #tpu.memory_space<vmem>> -> memref<1x125xi32, #tpu.memory_space<vmem>>
          %dma_wait3A_31 = tpu.memref_squeeze %dma_wait3A_30 : memref<1x125xi32, #tpu.memory_space<vmem>> -> memref<125xi32, #tpu.memory_space<vmem>>
          %dma_wait3A_32 = arith.constant 0 : i32
          %dma_wait3A_33 = arith.constant 0 : i32
          %dma_wait3A_34 = tpu.memref_slice %arg3[%dma_wait3A_32, %dma_wait3A_33] : memref<10000x128xf32, #tpu.memory_space<hbm>> -> memref<10000x128xf32, #tpu.memory_space<hbm>>
          tpu.wait_indirect_dma semaphore(%run_scoped3A : memref<!tpu.dma_semaphore, #tpu.memory_space<semaphore_mem>>) src(%dma_wait3A_34 : memref<10000x128xf32, #tpu.memory_space<hbm>>) dst(%arg11 : memref<125x128xf32, #tpu.memory_space<vmem>>)
          tpu.yield
        }) : () -> ()
        "tpu.region"() ({
          %run_scoped3A = tpu.sem_alloc : memref<!tpu.dma_semaphore, #tpu.memory_space<semaphore_mem>>
          %dma_start3A = arith.constant 0 : i32
          %dma_start3A_25 = tpu.memref_slice %arg10[%scan3A_24, %dma_start3A] : memref<80x125xi32, #tpu.memory_space<vmem>> -> memref<1x125xi32, #tpu.memory_space<vmem>>
          %dma_start3A_26 = tpu.memref_squeeze %dma_start3A_25 : memref<1x125xi32, #tpu.memory_space<vmem>> -> memref<125xi32, #tpu.memory_space<vmem>>
          %dma_start3A_27 = arith.constant 0 : i32
          %dma_start3A_28 = arith.constant 0 : i32
          %dma_start3A_29 = tpu.memref_slice %arg12[%dma_start3A_27, %dma_start3A_28] : memref<10240x128xf32, #tpu.memory_space<vmem_shared>> -> memref<10240x128xf32, #tpu.memory_space<vmem_shared>>
          tpu.enqueue_indirect_dma source(%arg11 : memref<125x128xf32, #tpu.memory_space<vmem>>) target(%dma_start3A_29 : memref<10240x128xf32, #tpu.memory_space<vmem_shared>>) offsets(%dma_start3A_26 : memref<125xi32, #tpu.memory_space<vmem>>) semaphore(%run_scoped3A : memref<!tpu.dma_semaphore, #tpu.memory_space<semaphore_mem>>) {add = true}
          %dma_wait3A = arith.constant 0 : i32
          %dma_wait3A_30 = tpu.memref_slice %arg10[%scan3A_24, %dma_wait3A] : memref<80x125xi32, #tpu.memory_space<vmem>> -> memref<1x125xi32, #tpu.memory_space<vmem>>
          %dma_wait3A_31 = tpu.memref_squeeze %dma_wait3A_30 : memref<1x125xi32, #tpu.memory_space<vmem>> -> memref<125xi32, #tpu.memory_space<vmem>>
          %dma_wait3A_32 = arith.constant 0 : i32
          %dma_wait3A_33 = arith.constant 0 : i32
          %dma_wait3A_34 = tpu.memref_slice %arg12[%dma_wait3A_32, %dma_wait3A_33] : memref<10240x128xf32, #tpu.memory_space<vmem_shared>> -> memref<10240x128xf32, #tpu.memory_space<vmem_shared>>
          tpu.wait_indirect_dma semaphore(%run_scoped3A : memref<!tpu.dma_semaphore, #tpu.memory_space<semaphore_mem>>) src(%arg11 : memref<125x128xf32, #tpu.memory_space<vmem>>) dst(%dma_wait3A_34 : memref<10240x128xf32, #tpu.memory_space<vmem_shared>>)
          tpu.yield
        }) : () -> ()
      }
      %scan3A_23 = arith.constant 80 : i32
    } else {
    }
    %barrier3A_8 = arith.constant 0 : index
    tpu.barrier barrier_id(%barrier3A_8)
    %eq3A_9 = arith.constant 0 : i32
    %eq3A_10 = arith.cmpi eq, %arg0, %eq3A_9 : i32
    %convert_element_type3A_11 = arith.extui %eq3A_10 : i1 to i32
    %cond3A_12 = arith.constant 0 : i32
    %cond3A_13 = arith.cmpi ne, %convert_element_type3A_11, %cond3A_12 : i32
    scf.if %cond3A_13 {
      %mul3A_19 = arith.constant 640 : i32
      %mul3A_20 = arith.muli %arg1, %mul3A_19 : i32
      %mul3A_21 = arith.constant 640 : i32
      %mul3A_22 = arith.muli %arg1, %mul3A_21 : i32
      "tpu.region"() ({
        %run_scoped3A = tpu.sem_alloc : memref<!tpu.dma_semaphore, #tpu.memory_space<semaphore_mem>>
        %dma_start3A = arith.constant 0 : i32
        %dma_start3A_23 = tpu.memref_slice %arg7[%mul3A_22, %dma_start3A] : memref<10240x128xf32, #tpu.memory_space<hbm>> -> memref<640x128xf32, #tpu.memory_space<hbm>>
        %dma_start3A_24 = arith.constant 0 : i32
        %dma_start3A_25 = tpu.memref_slice %arg12[%mul3A_20, %dma_start3A_24] : memref<10240x128xf32, #tpu.memory_space<vmem_shared>> -> memref<640x128xf32, #tpu.memory_space<vmem_shared>>
        tpu.enqueue_dma source(%dma_start3A_25 : memref<640x128xf32, #tpu.memory_space<vmem_shared>>) target(%dma_start3A_23 : memref<640x128xf32, #tpu.memory_space<hbm>>) target_semaphore(%run_scoped3A : memref<!tpu.dma_semaphore, #tpu.memory_space<semaphore_mem>>)
        %dma_wait3A = arith.constant 0 : i32
        %dma_wait3A_26 = tpu.memref_slice %arg7[%mul3A_22, %dma_wait3A] : memref<10240x128xf32, #tpu.memory_space<hbm>> -> memref<640x128xf32, #tpu.memory_space<hbm>>
        %dma_wait3A_27 = arith.constant 0 : i32
        %dma_wait3A_28 = tpu.memref_slice %arg12[%mul3A_20, %dma_wait3A_27] : memref<10240x128xf32, #tpu.memory_space<vmem_shared>> -> memref<640x128xf32, #tpu.memory_space<vmem_shared>>
        tpu.wait_dma2 semaphore(%run_scoped3A : memref<!tpu.dma_semaphore, #tpu.memory_space<semaphore_mem>>) src(%dma_wait3A_28 : memref<640x128xf32, #tpu.memory_space<vmem_shared>>) dst(%dma_wait3A_26 : memref<640x128xf32, #tpu.memory_space<hbm>>)
        tpu.yield
      }) : () -> ()
    } else {
    }
    %eq3A_14 = arith.constant 1 : i32
    %eq3A_15 = arith.cmpi eq, %arg0, %eq3A_14 : i32
    %convert_element_type3A_16 = arith.extui %eq3A_15 : i1 to i32
    %cond3A_17 = arith.constant 0 : i32
    %cond3A_18 = arith.cmpi ne, %convert_element_type3A_16, %cond3A_17 : i32
    scf.if %cond3A_18 {
      %mul3A_19 = arith.constant 640 : i32
      %mul3A_20 = arith.muli %arg1, %mul3A_19 : i32
      %mul3A_21 = arith.constant 640 : i32
      %mul3A_22 = arith.muli %arg1, %mul3A_21 : i32
      "tpu.region"() ({
        %run_scoped3A = tpu.sem_alloc : memref<!tpu.dma_semaphore, #tpu.memory_space<semaphore_mem>>
        %dma_start3A = arith.constant 0 : i32
        %dma_start3A_23 = tpu.memref_slice %arg8[%mul3A_22, %dma_start3A] : memref<10240x128xf32, #tpu.memory_space<hbm>> -> memref<640x128xf32, #tpu.memory_space<hbm>>
        %dma_start3A_24 = arith.constant 0 : i32
        %dma_start3A_25 = tpu.memref_slice %arg12[%mul3A_20, %dma_start3A_24] : memref<10240x128xf32, #tpu.memory_space<vmem_shared>> -> memref<640x128xf32, #tpu.memory_space<vmem_shared>>
        tpu.enqueue_dma source(%dma_start3A_25 : memref<640x128xf32, #tpu.memory_space<vmem_shared>>) target(%dma_start3A_23 : memref<640x128xf32, #tpu.memory_space<hbm>>) target_semaphore(%run_scoped3A : memref<!tpu.dma_semaphore, #tpu.memory_space<semaphore_mem>>)
        %dma_wait3A = arith.constant 0 : i32
        %dma_wait3A_26 = tpu.memref_slice %arg8[%mul3A_22, %dma_wait3A] : memref<10240x128xf32, #tpu.memory_space<hbm>> -> memref<640x128xf32, #tpu.memory_space<hbm>>
        %dma_wait3A_27 = arith.constant 0 : i32
        %dma_wait3A_28 = tpu.memref_slice %arg12[%mul3A_20, %dma_wait3A_27] : memref<10240x128xf32, #tpu.memory_space<vmem_shared>> -> memref<640x128xf32, #tpu.memory_space<vmem_shared>>
        tpu.wait_dma2 semaphore(%run_scoped3A : memref<!tpu.dma_semaphore, #tpu.memory_space<semaphore_mem>>) src(%dma_wait3A_28 : memref<640x128xf32, #tpu.memory_space<vmem_shared>>) dst(%dma_wait3A_26 : memref<640x128xf32, #tpu.memory_space<hbm>>)
        tpu.yield
      }) : () -> ()
    } else {
    }
    return
  }
}

#map = affine_map<(d0, d1) -> (0, 0, 0)>
#map1 = affine_map<(d0, d1) -> (0, 0)>
module attributes {stable_mosaic.version = 14 : i64} {
  func.func @body(%arg0: i32, %arg1: i32, %arg2: memref<32x40x125xi32, #tpu.memory_space<hbm>>, %arg3: memref<640x128xf32, #tpu.memory_space<hbm>>, %arg4: memref<125x128xf32, #tpu.memory_space<hbm>>, %arg5: memref<10240x128xf32, #tpu.memory_space<hbm>>, %arg6: memref<10240x128xf32, #tpu.memory_space<hbm>>, %arg7: memref<40x125xi32, #tpu.memory_space<vmem>>, %arg8: memref<125x128xf32, #tpu.memory_space<vmem>>, %arg9: memref<10240x128xf32, #tpu.memory_space<vmem_shared>>) attributes {dimension_semantics = [#tpu.dimension_semantics<core_parallel>, #tpu.dimension_semantics<subcore_parallel>], iteration_bounds = array<i64: 2, 16>, scalar_prefetch = 0 : i64, scratch_operands = 3 : i64, tpu.core_type = #tpu.core_type<sc_vector_subcore>, window_params = [{transform_indices = #map}, {transform_indices = #map1}, {transform_indices = #map1}, {transform_indices = #map1}, {transform_indices = #map1}]} {
    %mul3A = arith.constant 16 : i32
    %mul3A_0 = arith.muli %arg0, %mul3A : i32
    %add3A = arith.addi %mul3A_0, %arg1 : i32
    "tpu.region"() ({
      %run_scoped3A = tpu.sem_alloc : memref<!tpu.dma_semaphore, #tpu.memory_space<semaphore_mem>>
      %dma_start3A = arith.constant 0 : i32
      %dma_start3A_16 = arith.constant 0 : i32
      %dma_start3A_17 = tpu.memref_slice %arg2[%add3A, %dma_start3A, %dma_start3A_16] : memref<32x40x125xi32, #tpu.memory_space<hbm>> -> memref<1x40x125xi32, #tpu.memory_space<hbm>>
      %dma_start3A_18 = tpu.memref_squeeze %dma_start3A_17 : memref<1x40x125xi32, #tpu.memory_space<hbm>> -> memref<40x125xi32, #tpu.memory_space<hbm>>
      %dma_start3A_19 = arith.constant 0 : i32
      %dma_start3A_20 = arith.constant 0 : i32
      %dma_start3A_21 = tpu.memref_slice %arg2[%add3A, %dma_start3A_19, %dma_start3A_20] : memref<32x40x125xi32, #tpu.memory_space<hbm>> -> memref<1x40x125xi32, #tpu.memory_space<hbm>>
      %dma_start3A_22 = tpu.memref_squeeze %dma_start3A_21 : memref<1x40x125xi32, #tpu.memory_space<hbm>> -> memref<40x125xi32, #tpu.memory_space<hbm>>
      tpu.enqueue_dma source(%dma_start3A_22 : memref<40x125xi32, #tpu.memory_space<hbm>>) target(%arg7 : memref<40x125xi32, #tpu.memory_space<vmem>>) target_semaphore(%run_scoped3A : memref<!tpu.dma_semaphore, #tpu.memory_space<semaphore_mem>>)
      %dma_wait3A = arith.constant 0 : i32
      %dma_wait3A_23 = arith.constant 0 : i32
      %dma_wait3A_24 = tpu.memref_slice %arg2[%add3A, %dma_wait3A, %dma_wait3A_23] : memref<32x40x125xi32, #tpu.memory_space<hbm>> -> memref<1x40x125xi32, #tpu.memory_space<hbm>>
      %dma_wait3A_25 = tpu.memref_squeeze %dma_wait3A_24 : memref<1x40x125xi32, #tpu.memory_space<hbm>> -> memref<40x125xi32, #tpu.memory_space<hbm>>
      %dma_wait3A_26 = arith.constant 0 : i32
      %dma_wait3A_27 = arith.constant 0 : i32
      %dma_wait3A_28 = tpu.memref_slice %arg2[%add3A, %dma_wait3A_26, %dma_wait3A_27] : memref<32x40x125xi32, #tpu.memory_space<hbm>> -> memref<1x40x125xi32, #tpu.memory_space<hbm>>
      %dma_wait3A_29 = tpu.memref_squeeze %dma_wait3A_28 : memref<1x40x125xi32, #tpu.memory_space<hbm>> -> memref<40x125xi32, #tpu.memory_space<hbm>>
      tpu.wait_dma2 semaphore(%run_scoped3A : memref<!tpu.dma_semaphore, #tpu.memory_space<semaphore_mem>>) src(%dma_wait3A_29 : memref<40x125xi32, #tpu.memory_space<hbm>>) dst(%arg7 : memref<40x125xi32, #tpu.memory_space<vmem>>)
      tpu.yield
    }) : () -> ()
    "tpu.region"() ({
      %run_scoped3A = tpu.sem_alloc : memref<!tpu.dma_semaphore, #tpu.memory_space<semaphore_mem>>
      tpu.enqueue_dma source(%arg4 : memref<125x128xf32, #tpu.memory_space<hbm>>) target(%arg8 : memref<125x128xf32, #tpu.memory_space<vmem>>) target_semaphore(%run_scoped3A : memref<!tpu.dma_semaphore, #tpu.memory_space<semaphore_mem>>)
      tpu.wait_dma2 semaphore(%run_scoped3A : memref<!tpu.dma_semaphore, #tpu.memory_space<semaphore_mem>>) src(%arg4 : memref<125x128xf32, #tpu.memory_space<hbm>>) dst(%arg8 : memref<125x128xf32, #tpu.memory_space<vmem>>)
      tpu.yield
    }) : () -> ()
    %mul3A_1 = arith.constant 640 : i32
    %mul3A_2 = arith.muli %arg1, %mul3A_1 : i32
    "tpu.region"() ({
      %run_scoped3A = tpu.sem_alloc : memref<!tpu.dma_semaphore, #tpu.memory_space<semaphore_mem>>
      %dma_start3A = arith.constant 0 : i32
      %dma_start3A_16 = tpu.memref_slice %arg9[%mul3A_2, %dma_start3A] : memref<10240x128xf32, #tpu.memory_space<vmem_shared>> -> memref<640x128xf32, #tpu.memory_space<vmem_shared>>
      tpu.enqueue_dma source(%arg3 : memref<640x128xf32, #tpu.memory_space<hbm>>) target(%dma_start3A_16 : memref<640x128xf32, #tpu.memory_space<vmem_shared>>) target_semaphore(%run_scoped3A : memref<!tpu.dma_semaphore, #tpu.memory_space<semaphore_mem>>)
      %dma_wait3A = arith.constant 0 : i32
      %dma_wait3A_17 = tpu.memref_slice %arg9[%mul3A_2, %dma_wait3A] : memref<10240x128xf32, #tpu.memory_space<vmem_shared>> -> memref<640x128xf32, #tpu.memory_space<vmem_shared>>
      tpu.wait_dma2 semaphore(%run_scoped3A : memref<!tpu.dma_semaphore, #tpu.memory_space<semaphore_mem>>) src(%arg3 : memref<640x128xf32, #tpu.memory_space<hbm>>) dst(%dma_wait3A_17 : memref<640x128xf32, #tpu.memory_space<vmem_shared>>)
      tpu.yield
    }) : () -> ()
    %barrier3A = arith.constant 0 : index
    tpu.barrier barrier_id(%barrier3A)
    %scan3A = arith.constant 0 : i32
    %scan3A_3 = arith.constant 0 : i32
    %scan3A_4 = arith.constant 40 : i32
    %scan3A_5 = arith.addi %scan3A_3, %scan3A_4 : i32
    %scan3A_6 = arith.constant 1 : i32
    scf.for %scan3A_16 = %scan3A_3 to %scan3A_5 step %scan3A_6  : i32 {
      "tpu.region"() ({
        %run_scoped3A = tpu.sem_alloc : memref<!tpu.dma_semaphore, #tpu.memory_space<semaphore_mem>>
        %dma_start3A = arith.constant 0 : i32
        %dma_start3A_17 = tpu.memref_slice %arg7[%scan3A_16, %dma_start3A] : memref<40x125xi32, #tpu.memory_space<vmem>> -> memref<1x125xi32, #tpu.memory_space<vmem>>
        %dma_start3A_18 = tpu.memref_squeeze %dma_start3A_17 : memref<1x125xi32, #tpu.memory_space<vmem>> -> memref<125xi32, #tpu.memory_space<vmem>>
        %dma_start3A_19 = arith.constant 0 : i32
        %dma_start3A_20 = arith.constant 0 : i32
        %dma_start3A_21 = tpu.memref_slice %arg9[%dma_start3A_19, %dma_start3A_20] : memref<10240x128xf32, #tpu.memory_space<vmem_shared>> -> memref<10240x128xf32, #tpu.memory_space<vmem_shared>>
        tpu.enqueue_indirect_dma source(%arg8 : memref<125x128xf32, #tpu.memory_space<vmem>>) target(%dma_start3A_21 : memref<10240x128xf32, #tpu.memory_space<vmem_shared>>) offsets(%dma_start3A_18 : memref<125xi32, #tpu.memory_space<vmem>>) semaphore(%run_scoped3A : memref<!tpu.dma_semaphore, #tpu.memory_space<semaphore_mem>>) {add = true}
        %dma_wait3A = arith.constant 0 : i32
        %dma_wait3A_22 = tpu.memref_slice %arg7[%scan3A_16, %dma_wait3A] : memref<40x125xi32, #tpu.memory_space<vmem>> -> memref<1x125xi32, #tpu.memory_space<vmem>>
        %dma_wait3A_23 = tpu.memref_squeeze %dma_wait3A_22 : memref<1x125xi32, #tpu.memory_space<vmem>> -> memref<125xi32, #tpu.memory_space<vmem>>
        %dma_wait3A_24 = arith.constant 0 : i32
        %dma_wait3A_25 = arith.constant 0 : i32
        %dma_wait3A_26 = tpu.memref_slice %arg9[%dma_wait3A_24, %dma_wait3A_25] : memref<10240x128xf32, #tpu.memory_space<vmem_shared>> -> memref<10240x128xf32, #tpu.memory_space<vmem_shared>>
        tpu.wait_indirect_dma semaphore(%run_scoped3A : memref<!tpu.dma_semaphore, #tpu.memory_space<semaphore_mem>>) src(%arg8 : memref<125x128xf32, #tpu.memory_space<vmem>>) dst(%dma_wait3A_26 : memref<10240x128xf32, #tpu.memory_space<vmem_shared>>)
        tpu.yield
      }) : () -> ()
    }
    %scan3A_7 = arith.constant 40 : i32
    %barrier3A_8 = arith.constant 0 : index
    tpu.barrier barrier_id(%barrier3A_8)
    %eq3A = arith.constant 0 : i32
    %eq3A_9 = arith.cmpi eq, %arg0, %eq3A : i32
    %convert_element_type3A = arith.extui %eq3A_9 : i1 to i32
    %cond3A = arith.constant 0 : i32
    %cond3A_10 = arith.cmpi ne, %convert_element_type3A, %cond3A : i32
    scf.if %cond3A_10 {
      %mul3A_16 = arith.constant 640 : i32
      %mul3A_17 = arith.muli %arg1, %mul3A_16 : i32
      %mul3A_18 = arith.constant 640 : i32
      %mul3A_19 = arith.muli %arg1, %mul3A_18 : i32
      "tpu.region"() ({
        %run_scoped3A = tpu.sem_alloc : memref<!tpu.dma_semaphore, #tpu.memory_space<semaphore_mem>>
        %dma_start3A = arith.constant 0 : i32
        %dma_start3A_20 = tpu.memref_slice %arg5[%mul3A_19, %dma_start3A] : memref<10240x128xf32, #tpu.memory_space<hbm>> -> memref<640x128xf32, #tpu.memory_space<hbm>>
        %dma_start3A_21 = arith.constant 0 : i32
        %dma_start3A_22 = tpu.memref_slice %arg9[%mul3A_17, %dma_start3A_21] : memref<10240x128xf32, #tpu.memory_space<vmem_shared>> -> memref<640x128xf32, #tpu.memory_space<vmem_shared>>
        tpu.enqueue_dma source(%dma_start3A_22 : memref<640x128xf32, #tpu.memory_space<vmem_shared>>) target(%dma_start3A_20 : memref<640x128xf32, #tpu.memory_space<hbm>>) target_semaphore(%run_scoped3A : memref<!tpu.dma_semaphore, #tpu.memory_space<semaphore_mem>>)
        %dma_wait3A = arith.constant 0 : i32
        %dma_wait3A_23 = tpu.memref_slice %arg5[%mul3A_19, %dma_wait3A] : memref<10240x128xf32, #tpu.memory_space<hbm>> -> memref<640x128xf32, #tpu.memory_space<hbm>>
        %dma_wait3A_24 = arith.constant 0 : i32
        %dma_wait3A_25 = tpu.memref_slice %arg9[%mul3A_17, %dma_wait3A_24] : memref<10240x128xf32, #tpu.memory_space<vmem_shared>> -> memref<640x128xf32, #tpu.memory_space<vmem_shared>>
        tpu.wait_dma2 semaphore(%run_scoped3A : memref<!tpu.dma_semaphore, #tpu.memory_space<semaphore_mem>>) src(%dma_wait3A_25 : memref<640x128xf32, #tpu.memory_space<vmem_shared>>) dst(%dma_wait3A_23 : memref<640x128xf32, #tpu.memory_space<hbm>>)
        tpu.yield
      }) : () -> ()
    } else {
    }
    %eq3A_11 = arith.constant 1 : i32
    %eq3A_12 = arith.cmpi eq, %arg0, %eq3A_11 : i32
    %convert_element_type3A_13 = arith.extui %eq3A_12 : i1 to i32
    %cond3A_14 = arith.constant 0 : i32
    %cond3A_15 = arith.cmpi ne, %convert_element_type3A_13, %cond3A_14 : i32
    scf.if %cond3A_15 {
      %mul3A_16 = arith.constant 640 : i32
      %mul3A_17 = arith.muli %arg1, %mul3A_16 : i32
      %mul3A_18 = arith.constant 640 : i32
      %mul3A_19 = arith.muli %arg1, %mul3A_18 : i32
      "tpu.region"() ({
        %run_scoped3A = tpu.sem_alloc : memref<!tpu.dma_semaphore, #tpu.memory_space<semaphore_mem>>
        %dma_start3A = arith.constant 0 : i32
        %dma_start3A_20 = tpu.memref_slice %arg6[%mul3A_19, %dma_start3A] : memref<10240x128xf32, #tpu.memory_space<hbm>> -> memref<640x128xf32, #tpu.memory_space<hbm>>
        %dma_start3A_21 = arith.constant 0 : i32
        %dma_start3A_22 = tpu.memref_slice %arg9[%mul3A_17, %dma_start3A_21] : memref<10240x128xf32, #tpu.memory_space<vmem_shared>> -> memref<640x128xf32, #tpu.memory_space<vmem_shared>>
        tpu.enqueue_dma source(%dma_start3A_22 : memref<640x128xf32, #tpu.memory_space<vmem_shared>>) target(%dma_start3A_20 : memref<640x128xf32, #tpu.memory_space<hbm>>) target_semaphore(%run_scoped3A : memref<!tpu.dma_semaphore, #tpu.memory_space<semaphore_mem>>)
        %dma_wait3A = arith.constant 0 : i32
        %dma_wait3A_23 = tpu.memref_slice %arg6[%mul3A_19, %dma_wait3A] : memref<10240x128xf32, #tpu.memory_space<hbm>> -> memref<640x128xf32, #tpu.memory_space<hbm>>
        %dma_wait3A_24 = arith.constant 0 : i32
        %dma_wait3A_25 = tpu.memref_slice %arg9[%mul3A_17, %dma_wait3A_24] : memref<10240x128xf32, #tpu.memory_space<vmem_shared>> -> memref<640x128xf32, #tpu.memory_space<vmem_shared>>
        tpu.wait_dma2 semaphore(%run_scoped3A : memref<!tpu.dma_semaphore, #tpu.memory_space<semaphore_mem>>) src(%dma_wait3A_25 : memref<640x128xf32, #tpu.memory_space<vmem_shared>>) dst(%dma_wait3A_23 : memref<640x128xf32, #tpu.memory_space<hbm>>)
        tpu.yield
      }) : () -> ()
    } else {
    }
    return
  }
}

#map = affine_map<(d0, d1) -> (0, 0)>
#map1 = affine_map<(d0, d1) -> (0, 0, 0)>
module attributes {stable_mosaic.version = 14 : i64} {
  func.func @body(%arg0: i32, %arg1: i32, %arg2: memref<10000x128xf32, #tpu.memory_space<hbm>>, %arg3: memref<10000x128xf32, #tpu.memory_space<hbm>>, %arg4: memref<10000x128xf32, #tpu.memory_space<hbm>>, %arg5: memref<10000x128xf32, #tpu.memory_space<hbm>>, %arg6: memref<16x80x125xi32, #tpu.memory_space<hbm>>, %arg7: memref<16x80x125xi32, #tpu.memory_space<hbm>>, %arg8: memref<640x128xf32, #tpu.memory_space<hbm>>, %arg9: memref<10240x128xf32, #tpu.memory_space<hbm>>, %arg10: memref<10240x128xf32, #tpu.memory_space<hbm>>, %arg11: memref<10240x128xf32, #tpu.memory_space<hbm>>, %arg12: memref<10240x128xf32, #tpu.memory_space<hbm>>, %arg13: memref<80x125xi32, #tpu.memory_space<vmem>>, %arg14: memref<80x125xi32, #tpu.memory_space<vmem>>, %arg15: memref<125x128xf32, #tpu.memory_space<vmem>>, %arg16: memref<10240x128xf32, #tpu.memory_space<vmem_shared>>) attributes {dimension_semantics = [#tpu.dimension_semantics<core_parallel>, #tpu.dimension_semantics<subcore_parallel>], iteration_bounds = array<i64: 2, 16>, scalar_prefetch = 0 : i64, scratch_operands = 4 : i64, tpu.core_type = #tpu.core_type<sc_vector_subcore>, window_params = [{transform_indices = #map}, {transform_indices = #map}, {transform_indices = #map}, {transform_indices = #map}, {transform_indices = #map1}, {transform_indices = #map1}, {transform_indices = #map}, {transform_indices = #map}, {transform_indices = #map}, {transform_indices = #map}, {transform_indices = #map}]} {
    %mul3A = arith.constant 640 : i32
    %mul3A_0 = arith.muli %arg1, %mul3A : i32
    "tpu.region"() ({
      %run_scoped3A = tpu.sem_alloc : memref<!tpu.dma_semaphore, #tpu.memory_space<semaphore_mem>>
      %dma_start3A = arith.constant 0 : i32
      %dma_start3A_43 = tpu.memref_slice %arg16[%mul3A_0, %dma_start3A] : memref<10240x128xf32, #tpu.memory_space<vmem_shared>> -> memref<640x128xf32, #tpu.memory_space<vmem_shared>>
      tpu.enqueue_dma source(%arg8 : memref<640x128xf32, #tpu.memory_space<hbm>>) target(%dma_start3A_43 : memref<640x128xf32, #tpu.memory_space<vmem_shared>>) target_semaphore(%run_scoped3A : memref<!tpu.dma_semaphore, #tpu.memory_space<semaphore_mem>>)
      %dma_wait3A = arith.constant 0 : i32
      %dma_wait3A_44 = tpu.memref_slice %arg16[%mul3A_0, %dma_wait3A] : memref<10240x128xf32, #tpu.memory_space<vmem_shared>> -> memref<640x128xf32, #tpu.memory_space<vmem_shared>>
      tpu.wait_dma2 semaphore(%run_scoped3A : memref<!tpu.dma_semaphore, #tpu.memory_space<semaphore_mem>>) src(%arg8 : memref<640x128xf32, #tpu.memory_space<hbm>>) dst(%dma_wait3A_44 : memref<640x128xf32, #tpu.memory_space<vmem_shared>>)
      tpu.yield
    }) : () -> ()
    %barrier3A = arith.constant 0 : index
    tpu.barrier barrier_id(%barrier3A)
    %eq3A = arith.constant 0 : i32
    %eq3A_1 = arith.cmpi eq, %arg0, %eq3A : i32
    %convert_element_type3A = arith.extui %eq3A_1 : i1 to i32
    %cond3A = arith.constant 0 : i32
    %cond3A_2 = arith.cmpi ne, %convert_element_type3A, %cond3A : i32
    scf.if %cond3A_2 {
      "tpu.region"() ({
        %run_scoped3A = tpu.sem_alloc : memref<!tpu.dma_semaphore, #tpu.memory_space<semaphore_mem>>
        %dma_start3A = arith.constant 0 : i32
        %dma_start3A_48 = arith.constant 0 : i32
        %dma_start3A_49 = tpu.memref_slice %arg6[%arg1, %dma_start3A, %dma_start3A_48] : memref<16x80x125xi32, #tpu.memory_space<hbm>> -> memref<1x80x125xi32, #tpu.memory_space<hbm>>
        %dma_start3A_50 = tpu.memref_squeeze %dma_start3A_49 : memref<1x80x125xi32, #tpu.memory_space<hbm>> -> memref<80x125xi32, #tpu.memory_space<hbm>>
        %dma_start3A_51 = arith.constant 0 : i32
        %dma_start3A_52 = arith.constant 0 : i32
        %dma_start3A_53 = tpu.memref_slice %arg6[%arg1, %dma_start3A_51, %dma_start3A_52] : memref<16x80x125xi32, #tpu.memory_space<hbm>> -> memref<1x80x125xi32, #tpu.memory_space<hbm>>
        %dma_start3A_54 = tpu.memref_squeeze %dma_start3A_53 : memref<1x80x125xi32, #tpu.memory_space<hbm>> -> memref<80x125xi32, #tpu.memory_space<hbm>>
        tpu.enqueue_dma source(%dma_start3A_54 : memref<80x125xi32, #tpu.memory_space<hbm>>) target(%arg13 : memref<80x125xi32, #tpu.memory_space<vmem>>) target_semaphore(%run_scoped3A : memref<!tpu.dma_semaphore, #tpu.memory_space<semaphore_mem>>)
        %dma_wait3A = arith.constant 0 : i32
        %dma_wait3A_55 = arith.constant 0 : i32
        %dma_wait3A_56 = tpu.memref_slice %arg6[%arg1, %dma_wait3A, %dma_wait3A_55] : memref<16x80x125xi32, #tpu.memory_space<hbm>> -> memref<1x80x125xi32, #tpu.memory_space<hbm>>
        %dma_wait3A_57 = tpu.memref_squeeze %dma_wait3A_56 : memref<1x80x125xi32, #tpu.memory_space<hbm>> -> memref<80x125xi32, #tpu.memory_space<hbm>>
        %dma_wait3A_58 = arith.constant 0 : i32
        %dma_wait3A_59 = arith.constant 0 : i32
        %dma_wait3A_60 = tpu.memref_slice %arg6[%arg1, %dma_wait3A_58, %dma_wait3A_59] : memref<16x80x125xi32, #tpu.memory_space<hbm>> -> memref<1x80x125xi32, #tpu.memory_space<hbm>>
        %dma_wait3A_61 = tpu.memref_squeeze %dma_wait3A_60 : memref<1x80x125xi32, #tpu.memory_space<hbm>> -> memref<80x125xi32, #tpu.memory_space<hbm>>
        tpu.wait_dma2 semaphore(%run_scoped3A : memref<!tpu.dma_semaphore, #tpu.memory_space<semaphore_mem>>) src(%dma_wait3A_61 : memref<80x125xi32, #tpu.memory_space<hbm>>) dst(%arg13 : memref<80x125xi32, #tpu.memory_space<vmem>>)
        tpu.yield
      }) : () -> ()
      "tpu.region"() ({
        %run_scoped3A = tpu.sem_alloc : memref<!tpu.dma_semaphore, #tpu.memory_space<semaphore_mem>>
        %dma_start3A = arith.constant 0 : i32
        %dma_start3A_48 = arith.constant 0 : i32
        %dma_start3A_49 = tpu.memref_slice %arg7[%arg1, %dma_start3A, %dma_start3A_48] : memref<16x80x125xi32, #tpu.memory_space<hbm>> -> memref<1x80x125xi32, #tpu.memory_space<hbm>>
        %dma_start3A_50 = tpu.memref_squeeze %dma_start3A_49 : memref<1x80x125xi32, #tpu.memory_space<hbm>> -> memref<80x125xi32, #tpu.memory_space<hbm>>
        %dma_start3A_51 = arith.constant 0 : i32
        %dma_start3A_52 = arith.constant 0 : i32
        %dma_start3A_53 = tpu.memref_slice %arg7[%arg1, %dma_start3A_51, %dma_start3A_52] : memref<16x80x125xi32, #tpu.memory_space<hbm>> -> memref<1x80x125xi32, #tpu.memory_space<hbm>>
        %dma_start3A_54 = tpu.memref_squeeze %dma_start3A_53 : memref<1x80x125xi32, #tpu.memory_space<hbm>> -> memref<80x125xi32, #tpu.memory_space<hbm>>
        tpu.enqueue_dma source(%dma_start3A_54 : memref<80x125xi32, #tpu.memory_space<hbm>>) target(%arg14 : memref<80x125xi32, #tpu.memory_space<vmem>>) target_semaphore(%run_scoped3A : memref<!tpu.dma_semaphore, #tpu.memory_space<semaphore_mem>>)
        %dma_wait3A = arith.constant 0 : i32
        %dma_wait3A_55 = arith.constant 0 : i32
        %dma_wait3A_56 = tpu.memref_slice %arg7[%arg1, %dma_wait3A, %dma_wait3A_55] : memref<16x80x125xi32, #tpu.memory_space<hbm>> -> memref<1x80x125xi32, #tpu.memory_space<hbm>>
        %dma_wait3A_57 = tpu.memref_squeeze %dma_wait3A_56 : memref<1x80x125xi32, #tpu.memory_space<hbm>> -> memref<80x125xi32, #tpu.memory_space<hbm>>
        %dma_wait3A_58 = arith.constant 0 : i32
        %dma_wait3A_59 = arith.constant 0 : i32
        %dma_wait3A_60 = tpu.memref_slice %arg7[%arg1, %dma_wait3A_58, %dma_wait3A_59] : memref<16x80x125xi32, #tpu.memory_space<hbm>> -> memref<1x80x125xi32, #tpu.memory_space<hbm>>
        %dma_wait3A_61 = tpu.memref_squeeze %dma_wait3A_60 : memref<1x80x125xi32, #tpu.memory_space<hbm>> -> memref<80x125xi32, #tpu.memory_space<hbm>>
        tpu.wait_dma2 semaphore(%run_scoped3A : memref<!tpu.dma_semaphore, #tpu.memory_space<semaphore_mem>>) src(%dma_wait3A_61 : memref<80x125xi32, #tpu.memory_space<hbm>>) dst(%arg14 : memref<80x125xi32, #tpu.memory_space<vmem>>)
        tpu.yield
      }) : () -> ()
      %scan3A = arith.constant 0 : i32
      %scan3A_43 = arith.constant 0 : i32
      %scan3A_44 = arith.constant 80 : i32
      %scan3A_45 = arith.addi %scan3A_43, %scan3A_44 : i32
      %scan3A_46 = arith.constant 1 : i32
      scf.for %scan3A_48 = %scan3A_43 to %scan3A_45 step %scan3A_46  : i32 {
        "tpu.region"() ({
          %run_scoped3A = tpu.sem_alloc : memref<!tpu.dma_semaphore, #tpu.memory_space<semaphore_mem>>
          %dma_start3A = arith.constant 0 : i32
          %dma_start3A_49 = tpu.memref_slice %arg13[%scan3A_48, %dma_start3A] : memref<80x125xi32, #tpu.memory_space<vmem>> -> memref<1x125xi32, #tpu.memory_space<vmem>>
          %dma_start3A_50 = tpu.memref_squeeze %dma_start3A_49 : memref<1x125xi32, #tpu.memory_space<vmem>> -> memref<125xi32, #tpu.memory_space<vmem>>
          %dma_start3A_51 = arith.constant 0 : i32
          %dma_start3A_52 = arith.constant 0 : i32
          %dma_start3A_53 = tpu.memref_slice %arg2[%dma_start3A_51, %dma_start3A_52] : memref<10000x128xf32, #tpu.memory_space<hbm>> -> memref<10000x128xf32, #tpu.memory_space<hbm>>
          tpu.enqueue_indirect_dma source(%dma_start3A_53 : memref<10000x128xf32, #tpu.memory_space<hbm>>) target(%arg15 : memref<125x128xf32, #tpu.memory_space<vmem>>) offsets(%dma_start3A_50 : memref<125xi32, #tpu.memory_space<vmem>>) semaphore(%run_scoped3A : memref<!tpu.dma_semaphore, #tpu.memory_space<semaphore_mem>>)
          %dma_wait3A = arith.constant 0 : i32
          %dma_wait3A_54 = tpu.memref_slice %arg13[%scan3A_48, %dma_wait3A] : memref<80x125xi32, #tpu.memory_space<vmem>> -> memref<1x125xi32, #tpu.memory_space<vmem>>
          %dma_wait3A_55 = tpu.memref_squeeze %dma_wait3A_54 : memref<1x125xi32, #tpu.memory_space<vmem>> -> memref<125xi32, #tpu.memory_space<vmem>>
          %dma_wait3A_56 = arith.constant 0 : i32
          %dma_wait3A_57 = arith.constant 0 : i32
          %dma_wait3A_58 = tpu.memref_slice %arg2[%dma_wait3A_56, %dma_wait3A_57] : memref<10000x128xf32, #tpu.memory_space<hbm>> -> memref<10000x128xf32, #tpu.memory_space<hbm>>
          tpu.wait_indirect_dma semaphore(%run_scoped3A : memref<!tpu.dma_semaphore, #tpu.memory_space<semaphore_mem>>) src(%dma_wait3A_58 : memref<10000x128xf32, #tpu.memory_space<hbm>>) dst(%arg15 : memref<125x128xf32, #tpu.memory_space<vmem>>)
          tpu.yield
        }) : () -> ()
        "tpu.region"() ({
          %run_scoped3A = tpu.sem_alloc : memref<!tpu.dma_semaphore, #tpu.memory_space<semaphore_mem>>
          %dma_start3A = arith.constant 0 : i32
          %dma_start3A_49 = tpu.memref_slice %arg14[%scan3A_48, %dma_start3A] : memref<80x125xi32, #tpu.memory_space<vmem>> -> memref<1x125xi32, #tpu.memory_space<vmem>>
          %dma_start3A_50 = tpu.memref_squeeze %dma_start3A_49 : memref<1x125xi32, #tpu.memory_space<vmem>> -> memref<125xi32, #tpu.memory_space<vmem>>
          %dma_start3A_51 = arith.constant 0 : i32
          %dma_start3A_52 = arith.constant 0 : i32
          %dma_start3A_53 = tpu.memref_slice %arg16[%dma_start3A_51, %dma_start3A_52] : memref<10240x128xf32, #tpu.memory_space<vmem_shared>> -> memref<10240x128xf32, #tpu.memory_space<vmem_shared>>
          tpu.enqueue_indirect_dma source(%arg15 : memref<125x128xf32, #tpu.memory_space<vmem>>) target(%dma_start3A_53 : memref<10240x128xf32, #tpu.memory_space<vmem_shared>>) offsets(%dma_start3A_50 : memref<125xi32, #tpu.memory_space<vmem>>) semaphore(%run_scoped3A : memref<!tpu.dma_semaphore, #tpu.memory_space<semaphore_mem>>) {add = true}
          %dma_wait3A = arith.constant 0 : i32
          %dma_wait3A_54 = tpu.memref_slice %arg14[%scan3A_48, %dma_wait3A] : memref<80x125xi32, #tpu.memory_space<vmem>> -> memref<1x125xi32, #tpu.memory_space<vmem>>
          %dma_wait3A_55 = tpu.memref_squeeze %dma_wait3A_54 : memref<1x125xi32, #tpu.memory_space<vmem>> -> memref<125xi32, #tpu.memory_space<vmem>>
          %dma_wait3A_56 = arith.constant 0 : i32
          %dma_wait3A_57 = arith.constant 0 : i32
          %dma_wait3A_58 = tpu.memref_slice %arg16[%dma_wait3A_56, %dma_wait3A_57] : memref<10240x128xf32, #tpu.memory_space<vmem_shared>> -> memref<10240x128xf32, #tpu.memory_space<vmem_shared>>
          tpu.wait_indirect_dma semaphore(%run_scoped3A : memref<!tpu.dma_semaphore, #tpu.memory_space<semaphore_mem>>) src(%arg15 : memref<125x128xf32, #tpu.memory_space<vmem>>) dst(%dma_wait3A_58 : memref<10240x128xf32, #tpu.memory_space<vmem_shared>>)
          tpu.yield
        }) : () -> ()
      }
      %scan3A_47 = arith.constant 80 : i32
    } else {
    }
    %eq3A_3 = arith.constant 1 : i32
    %eq3A_4 = arith.cmpi eq, %arg0, %eq3A_3 : i32
    %convert_element_type3A_5 = arith.extui %eq3A_4 : i1 to i32
    %cond3A_6 = arith.constant 0 : i32
    %cond3A_7 = arith.cmpi ne, %convert_element_type3A_5, %cond3A_6 : i32
    scf.if %cond3A_7 {
      "tpu.region"() ({
        %run_scoped3A = tpu.sem_alloc : memref<!tpu.dma_semaphore, #tpu.memory_space<semaphore_mem>>
        %dma_start3A = arith.constant 0 : i32
        %dma_start3A_48 = arith.constant 0 : i32
        %dma_start3A_49 = tpu.memref_slice %arg6[%arg1, %dma_start3A, %dma_start3A_48] : memref<16x80x125xi32, #tpu.memory_space<hbm>> -> memref<1x80x125xi32, #tpu.memory_space<hbm>>
        %dma_start3A_50 = tpu.memref_squeeze %dma_start3A_49 : memref<1x80x125xi32, #tpu.memory_space<hbm>> -> memref<80x125xi32, #tpu.memory_space<hbm>>
        %dma_start3A_51 = arith.constant 0 : i32
        %dma_start3A_52 = arith.constant 0 : i32
        %dma_start3A_53 = tpu.memref_slice %arg6[%arg1, %dma_start3A_51, %dma_start3A_52] : memref<16x80x125xi32, #tpu.memory_space<hbm>> -> memref<1x80x125xi32, #tpu.memory_space<hbm>>
        %dma_start3A_54 = tpu.memref_squeeze %dma_start3A_53 : memref<1x80x125xi32, #tpu.memory_space<hbm>> -> memref<80x125xi32, #tpu.memory_space<hbm>>
        tpu.enqueue_dma source(%dma_start3A_54 : memref<80x125xi32, #tpu.memory_space<hbm>>) target(%arg13 : memref<80x125xi32, #tpu.memory_space<vmem>>) target_semaphore(%run_scoped3A : memref<!tpu.dma_semaphore, #tpu.memory_space<semaphore_mem>>)
        %dma_wait3A = arith.constant 0 : i32
        %dma_wait3A_55 = arith.constant 0 : i32
        %dma_wait3A_56 = tpu.memref_slice %arg6[%arg1, %dma_wait3A, %dma_wait3A_55] : memref<16x80x125xi32, #tpu.memory_space<hbm>> -> memref<1x80x125xi32, #tpu.memory_space<hbm>>
        %dma_wait3A_57 = tpu.memref_squeeze %dma_wait3A_56 : memref<1x80x125xi32, #tpu.memory_space<hbm>> -> memref<80x125xi32, #tpu.memory_space<hbm>>
        %dma_wait3A_58 = arith.constant 0 : i32
        %dma_wait3A_59 = arith.constant 0 : i32
        %dma_wait3A_60 = tpu.memref_slice %arg6[%arg1, %dma_wait3A_58, %dma_wait3A_59] : memref<16x80x125xi32, #tpu.memory_space<hbm>> -> memref<1x80x125xi32, #tpu.memory_space<hbm>>
        %dma_wait3A_61 = tpu.memref_squeeze %dma_wait3A_60 : memref<1x80x125xi32, #tpu.memory_space<hbm>> -> memref<80x125xi32, #tpu.memory_space<hbm>>
        tpu.wait_dma2 semaphore(%run_scoped3A : memref<!tpu.dma_semaphore, #tpu.memory_space<semaphore_mem>>) src(%dma_wait3A_61 : memref<80x125xi32, #tpu.memory_space<hbm>>) dst(%arg13 : memref<80x125xi32, #tpu.memory_space<vmem>>)
        tpu.yield
      }) : () -> ()
      "tpu.region"() ({
        %run_scoped3A = tpu.sem_alloc : memref<!tpu.dma_semaphore, #tpu.memory_space<semaphore_mem>>
        %dma_start3A = arith.constant 0 : i32
        %dma_start3A_48 = arith.constant 0 : i32
        %dma_start3A_49 = tpu.memref_slice %arg7[%arg1, %dma_start3A, %dma_start3A_48] : memref<16x80x125xi32, #tpu.memory_space<hbm>> -> memref<1x80x125xi32, #tpu.memory_space<hbm>>
        %dma_start3A_50 = tpu.memref_squeeze %dma_start3A_49 : memref<1x80x125xi32, #tpu.memory_space<hbm>> -> memref<80x125xi32, #tpu.memory_space<hbm>>
        %dma_start3A_51 = arith.constant 0 : i32
        %dma_start3A_52 = arith.constant 0 : i32
        %dma_start3A_53 = tpu.memref_slice %arg7[%arg1, %dma_start3A_51, %dma_start3A_52] : memref<16x80x125xi32, #tpu.memory_space<hbm>> -> memref<1x80x125xi32, #tpu.memory_space<hbm>>
        %dma_start3A_54 = tpu.memref_squeeze %dma_start3A_53 : memref<1x80x125xi32, #tpu.memory_space<hbm>> -> memref<80x125xi32, #tpu.memory_space<hbm>>
        tpu.enqueue_dma source(%dma_start3A_54 : memref<80x125xi32, #tpu.memory_space<hbm>>) target(%arg14 : memref<80x125xi32, #tpu.memory_space<vmem>>) target_semaphore(%run_scoped3A : memref<!tpu.dma_semaphore, #tpu.memory_space<semaphore_mem>>)
        %dma_wait3A = arith.constant 0 : i32
        %dma_wait3A_55 = arith.constant 0 : i32
        %dma_wait3A_56 = tpu.memref_slice %arg7[%arg1, %dma_wait3A, %dma_wait3A_55] : memref<16x80x125xi32, #tpu.memory_space<hbm>> -> memref<1x80x125xi32, #tpu.memory_space<hbm>>
        %dma_wait3A_57 = tpu.memref_squeeze %dma_wait3A_56 : memref<1x80x125xi32, #tpu.memory_space<hbm>> -> memref<80x125xi32, #tpu.memory_space<hbm>>
        %dma_wait3A_58 = arith.constant 0 : i32
        %dma_wait3A_59 = arith.constant 0 : i32
        %dma_wait3A_60 = tpu.memref_slice %arg7[%arg1, %dma_wait3A_58, %dma_wait3A_59] : memref<16x80x125xi32, #tpu.memory_space<hbm>> -> memref<1x80x125xi32, #tpu.memory_space<hbm>>
        %dma_wait3A_61 = tpu.memref_squeeze %dma_wait3A_60 : memref<1x80x125xi32, #tpu.memory_space<hbm>> -> memref<80x125xi32, #tpu.memory_space<hbm>>
        tpu.wait_dma2 semaphore(%run_scoped3A : memref<!tpu.dma_semaphore, #tpu.memory_space<semaphore_mem>>) src(%dma_wait3A_61 : memref<80x125xi32, #tpu.memory_space<hbm>>) dst(%arg14 : memref<80x125xi32, #tpu.memory_space<vmem>>)
        tpu.yield
      }) : () -> ()
      %scan3A = arith.constant 0 : i32
      %scan3A_43 = arith.constant 0 : i32
      %scan3A_44 = arith.constant 80 : i32
      %scan3A_45 = arith.addi %scan3A_43, %scan3A_44 : i32
      %scan3A_46 = arith.constant 1 : i32
      scf.for %scan3A_48 = %scan3A_43 to %scan3A_45 step %scan3A_46  : i32 {
        "tpu.region"() ({
          %run_scoped3A = tpu.sem_alloc : memref<!tpu.dma_semaphore, #tpu.memory_space<semaphore_mem>>
          %dma_start3A = arith.constant 0 : i32
          %dma_start3A_49 = tpu.memref_slice %arg13[%scan3A_48, %dma_start3A] : memref<80x125xi32, #tpu.memory_space<vmem>> -> memref<1x125xi32, #tpu.memory_space<vmem>>
          %dma_start3A_50 = tpu.memref_squeeze %dma_start3A_49 : memref<1x125xi32, #tpu.memory_space<vmem>> -> memref<125xi32, #tpu.memory_space<vmem>>
          %dma_start3A_51 = arith.constant 0 : i32
          %dma_start3A_52 = arith.constant 0 : i32
          %dma_start3A_53 = tpu.memref_slice %arg4[%dma_start3A_51, %dma_start3A_52] : memref<10000x128xf32, #tpu.memory_space<hbm>> -> memref<10000x128xf32, #tpu.memory_space<hbm>>
          tpu.enqueue_indirect_dma source(%dma_start3A_53 : memref<10000x128xf32, #tpu.memory_space<hbm>>) target(%arg15 : memref<125x128xf32, #tpu.memory_space<vmem>>) offsets(%dma_start3A_50 : memref<125xi32, #tpu.memory_space<vmem>>) semaphore(%run_scoped3A : memref<!tpu.dma_semaphore, #tpu.memory_space<semaphore_mem>>)
          %dma_wait3A = arith.constant 0 : i32
          %dma_wait3A_54 = tpu.memref_slice %arg13[%scan3A_48, %dma_wait3A] : memref<80x125xi32, #tpu.memory_space<vmem>> -> memref<1x125xi32, #tpu.memory_space<vmem>>
          %dma_wait3A_55 = tpu.memref_squeeze %dma_wait3A_54 : memref<1x125xi32, #tpu.memory_space<vmem>> -> memref<125xi32, #tpu.memory_space<vmem>>
          %dma_wait3A_56 = arith.constant 0 : i32
          %dma_wait3A_57 = arith.constant 0 : i32
          %dma_wait3A_58 = tpu.memref_slice %arg4[%dma_wait3A_56, %dma_wait3A_57] : memref<10000x128xf32, #tpu.memory_space<hbm>> -> memref<10000x128xf32, #tpu.memory_space<hbm>>
          tpu.wait_indirect_dma semaphore(%run_scoped3A : memref<!tpu.dma_semaphore, #tpu.memory_space<semaphore_mem>>) src(%dma_wait3A_58 : memref<10000x128xf32, #tpu.memory_space<hbm>>) dst(%arg15 : memref<125x128xf32, #tpu.memory_space<vmem>>)
          tpu.yield
        }) : () -> ()
        "tpu.region"() ({
          %run_scoped3A = tpu.sem_alloc : memref<!tpu.dma_semaphore, #tpu.memory_space<semaphore_mem>>
          %dma_start3A = arith.constant 0 : i32
          %dma_start3A_49 = tpu.memref_slice %arg14[%scan3A_48, %dma_start3A] : memref<80x125xi32, #tpu.memory_space<vmem>> -> memref<1x125xi32, #tpu.memory_space<vmem>>
          %dma_start3A_50 = tpu.memref_squeeze %dma_start3A_49 : memref<1x125xi32, #tpu.memory_space<vmem>> -> memref<125xi32, #tpu.memory_space<vmem>>
          %dma_start3A_51 = arith.constant 0 : i32
          %dma_start3A_52 = arith.constant 0 : i32
          %dma_start3A_53 = tpu.memref_slice %arg16[%dma_start3A_51, %dma_start3A_52] : memref<10240x128xf32, #tpu.memory_space<vmem_shared>> -> memref<10240x128xf32, #tpu.memory_space<vmem_shared>>
          tpu.enqueue_indirect_dma source(%arg15 : memref<125x128xf32, #tpu.memory_space<vmem>>) target(%dma_start3A_53 : memref<10240x128xf32, #tpu.memory_space<vmem_shared>>) offsets(%dma_start3A_50 : memref<125xi32, #tpu.memory_space<vmem>>) semaphore(%run_scoped3A : memref<!tpu.dma_semaphore, #tpu.memory_space<semaphore_mem>>) {add = true}
          %dma_wait3A = arith.constant 0 : i32
          %dma_wait3A_54 = tpu.memref_slice %arg14[%scan3A_48, %dma_wait3A] : memref<80x125xi32, #tpu.memory_space<vmem>> -> memref<1x125xi32, #tpu.memory_space<vmem>>
          %dma_wait3A_55 = tpu.memref_squeeze %dma_wait3A_54 : memref<1x125xi32, #tpu.memory_space<vmem>> -> memref<125xi32, #tpu.memory_space<vmem>>
          %dma_wait3A_56 = arith.constant 0 : i32
          %dma_wait3A_57 = arith.constant 0 : i32
          %dma_wait3A_58 = tpu.memref_slice %arg16[%dma_wait3A_56, %dma_wait3A_57] : memref<10240x128xf32, #tpu.memory_space<vmem_shared>> -> memref<10240x128xf32, #tpu.memory_space<vmem_shared>>
          tpu.wait_indirect_dma semaphore(%run_scoped3A : memref<!tpu.dma_semaphore, #tpu.memory_space<semaphore_mem>>) src(%arg15 : memref<125x128xf32, #tpu.memory_space<vmem>>) dst(%dma_wait3A_58 : memref<10240x128xf32, #tpu.memory_space<vmem_shared>>)
          tpu.yield
        }) : () -> ()
      }
      %scan3A_47 = arith.constant 80 : i32
    } else {
    }
    %barrier3A_8 = arith.constant 0 : index
    tpu.barrier barrier_id(%barrier3A_8)
    %eq3A_9 = arith.constant 0 : i32
    %eq3A_10 = arith.cmpi eq, %arg0, %eq3A_9 : i32
    %convert_element_type3A_11 = arith.extui %eq3A_10 : i1 to i32
    %cond3A_12 = arith.constant 0 : i32
    %cond3A_13 = arith.cmpi ne, %convert_element_type3A_11, %cond3A_12 : i32
    scf.if %cond3A_13 {
      %mul3A_43 = arith.constant 640 : i32
      %mul3A_44 = arith.muli %arg1, %mul3A_43 : i32
      %mul3A_45 = arith.constant 640 : i32
      %mul3A_46 = arith.muli %arg1, %mul3A_45 : i32
      "tpu.region"() ({
        %run_scoped3A = tpu.sem_alloc : memref<!tpu.dma_semaphore, #tpu.memory_space<semaphore_mem>>
        %dma_start3A = arith.constant 0 : i32
        %dma_start3A_47 = tpu.memref_slice %arg9[%mul3A_46, %dma_start3A] : memref<10240x128xf32, #tpu.memory_space<hbm>> -> memref<640x128xf32, #tpu.memory_space<hbm>>
        %dma_start3A_48 = arith.constant 0 : i32
        %dma_start3A_49 = tpu.memref_slice %arg16[%mul3A_44, %dma_start3A_48] : memref<10240x128xf32, #tpu.memory_space<vmem_shared>> -> memref<640x128xf32, #tpu.memory_space<vmem_shared>>
        tpu.enqueue_dma source(%dma_start3A_49 : memref<640x128xf32, #tpu.memory_space<vmem_shared>>) target(%dma_start3A_47 : memref<640x128xf32, #tpu.memory_space<hbm>>) target_semaphore(%run_scoped3A : memref<!tpu.dma_semaphore, #tpu.memory_space<semaphore_mem>>)
        %dma_wait3A = arith.constant 0 : i32
        %dma_wait3A_50 = tpu.memref_slice %arg9[%mul3A_46, %dma_wait3A] : memref<10240x128xf32, #tpu.memory_space<hbm>> -> memref<640x128xf32, #tpu.memory_space<hbm>>
        %dma_wait3A_51 = arith.constant 0 : i32
        %dma_wait3A_52 = tpu.memref_slice %arg16[%mul3A_44, %dma_wait3A_51] : memref<10240x128xf32, #tpu.memory_space<vmem_shared>> -> memref<640x128xf32, #tpu.memory_space<vmem_shared>>
        tpu.wait_dma2 semaphore(%run_scoped3A : memref<!tpu.dma_semaphore, #tpu.memory_space<semaphore_mem>>) src(%dma_wait3A_52 : memref<640x128xf32, #tpu.memory_space<vmem_shared>>) dst(%dma_wait3A_50 : memref<640x128xf32, #tpu.memory_space<hbm>>)
        tpu.yield
      }) : () -> ()
    } else {
    }
    %eq3A_14 = arith.constant 1 : i32
    %eq3A_15 = arith.cmpi eq, %arg0, %eq3A_14 : i32
    %convert_element_type3A_16 = arith.extui %eq3A_15 : i1 to i32
    %cond3A_17 = arith.constant 0 : i32
    %cond3A_18 = arith.cmpi ne, %convert_element_type3A_16, %cond3A_17 : i32
    scf.if %cond3A_18 {
      %mul3A_43 = arith.constant 640 : i32
      %mul3A_44 = arith.muli %arg1, %mul3A_43 : i32
      %mul3A_45 = arith.constant 640 : i32
      %mul3A_46 = arith.muli %arg1, %mul3A_45 : i32
      "tpu.region"() ({
        %run_scoped3A = tpu.sem_alloc : memref<!tpu.dma_semaphore, #tpu.memory_space<semaphore_mem>>
        %dma_start3A = arith.constant 0 : i32
        %dma_start3A_47 = tpu.memref_slice %arg11[%mul3A_46, %dma_start3A] : memref<10240x128xf32, #tpu.memory_space<hbm>> -> memref<640x128xf32, #tpu.memory_space<hbm>>
        %dma_start3A_48 = arith.constant 0 : i32
        %dma_start3A_49 = tpu.memref_slice %arg16[%mul3A_44, %dma_start3A_48] : memref<10240x128xf32, #tpu.memory_space<vmem_shared>> -> memref<640x128xf32, #tpu.memory_space<vmem_shared>>
        tpu.enqueue_dma source(%dma_start3A_49 : memref<640x128xf32, #tpu.memory_space<vmem_shared>>) target(%dma_start3A_47 : memref<640x128xf32, #tpu.memory_space<hbm>>) target_semaphore(%run_scoped3A : memref<!tpu.dma_semaphore, #tpu.memory_space<semaphore_mem>>)
        %dma_wait3A = arith.constant 0 : i32
        %dma_wait3A_50 = tpu.memref_slice %arg11[%mul3A_46, %dma_wait3A] : memref<10240x128xf32, #tpu.memory_space<hbm>> -> memref<640x128xf32, #tpu.memory_space<hbm>>
        %dma_wait3A_51 = arith.constant 0 : i32
        %dma_wait3A_52 = tpu.memref_slice %arg16[%mul3A_44, %dma_wait3A_51] : memref<10240x128xf32, #tpu.memory_space<vmem_shared>> -> memref<640x128xf32, #tpu.memory_space<vmem_shared>>
        tpu.wait_dma2 semaphore(%run_scoped3A : memref<!tpu.dma_semaphore, #tpu.memory_space<semaphore_mem>>) src(%dma_wait3A_52 : memref<640x128xf32, #tpu.memory_space<vmem_shared>>) dst(%dma_wait3A_50 : memref<640x128xf32, #tpu.memory_space<hbm>>)
        tpu.yield
      }) : () -> ()
    } else {
    }
    %mul3A_19 = arith.constant 640 : i32
    %mul3A_20 = arith.muli %arg1, %mul3A_19 : i32
    "tpu.region"() ({
      %run_scoped3A = tpu.sem_alloc : memref<!tpu.dma_semaphore, #tpu.memory_space<semaphore_mem>>
      %dma_start3A = arith.constant 0 : i32
      %dma_start3A_43 = tpu.memref_slice %arg16[%mul3A_20, %dma_start3A] : memref<10240x128xf32, #tpu.memory_space<vmem_shared>> -> memref<640x128xf32, #tpu.memory_space<vmem_shared>>
      tpu.enqueue_dma source(%arg8 : memref<640x128xf32, #tpu.memory_space<hbm>>) target(%dma_start3A_43 : memref<640x128xf32, #tpu.memory_space<vmem_shared>>) target_semaphore(%run_scoped3A : memref<!tpu.dma_semaphore, #tpu.memory_space<semaphore_mem>>)
      %dma_wait3A = arith.constant 0 : i32
      %dma_wait3A_44 = tpu.memref_slice %arg16[%mul3A_20, %dma_wait3A] : memref<10240x128xf32, #tpu.memory_space<vmem_shared>> -> memref<640x128xf32, #tpu.memory_space<vmem_shared>>
      tpu.wait_dma2 semaphore(%run_scoped3A : memref<!tpu.dma_semaphore, #tpu.memory_space<semaphore_mem>>) src(%arg8 : memref<640x128xf32, #tpu.memory_space<hbm>>) dst(%dma_wait3A_44 : memref<640x128xf32, #tpu.memory_space<vmem_shared>>)
      tpu.yield
    }) : () -> ()
    %barrier3A_21 = arith.constant 0 : index
    tpu.barrier barrier_id(%barrier3A_21)
    %eq3A_22 = arith.constant 0 : i32
    %eq3A_23 = arith.cmpi eq, %arg0, %eq3A_22 : i32
    %convert_element_type3A_24 = arith.extui %eq3A_23 : i1 to i32
    %cond3A_25 = arith.constant 0 : i32
    %cond3A_26 = arith.cmpi ne, %convert_element_type3A_24, %cond3A_25 : i32
    scf.if %cond3A_26 {
      "tpu.region"() ({
        %run_scoped3A = tpu.sem_alloc : memref<!tpu.dma_semaphore, #tpu.memory_space<semaphore_mem>>
        %dma_start3A = arith.constant 0 : i32
        %dma_start3A_48 = arith.constant 0 : i32
        %dma_start3A_49 = tpu.memref_slice %arg6[%arg1, %dma_start3A, %dma_start3A_48] : memref<16x80x125xi32, #tpu.memory_space<hbm>> -> memref<1x80x125xi32, #tpu.memory_space<hbm>>
        %dma_start3A_50 = tpu.memref_squeeze %dma_start3A_49 : memref<1x80x125xi32, #tpu.memory_space<hbm>> -> memref<80x125xi32, #tpu.memory_space<hbm>>
        %dma_start3A_51 = arith.constant 0 : i32
        %dma_start3A_52 = arith.constant 0 : i32
        %dma_start3A_53 = tpu.memref_slice %arg6[%arg1, %dma_start3A_51, %dma_start3A_52] : memref<16x80x125xi32, #tpu.memory_space<hbm>> -> memref<1x80x125xi32, #tpu.memory_space<hbm>>
        %dma_start3A_54 = tpu.memref_squeeze %dma_start3A_53 : memref<1x80x125xi32, #tpu.memory_space<hbm>> -> memref<80x125xi32, #tpu.memory_space<hbm>>
        tpu.enqueue_dma source(%dma_start3A_54 : memref<80x125xi32, #tpu.memory_space<hbm>>) target(%arg13 : memref<80x125xi32, #tpu.memory_space<vmem>>) target_semaphore(%run_scoped3A : memref<!tpu.dma_semaphore, #tpu.memory_space<semaphore_mem>>)
        %dma_wait3A = arith.constant 0 : i32
        %dma_wait3A_55 = arith.constant 0 : i32
        %dma_wait3A_56 = tpu.memref_slice %arg6[%arg1, %dma_wait3A, %dma_wait3A_55] : memref<16x80x125xi32, #tpu.memory_space<hbm>> -> memref<1x80x125xi32, #tpu.memory_space<hbm>>
        %dma_wait3A_57 = tpu.memref_squeeze %dma_wait3A_56 : memref<1x80x125xi32, #tpu.memory_space<hbm>> -> memref<80x125xi32, #tpu.memory_space<hbm>>
        %dma_wait3A_58 = arith.constant 0 : i32
        %dma_wait3A_59 = arith.constant 0 : i32
        %dma_wait3A_60 = tpu.memref_slice %arg6[%arg1, %dma_wait3A_58, %dma_wait3A_59] : memref<16x80x125xi32, #tpu.memory_space<hbm>> -> memref<1x80x125xi32, #tpu.memory_space<hbm>>
        %dma_wait3A_61 = tpu.memref_squeeze %dma_wait3A_60 : memref<1x80x125xi32, #tpu.memory_space<hbm>> -> memref<80x125xi32, #tpu.memory_space<hbm>>
        tpu.wait_dma2 semaphore(%run_scoped3A : memref<!tpu.dma_semaphore, #tpu.memory_space<semaphore_mem>>) src(%dma_wait3A_61 : memref<80x125xi32, #tpu.memory_space<hbm>>) dst(%arg13 : memref<80x125xi32, #tpu.memory_space<vmem>>)
        tpu.yield
      }) : () -> ()
      "tpu.region"() ({
        %run_scoped3A = tpu.sem_alloc : memref<!tpu.dma_semaphore, #tpu.memory_space<semaphore_mem>>
        %dma_start3A = arith.constant 0 : i32
        %dma_start3A_48 = arith.constant 0 : i32
        %dma_start3A_49 = tpu.memref_slice %arg7[%arg1, %dma_start3A, %dma_start3A_48] : memref<16x80x125xi32, #tpu.memory_space<hbm>> -> memref<1x80x125xi32, #tpu.memory_space<hbm>>
        %dma_start3A_50 = tpu.memref_squeeze %dma_start3A_49 : memref<1x80x125xi32, #tpu.memory_space<hbm>> -> memref<80x125xi32, #tpu.memory_space<hbm>>
        %dma_start3A_51 = arith.constant 0 : i32
        %dma_start3A_52 = arith.constant 0 : i32
        %dma_start3A_53 = tpu.memref_slice %arg7[%arg1, %dma_start3A_51, %dma_start3A_52] : memref<16x80x125xi32, #tpu.memory_space<hbm>> -> memref<1x80x125xi32, #tpu.memory_space<hbm>>
        %dma_start3A_54 = tpu.memref_squeeze %dma_start3A_53 : memref<1x80x125xi32, #tpu.memory_space<hbm>> -> memref<80x125xi32, #tpu.memory_space<hbm>>
        tpu.enqueue_dma source(%dma_start3A_54 : memref<80x125xi32, #tpu.memory_space<hbm>>) target(%arg14 : memref<80x125xi32, #tpu.memory_space<vmem>>) target_semaphore(%run_scoped3A : memref<!tpu.dma_semaphore, #tpu.memory_space<semaphore_mem>>)
        %dma_wait3A = arith.constant 0 : i32
        %dma_wait3A_55 = arith.constant 0 : i32
        %dma_wait3A_56 = tpu.memref_slice %arg7[%arg1, %dma_wait3A, %dma_wait3A_55] : memref<16x80x125xi32, #tpu.memory_space<hbm>> -> memref<1x80x125xi32, #tpu.memory_space<hbm>>
        %dma_wait3A_57 = tpu.memref_squeeze %dma_wait3A_56 : memref<1x80x125xi32, #tpu.memory_space<hbm>> -> memref<80x125xi32, #tpu.memory_space<hbm>>
        %dma_wait3A_58 = arith.constant 0 : i32
        %dma_wait3A_59 = arith.constant 0 : i32
        %dma_wait3A_60 = tpu.memref_slice %arg7[%arg1, %dma_wait3A_58, %dma_wait3A_59] : memref<16x80x125xi32, #tpu.memory_space<hbm>> -> memref<1x80x125xi32, #tpu.memory_space<hbm>>
        %dma_wait3A_61 = tpu.memref_squeeze %dma_wait3A_60 : memref<1x80x125xi32, #tpu.memory_space<hbm>> -> memref<80x125xi32, #tpu.memory_space<hbm>>
        tpu.wait_dma2 semaphore(%run_scoped3A : memref<!tpu.dma_semaphore, #tpu.memory_space<semaphore_mem>>) src(%dma_wait3A_61 : memref<80x125xi32, #tpu.memory_space<hbm>>) dst(%arg14 : memref<80x125xi32, #tpu.memory_space<vmem>>)
        tpu.yield
      }) : () -> ()
      %scan3A = arith.constant 0 : i32
      %scan3A_43 = arith.constant 0 : i32
      %scan3A_44 = arith.constant 80 : i32
      %scan3A_45 = arith.addi %scan3A_43, %scan3A_44 : i32
      %scan3A_46 = arith.constant 1 : i32
      scf.for %scan3A_48 = %scan3A_43 to %scan3A_45 step %scan3A_46  : i32 {
        "tpu.region"() ({
          %run_scoped3A = tpu.sem_alloc : memref<!tpu.dma_semaphore, #tpu.memory_space<semaphore_mem>>
          %dma_start3A = arith.constant 0 : i32
          %dma_start3A_49 = tpu.memref_slice %arg13[%scan3A_48, %dma_start3A] : memref<80x125xi32, #tpu.memory_space<vmem>> -> memref<1x125xi32, #tpu.memory_space<vmem>>
          %dma_start3A_50 = tpu.memref_squeeze %dma_start3A_49 : memref<1x125xi32, #tpu.memory_space<vmem>> -> memref<125xi32, #tpu.memory_space<vmem>>
          %dma_start3A_51 = arith.constant 0 : i32
          %dma_start3A_52 = arith.constant 0 : i32
          %dma_start3A_53 = tpu.memref_slice %arg3[%dma_start3A_51, %dma_start3A_52] : memref<10000x128xf32, #tpu.memory_space<hbm>> -> memref<10000x128xf32, #tpu.memory_space<hbm>>
          tpu.enqueue_indirect_dma source(%dma_start3A_53 : memref<10000x128xf32, #tpu.memory_space<hbm>>) target(%arg15 : memref<125x128xf32, #tpu.memory_space<vmem>>) offsets(%dma_start3A_50 : memref<125xi32, #tpu.memory_space<vmem>>) semaphore(%run_scoped3A : memref<!tpu.dma_semaphore, #tpu.memory_space<semaphore_mem>>)
          %dma_wait3A = arith.constant 0 : i32
          %dma_wait3A_54 = tpu.memref_slice %arg13[%scan3A_48, %dma_wait3A] : memref<80x125xi32, #tpu.memory_space<vmem>> -> memref<1x125xi32, #tpu.memory_space<vmem>>
          %dma_wait3A_55 = tpu.memref_squeeze %dma_wait3A_54 : memref<1x125xi32, #tpu.memory_space<vmem>> -> memref<125xi32, #tpu.memory_space<vmem>>
          %dma_wait3A_56 = arith.constant 0 : i32
          %dma_wait3A_57 = arith.constant 0 : i32
          %dma_wait3A_58 = tpu.memref_slice %arg3[%dma_wait3A_56, %dma_wait3A_57] : memref<10000x128xf32, #tpu.memory_space<hbm>> -> memref<10000x128xf32, #tpu.memory_space<hbm>>
          tpu.wait_indirect_dma semaphore(%run_scoped3A : memref<!tpu.dma_semaphore, #tpu.memory_space<semaphore_mem>>) src(%dma_wait3A_58 : memref<10000x128xf32, #tpu.memory_space<hbm>>) dst(%arg15 : memref<125x128xf32, #tpu.memory_space<vmem>>)
          tpu.yield
        }) : () -> ()
        "tpu.region"() ({
          %run_scoped3A = tpu.sem_alloc : memref<!tpu.dma_semaphore, #tpu.memory_space<semaphore_mem>>
          %dma_start3A = arith.constant 0 : i32
          %dma_start3A_49 = tpu.memref_slice %arg14[%scan3A_48, %dma_start3A] : memref<80x125xi32, #tpu.memory_space<vmem>> -> memref<1x125xi32, #tpu.memory_space<vmem>>
          %dma_start3A_50 = tpu.memref_squeeze %dma_start3A_49 : memref<1x125xi32, #tpu.memory_space<vmem>> -> memref<125xi32, #tpu.memory_space<vmem>>
          %dma_start3A_51 = arith.constant 0 : i32
          %dma_start3A_52 = arith.constant 0 : i32
          %dma_start3A_53 = tpu.memref_slice %arg16[%dma_start3A_51, %dma_start3A_52] : memref<10240x128xf32, #tpu.memory_space<vmem_shared>> -> memref<10240x128xf32, #tpu.memory_space<vmem_shared>>
          tpu.enqueue_indirect_dma source(%arg15 : memref<125x128xf32, #tpu.memory_space<vmem>>) target(%dma_start3A_53 : memref<10240x128xf32, #tpu.memory_space<vmem_shared>>) offsets(%dma_start3A_50 : memref<125xi32, #tpu.memory_space<vmem>>) semaphore(%run_scoped3A : memref<!tpu.dma_semaphore, #tpu.memory_space<semaphore_mem>>) {add = true}
          %dma_wait3A = arith.constant 0 : i32
          %dma_wait3A_54 = tpu.memref_slice %arg14[%scan3A_48, %dma_wait3A] : memref<80x125xi32, #tpu.memory_space<vmem>> -> memref<1x125xi32, #tpu.memory_space<vmem>>
          %dma_wait3A_55 = tpu.memref_squeeze %dma_wait3A_54 : memref<1x125xi32, #tpu.memory_space<vmem>> -> memref<125xi32, #tpu.memory_space<vmem>>
          %dma_wait3A_56 = arith.constant 0 : i32
          %dma_wait3A_57 = arith.constant 0 : i32
          %dma_wait3A_58 = tpu.memref_slice %arg16[%dma_wait3A_56, %dma_wait3A_57] : memref<10240x128xf32, #tpu.memory_space<vmem_shared>> -> memref<10240x128xf32, #tpu.memory_space<vmem_shared>>
          tpu.wait_indirect_dma semaphore(%run_scoped3A : memref<!tpu.dma_semaphore, #tpu.memory_space<semaphore_mem>>) src(%arg15 : memref<125x128xf32, #tpu.memory_space<vmem>>) dst(%dma_wait3A_58 : memref<10240x128xf32, #tpu.memory_space<vmem_shared>>)
          tpu.yield
        }) : () -> ()
      }
      %scan3A_47 = arith.constant 80 : i32
    } else {
    }
    %eq3A_27 = arith.constant 1 : i32
    %eq3A_28 = arith.cmpi eq, %arg0, %eq3A_27 : i32
    %convert_element_type3A_29 = arith.extui %eq3A_28 : i1 to i32
    %cond3A_30 = arith.constant 0 : i32
    %cond3A_31 = arith.cmpi ne, %convert_element_type3A_29, %cond3A_30 : i32
    scf.if %cond3A_31 {
      "tpu.region"() ({
        %run_scoped3A = tpu.sem_alloc : memref<!tpu.dma_semaphore, #tpu.memory_space<semaphore_mem>>
        %dma_start3A = arith.constant 0 : i32
        %dma_start3A_48 = arith.constant 0 : i32
        %dma_start3A_49 = tpu.memref_slice %arg6[%arg1, %dma_start3A, %dma_start3A_48] : memref<16x80x125xi32, #tpu.memory_space<hbm>> -> memref<1x80x125xi32, #tpu.memory_space<hbm>>
        %dma_start3A_50 = tpu.memref_squeeze %dma_start3A_49 : memref<1x80x125xi32, #tpu.memory_space<hbm>> -> memref<80x125xi32, #tpu.memory_space<hbm>>
        %dma_start3A_51 = arith.constant 0 : i32
        %dma_start3A_52 = arith.constant 0 : i32
        %dma_start3A_53 = tpu.memref_slice %arg6[%arg1, %dma_start3A_51, %dma_start3A_52] : memref<16x80x125xi32, #tpu.memory_space<hbm>> -> memref<1x80x125xi32, #tpu.memory_space<hbm>>
        %dma_start3A_54 = tpu.memref_squeeze %dma_start3A_53 : memref<1x80x125xi32, #tpu.memory_space<hbm>> -> memref<80x125xi32, #tpu.memory_space<hbm>>
        tpu.enqueue_dma source(%dma_start3A_54 : memref<80x125xi32, #tpu.memory_space<hbm>>) target(%arg13 : memref<80x125xi32, #tpu.memory_space<vmem>>) target_semaphore(%run_scoped3A : memref<!tpu.dma_semaphore, #tpu.memory_space<semaphore_mem>>)
        %dma_wait3A = arith.constant 0 : i32
        %dma_wait3A_55 = arith.constant 0 : i32
        %dma_wait3A_56 = tpu.memref_slice %arg6[%arg1, %dma_wait3A, %dma_wait3A_55] : memref<16x80x125xi32, #tpu.memory_space<hbm>> -> memref<1x80x125xi32, #tpu.memory_space<hbm>>
        %dma_wait3A_57 = tpu.memref_squeeze %dma_wait3A_56 : memref<1x80x125xi32, #tpu.memory_space<hbm>> -> memref<80x125xi32, #tpu.memory_space<hbm>>
        %dma_wait3A_58 = arith.constant 0 : i32
        %dma_wait3A_59 = arith.constant 0 : i32
        %dma_wait3A_60 = tpu.memref_slice %arg6[%arg1, %dma_wait3A_58, %dma_wait3A_59] : memref<16x80x125xi32, #tpu.memory_space<hbm>> -> memref<1x80x125xi32, #tpu.memory_space<hbm>>
        %dma_wait3A_61 = tpu.memref_squeeze %dma_wait3A_60 : memref<1x80x125xi32, #tpu.memory_space<hbm>> -> memref<80x125xi32, #tpu.memory_space<hbm>>
        tpu.wait_dma2 semaphore(%run_scoped3A : memref<!tpu.dma_semaphore, #tpu.memory_space<semaphore_mem>>) src(%dma_wait3A_61 : memref<80x125xi32, #tpu.memory_space<hbm>>) dst(%arg13 : memref<80x125xi32, #tpu.memory_space<vmem>>)
        tpu.yield
      }) : () -> ()
      "tpu.region"() ({
        %run_scoped3A = tpu.sem_alloc : memref<!tpu.dma_semaphore, #tpu.memory_space<semaphore_mem>>
        %dma_start3A = arith.constant 0 : i32
        %dma_start3A_48 = arith.constant 0 : i32
        %dma_start3A_49 = tpu.memref_slice %arg7[%arg1, %dma_start3A, %dma_start3A_48] : memref<16x80x125xi32, #tpu.memory_space<hbm>> -> memref<1x80x125xi32, #tpu.memory_space<hbm>>
        %dma_start3A_50 = tpu.memref_squeeze %dma_start3A_49 : memref<1x80x125xi32, #tpu.memory_space<hbm>> -> memref<80x125xi32, #tpu.memory_space<hbm>>
        %dma_start3A_51 = arith.constant 0 : i32
        %dma_start3A_52 = arith.constant 0 : i32
        %dma_start3A_53 = tpu.memref_slice %arg7[%arg1, %dma_start3A_51, %dma_start3A_52] : memref<16x80x125xi32, #tpu.memory_space<hbm>> -> memref<1x80x125xi32, #tpu.memory_space<hbm>>
        %dma_start3A_54 = tpu.memref_squeeze %dma_start3A_53 : memref<1x80x125xi32, #tpu.memory_space<hbm>> -> memref<80x125xi32, #tpu.memory_space<hbm>>
        tpu.enqueue_dma source(%dma_start3A_54 : memref<80x125xi32, #tpu.memory_space<hbm>>) target(%arg14 : memref<80x125xi32, #tpu.memory_space<vmem>>) target_semaphore(%run_scoped3A : memref<!tpu.dma_semaphore, #tpu.memory_space<semaphore_mem>>)
        %dma_wait3A = arith.constant 0 : i32
        %dma_wait3A_55 = arith.constant 0 : i32
        %dma_wait3A_56 = tpu.memref_slice %arg7[%arg1, %dma_wait3A, %dma_wait3A_55] : memref<16x80x125xi32, #tpu.memory_space<hbm>> -> memref<1x80x125xi32, #tpu.memory_space<hbm>>
        %dma_wait3A_57 = tpu.memref_squeeze %dma_wait3A_56 : memref<1x80x125xi32, #tpu.memory_space<hbm>> -> memref<80x125xi32, #tpu.memory_space<hbm>>
        %dma_wait3A_58 = arith.constant 0 : i32
        %dma_wait3A_59 = arith.constant 0 : i32
        %dma_wait3A_60 = tpu.memref_slice %arg7[%arg1, %dma_wait3A_58, %dma_wait3A_59] : memref<16x80x125xi32, #tpu.memory_space<hbm>> -> memref<1x80x125xi32, #tpu.memory_space<hbm>>
        %dma_wait3A_61 = tpu.memref_squeeze %dma_wait3A_60 : memref<1x80x125xi32, #tpu.memory_space<hbm>> -> memref<80x125xi32, #tpu.memory_space<hbm>>
        tpu.wait_dma2 semaphore(%run_scoped3A : memref<!tpu.dma_semaphore, #tpu.memory_space<semaphore_mem>>) src(%dma_wait3A_61 : memref<80x125xi32, #tpu.memory_space<hbm>>) dst(%arg14 : memref<80x125xi32, #tpu.memory_space<vmem>>)
        tpu.yield
      }) : () -> ()
      %scan3A = arith.constant 0 : i32
      %scan3A_43 = arith.constant 0 : i32
      %scan3A_44 = arith.constant 80 : i32
      %scan3A_45 = arith.addi %scan3A_43, %scan3A_44 : i32
      %scan3A_46 = arith.constant 1 : i32
      scf.for %scan3A_48 = %scan3A_43 to %scan3A_45 step %scan3A_46  : i32 {
        "tpu.region"() ({
          %run_scoped3A = tpu.sem_alloc : memref<!tpu.dma_semaphore, #tpu.memory_space<semaphore_mem>>
          %dma_start3A = arith.constant 0 : i32
          %dma_start3A_49 = tpu.memref_slice %arg13[%scan3A_48, %dma_start3A] : memref<80x125xi32, #tpu.memory_space<vmem>> -> memref<1x125xi32, #tpu.memory_space<vmem>>
          %dma_start3A_50 = tpu.memref_squeeze %dma_start3A_49 : memref<1x125xi32, #tpu.memory_space<vmem>> -> memref<125xi32, #tpu.memory_space<vmem>>
          %dma_start3A_51 = arith.constant 0 : i32
          %dma_start3A_52 = arith.constant 0 : i32
          %dma_start3A_53 = tpu.memref_slice %arg5[%dma_start3A_51, %dma_start3A_52] : memref<10000x128xf32, #tpu.memory_space<hbm>> -> memref<10000x128xf32, #tpu.memory_space<hbm>>
          tpu.enqueue_indirect_dma source(%dma_start3A_53 : memref<10000x128xf32, #tpu.memory_space<hbm>>) target(%arg15 : memref<125x128xf32, #tpu.memory_space<vmem>>) offsets(%dma_start3A_50 : memref<125xi32, #tpu.memory_space<vmem>>) semaphore(%run_scoped3A : memref<!tpu.dma_semaphore, #tpu.memory_space<semaphore_mem>>)
          %dma_wait3A = arith.constant 0 : i32
          %dma_wait3A_54 = tpu.memref_slice %arg13[%scan3A_48, %dma_wait3A] : memref<80x125xi32, #tpu.memory_space<vmem>> -> memref<1x125xi32, #tpu.memory_space<vmem>>
          %dma_wait3A_55 = tpu.memref_squeeze %dma_wait3A_54 : memref<1x125xi32, #tpu.memory_space<vmem>> -> memref<125xi32, #tpu.memory_space<vmem>>
          %dma_wait3A_56 = arith.constant 0 : i32
          %dma_wait3A_57 = arith.constant 0 : i32
          %dma_wait3A_58 = tpu.memref_slice %arg5[%dma_wait3A_56, %dma_wait3A_57] : memref<10000x128xf32, #tpu.memory_space<hbm>> -> memref<10000x128xf32, #tpu.memory_space<hbm>>
          tpu.wait_indirect_dma semaphore(%run_scoped3A : memref<!tpu.dma_semaphore, #tpu.memory_space<semaphore_mem>>) src(%dma_wait3A_58 : memref<10000x128xf32, #tpu.memory_space<hbm>>) dst(%arg15 : memref<125x128xf32, #tpu.memory_space<vmem>>)
          tpu.yield
        }) : () -> ()
        "tpu.region"() ({
          %run_scoped3A = tpu.sem_alloc : memref<!tpu.dma_semaphore, #tpu.memory_space<semaphore_mem>>
          %dma_start3A = arith.constant 0 : i32
          %dma_start3A_49 = tpu.memref_slice %arg14[%scan3A_48, %dma_start3A] : memref<80x125xi32, #tpu.memory_space<vmem>> -> memref<1x125xi32, #tpu.memory_space<vmem>>
          %dma_start3A_50 = tpu.memref_squeeze %dma_start3A_49 : memref<1x125xi32, #tpu.memory_space<vmem>> -> memref<125xi32, #tpu.memory_space<vmem>>
          %dma_start3A_51 = arith.constant 0 : i32
          %dma_start3A_52 = arith.constant 0 : i32
          %dma_start3A_53 = tpu.memref_slice %arg16[%dma_start3A_51, %dma_start3A_52] : memref<10240x128xf32, #tpu.memory_space<vmem_shared>> -> memref<10240x128xf32, #tpu.memory_space<vmem_shared>>
          tpu.enqueue_indirect_dma source(%arg15 : memref<125x128xf32, #tpu.memory_space<vmem>>) target(%dma_start3A_53 : memref<10240x128xf32, #tpu.memory_space<vmem_shared>>) offsets(%dma_start3A_50 : memref<125xi32, #tpu.memory_space<vmem>>) semaphore(%run_scoped3A : memref<!tpu.dma_semaphore, #tpu.memory_space<semaphore_mem>>) {add = true}
          %dma_wait3A = arith.constant 0 : i32
          %dma_wait3A_54 = tpu.memref_slice %arg14[%scan3A_48, %dma_wait3A] : memref<80x125xi32, #tpu.memory_space<vmem>> -> memref<1x125xi32, #tpu.memory_space<vmem>>
          %dma_wait3A_55 = tpu.memref_squeeze %dma_wait3A_54 : memref<1x125xi32, #tpu.memory_space<vmem>> -> memref<125xi32, #tpu.memory_space<vmem>>
          %dma_wait3A_56 = arith.constant 0 : i32
          %dma_wait3A_57 = arith.constant 0 : i32
          %dma_wait3A_58 = tpu.memref_slice %arg16[%dma_wait3A_56, %dma_wait3A_57] : memref<10240x128xf32, #tpu.memory_space<vmem_shared>> -> memref<10240x128xf32, #tpu.memory_space<vmem_shared>>
          tpu.wait_indirect_dma semaphore(%run_scoped3A : memref<!tpu.dma_semaphore, #tpu.memory_space<semaphore_mem>>) src(%arg15 : memref<125x128xf32, #tpu.memory_space<vmem>>) dst(%dma_wait3A_58 : memref<10240x128xf32, #tpu.memory_space<vmem_shared>>)
          tpu.yield
        }) : () -> ()
      }
      %scan3A_47 = arith.constant 80 : i32
    } else {
    }
    %barrier3A_32 = arith.constant 0 : index
    tpu.barrier barrier_id(%barrier3A_32)
    %eq3A_33 = arith.constant 0 : i32
    %eq3A_34 = arith.cmpi eq, %arg0, %eq3A_33 : i32
    %convert_element_type3A_35 = arith.extui %eq3A_34 : i1 to i32
    %cond3A_36 = arith.constant 0 : i32
    %cond3A_37 = arith.cmpi ne, %convert_element_type3A_35, %cond3A_36 : i32
    scf.if %cond3A_37 {
      %mul3A_43 = arith.constant 640 : i32
      %mul3A_44 = arith.muli %arg1, %mul3A_43 : i32
      %mul3A_45 = arith.constant 640 : i32
      %mul3A_46 = arith.muli %arg1, %mul3A_45 : i32
      "tpu.region"() ({
        %run_scoped3A = tpu.sem_alloc : memref<!tpu.dma_semaphore, #tpu.memory_space<semaphore_mem>>
        %dma_start3A = arith.constant 0 : i32
        %dma_start3A_47 = tpu.memref_slice %arg10[%mul3A_46, %dma_start3A] : memref<10240x128xf32, #tpu.memory_space<hbm>> -> memref<640x128xf32, #tpu.memory_space<hbm>>
        %dma_start3A_48 = arith.constant 0 : i32
        %dma_start3A_49 = tpu.memref_slice %arg16[%mul3A_44, %dma_start3A_48] : memref<10240x128xf32, #tpu.memory_space<vmem_shared>> -> memref<640x128xf32, #tpu.memory_space<vmem_shared>>
        tpu.enqueue_dma source(%dma_start3A_49 : memref<640x128xf32, #tpu.memory_space<vmem_shared>>) target(%dma_start3A_47 : memref<640x128xf32, #tpu.memory_space<hbm>>) target_semaphore(%run_scoped3A : memref<!tpu.dma_semaphore, #tpu.memory_space<semaphore_mem>>)
        %dma_wait3A = arith.constant 0 : i32
        %dma_wait3A_50 = tpu.memref_slice %arg10[%mul3A_46, %dma_wait3A] : memref<10240x128xf32, #tpu.memory_space<hbm>> -> memref<640x128xf32, #tpu.memory_space<hbm>>
        %dma_wait3A_51 = arith.constant 0 : i32
        %dma_wait3A_52 = tpu.memref_slice %arg16[%mul3A_44, %dma_wait3A_51] : memref<10240x128xf32, #tpu.memory_space<vmem_shared>> -> memref<640x128xf32, #tpu.memory_space<vmem_shared>>
        tpu.wait_dma2 semaphore(%run_scoped3A : memref<!tpu.dma_semaphore, #tpu.memory_space<semaphore_mem>>) src(%dma_wait3A_52 : memref<640x128xf32, #tpu.memory_space<vmem_shared>>) dst(%dma_wait3A_50 : memref<640x128xf32, #tpu.memory_space<hbm>>)
        tpu.yield
      }) : () -> ()
    } else {
    }
    %eq3A_38 = arith.constant 1 : i32
    %eq3A_39 = arith.cmpi eq, %arg0, %eq3A_38 : i32
    %convert_element_type3A_40 = arith.extui %eq3A_39 : i1 to i32
    %cond3A_41 = arith.constant 0 : i32
    %cond3A_42 = arith.cmpi ne, %convert_element_type3A_40, %cond3A_41 : i32
    scf.if %cond3A_42 {
      %mul3A_43 = arith.constant 640 : i32
      %mul3A_44 = arith.muli %arg1, %mul3A_43 : i32
      %mul3A_45 = arith.constant 640 : i32
      %mul3A_46 = arith.muli %arg1, %mul3A_45 : i32
      "tpu.region"() ({
        %run_scoped3A = tpu.sem_alloc : memref<!tpu.dma_semaphore, #tpu.memory_space<semaphore_mem>>
        %dma_start3A = arith.constant 0 : i32
        %dma_start3A_47 = tpu.memref_slice %arg12[%mul3A_46, %dma_start3A] : memref<10240x128xf32, #tpu.memory_space<hbm>> -> memref<640x128xf32, #tpu.memory_space<hbm>>
        %dma_start3A_48 = arith.constant 0 : i32
        %dma_start3A_49 = tpu.memref_slice %arg16[%mul3A_44, %dma_start3A_48] : memref<10240x128xf32, #tpu.memory_space<vmem_shared>> -> memref<640x128xf32, #tpu.memory_space<vmem_shared>>
        tpu.enqueue_dma source(%dma_start3A_49 : memref<640x128xf32, #tpu.memory_space<vmem_shared>>) target(%dma_start3A_47 : memref<640x128xf32, #tpu.memory_space<hbm>>) target_semaphore(%run_scoped3A : memref<!tpu.dma_semaphore, #tpu.memory_space<semaphore_mem>>)
        %dma_wait3A = arith.constant 0 : i32
        %dma_wait3A_50 = tpu.memref_slice %arg12[%mul3A_46, %dma_wait3A] : memref<10240x128xf32, #tpu.memory_space<hbm>> -> memref<640x128xf32, #tpu.memory_space<hbm>>
        %dma_wait3A_51 = arith.constant 0 : i32
        %dma_wait3A_52 = tpu.memref_slice %arg16[%mul3A_44, %dma_wait3A_51] : memref<10240x128xf32, #tpu.memory_space<vmem_shared>> -> memref<640x128xf32, #tpu.memory_space<vmem_shared>>
        tpu.wait_dma2 semaphore(%run_scoped3A : memref<!tpu.dma_semaphore, #tpu.memory_space<semaphore_mem>>) src(%dma_wait3A_52 : memref<640x128xf32, #tpu.memory_space<vmem_shared>>) dst(%dma_wait3A_50 : memref<640x128xf32, #tpu.memory_space<hbm>>)
        tpu.yield
      }) : () -> ()
    } else {
    }
    return
  }
}

#map = affine_map<(d0, d1) -> (0, 0)>
#map1 = affine_map<(d0, d1) -> (0, 0, 0)>
module attributes {stable_mosaic.version = 14 : i64} {
  func.func @body(%arg0: i32, %arg1: i32, %arg2: memref<10000x128xf32, #tpu.memory_space<hbm>>, %arg3: memref<10000x128xf32, #tpu.memory_space<hbm>>, %arg4: memref<16x80x125xi32, #tpu.memory_space<hbm>>, %arg5: memref<16x80x125xi32, #tpu.memory_space<hbm>>, %arg6: memref<640x128xf32, #tpu.memory_space<hbm>>, %arg7: memref<10240x128xf32, #tpu.memory_space<hbm>>, %arg8: memref<10240x128xf32, #tpu.memory_space<hbm>>, %arg9: memref<80x125xi32, #tpu.memory_space<vmem>>, %arg10: memref<80x125xi32, #tpu.memory_space<vmem>>, %arg11: memref<125x128xf32, #tpu.memory_space<vmem>>, %arg12: memref<10240x128xf32, #tpu.memory_space<vmem_shared>>) attributes {dimension_semantics = [#tpu.dimension_semantics<core_parallel>, #tpu.dimension_semantics<subcore_parallel>], iteration_bounds = array<i64: 2, 16>, scalar_prefetch = 0 : i64, scratch_operands = 4 : i64, tpu.core_type = #tpu.core_type<sc_vector_subcore>, window_params = [{transform_indices = #map}, {transform_indices = #map}, {transform_indices = #map1}, {transform_indices = #map1}, {transform_indices = #map}, {transform_indices = #map}, {transform_indices = #map}]} {
    %mul3A = arith.constant 640 : i32
    %mul3A_0 = arith.muli %arg1, %mul3A : i32
    "tpu.region"() ({
      %run_scoped3A = tpu.sem_alloc : memref<!tpu.dma_semaphore, #tpu.memory_space<semaphore_mem>>
      %dma_start3A = arith.constant 0 : i32
      %dma_start3A_19 = tpu.memref_slice %arg12[%mul3A_0, %dma_start3A] : memref<10240x128xf32, #tpu.memory_space<vmem_shared>> -> memref<640x128xf32, #tpu.memory_space<vmem_shared>>
      tpu.enqueue_dma source(%arg6 : memref<640x128xf32, #tpu.memory_space<hbm>>) target(%dma_start3A_19 : memref<640x128xf32, #tpu.memory_space<vmem_shared>>) target_semaphore(%run_scoped3A : memref<!tpu.dma_semaphore, #tpu.memory_space<semaphore_mem>>)
      %dma_wait3A = arith.constant 0 : i32
      %dma_wait3A_20 = tpu.memref_slice %arg12[%mul3A_0, %dma_wait3A] : memref<10240x128xf32, #tpu.memory_space<vmem_shared>> -> memref<640x128xf32, #tpu.memory_space<vmem_shared>>
      tpu.wait_dma2 semaphore(%run_scoped3A : memref<!tpu.dma_semaphore, #tpu.memory_space<semaphore_mem>>) src(%arg6 : memref<640x128xf32, #tpu.memory_space<hbm>>) dst(%dma_wait3A_20 : memref<640x128xf32, #tpu.memory_space<vmem_shared>>)
      tpu.yield
    }) : () -> ()
    %barrier3A = arith.constant 0 : index
    tpu.barrier barrier_id(%barrier3A)
    %eq3A = arith.constant 0 : i32
    %eq3A_1 = arith.cmpi eq, %arg0, %eq3A : i32
    %convert_element_type3A = arith.extui %eq3A_1 : i1 to i32
    %cond3A = arith.constant 0 : i32
    %cond3A_2 = arith.cmpi ne, %convert_element_type3A, %cond3A : i32
    scf.if %cond3A_2 {
      "tpu.region"() ({
        %run_scoped3A = tpu.sem_alloc : memref<!tpu.dma_semaphore, #tpu.memory_space<semaphore_mem>>
        %dma_start3A = arith.constant 0 : i32
        %dma_start3A_24 = arith.constant 0 : i32
        %dma_start3A_25 = tpu.memref_slice %arg4[%arg1, %dma_start3A, %dma_start3A_24] : memref<16x80x125xi32, #tpu.memory_space<hbm>> -> memref<1x80x125xi32, #tpu.memory_space<hbm>>
        %dma_start3A_26 = tpu.memref_squeeze %dma_start3A_25 : memref<1x80x125xi32, #tpu.memory_space<hbm>> -> memref<80x125xi32, #tpu.memory_space<hbm>>
        %dma_start3A_27 = arith.constant 0 : i32
        %dma_start3A_28 = arith.constant 0 : i32
        %dma_start3A_29 = tpu.memref_slice %arg4[%arg1, %dma_start3A_27, %dma_start3A_28] : memref<16x80x125xi32, #tpu.memory_space<hbm>> -> memref<1x80x125xi32, #tpu.memory_space<hbm>>
        %dma_start3A_30 = tpu.memref_squeeze %dma_start3A_29 : memref<1x80x125xi32, #tpu.memory_space<hbm>> -> memref<80x125xi32, #tpu.memory_space<hbm>>
        tpu.enqueue_dma source(%dma_start3A_30 : memref<80x125xi32, #tpu.memory_space<hbm>>) target(%arg9 : memref<80x125xi32, #tpu.memory_space<vmem>>) target_semaphore(%run_scoped3A : memref<!tpu.dma_semaphore, #tpu.memory_space<semaphore_mem>>)
        %dma_wait3A = arith.constant 0 : i32
        %dma_wait3A_31 = arith.constant 0 : i32
        %dma_wait3A_32 = tpu.memref_slice %arg4[%arg1, %dma_wait3A, %dma_wait3A_31] : memref<16x80x125xi32, #tpu.memory_space<hbm>> -> memref<1x80x125xi32, #tpu.memory_space<hbm>>
        %dma_wait3A_33 = tpu.memref_squeeze %dma_wait3A_32 : memref<1x80x125xi32, #tpu.memory_space<hbm>> -> memref<80x125xi32, #tpu.memory_space<hbm>>
        %dma_wait3A_34 = arith.constant 0 : i32
        %dma_wait3A_35 = arith.constant 0 : i32
        %dma_wait3A_36 = tpu.memref_slice %arg4[%arg1, %dma_wait3A_34, %dma_wait3A_35] : memref<16x80x125xi32, #tpu.memory_space<hbm>> -> memref<1x80x125xi32, #tpu.memory_space<hbm>>
        %dma_wait3A_37 = tpu.memref_squeeze %dma_wait3A_36 : memref<1x80x125xi32, #tpu.memory_space<hbm>> -> memref<80x125xi32, #tpu.memory_space<hbm>>
        tpu.wait_dma2 semaphore(%run_scoped3A : memref<!tpu.dma_semaphore, #tpu.memory_space<semaphore_mem>>) src(%dma_wait3A_37 : memref<80x125xi32, #tpu.memory_space<hbm>>) dst(%arg9 : memref<80x125xi32, #tpu.memory_space<vmem>>)
        tpu.yield
      }) : () -> ()
      "tpu.region"() ({
        %run_scoped3A = tpu.sem_alloc : memref<!tpu.dma_semaphore, #tpu.memory_space<semaphore_mem>>
        %dma_start3A = arith.constant 0 : i32
        %dma_start3A_24 = arith.constant 0 : i32
        %dma_start3A_25 = tpu.memref_slice %arg5[%arg1, %dma_start3A, %dma_start3A_24] : memref<16x80x125xi32, #tpu.memory_space<hbm>> -> memref<1x80x125xi32, #tpu.memory_space<hbm>>
        %dma_start3A_26 = tpu.memref_squeeze %dma_start3A_25 : memref<1x80x125xi32, #tpu.memory_space<hbm>> -> memref<80x125xi32, #tpu.memory_space<hbm>>
        %dma_start3A_27 = arith.constant 0 : i32
        %dma_start3A_28 = arith.constant 0 : i32
        %dma_start3A_29 = tpu.memref_slice %arg5[%arg1, %dma_start3A_27, %dma_start3A_28] : memref<16x80x125xi32, #tpu.memory_space<hbm>> -> memref<1x80x125xi32, #tpu.memory_space<hbm>>
        %dma_start3A_30 = tpu.memref_squeeze %dma_start3A_29 : memref<1x80x125xi32, #tpu.memory_space<hbm>> -> memref<80x125xi32, #tpu.memory_space<hbm>>
        tpu.enqueue_dma source(%dma_start3A_30 : memref<80x125xi32, #tpu.memory_space<hbm>>) target(%arg10 : memref<80x125xi32, #tpu.memory_space<vmem>>) target_semaphore(%run_scoped3A : memref<!tpu.dma_semaphore, #tpu.memory_space<semaphore_mem>>)
        %dma_wait3A = arith.constant 0 : i32
        %dma_wait3A_31 = arith.constant 0 : i32
        %dma_wait3A_32 = tpu.memref_slice %arg5[%arg1, %dma_wait3A, %dma_wait3A_31] : memref<16x80x125xi32, #tpu.memory_space<hbm>> -> memref<1x80x125xi32, #tpu.memory_space<hbm>>
        %dma_wait3A_33 = tpu.memref_squeeze %dma_wait3A_32 : memref<1x80x125xi32, #tpu.memory_space<hbm>> -> memref<80x125xi32, #tpu.memory_space<hbm>>
        %dma_wait3A_34 = arith.constant 0 : i32
        %dma_wait3A_35 = arith.constant 0 : i32
        %dma_wait3A_36 = tpu.memref_slice %arg5[%arg1, %dma_wait3A_34, %dma_wait3A_35] : memref<16x80x125xi32, #tpu.memory_space<hbm>> -> memref<1x80x125xi32, #tpu.memory_space<hbm>>
        %dma_wait3A_37 = tpu.memref_squeeze %dma_wait3A_36 : memref<1x80x125xi32, #tpu.memory_space<hbm>> -> memref<80x125xi32, #tpu.memory_space<hbm>>
        tpu.wait_dma2 semaphore(%run_scoped3A : memref<!tpu.dma_semaphore, #tpu.memory_space<semaphore_mem>>) src(%dma_wait3A_37 : memref<80x125xi32, #tpu.memory_space<hbm>>) dst(%arg10 : memref<80x125xi32, #tpu.memory_space<vmem>>)
        tpu.yield
      }) : () -> ()
      %scan3A = arith.constant 0 : i32
      %scan3A_19 = arith.constant 0 : i32
      %scan3A_20 = arith.constant 80 : i32
      %scan3A_21 = arith.addi %scan3A_19, %scan3A_20 : i32
      %scan3A_22 = arith.constant 1 : i32
      scf.for %scan3A_24 = %scan3A_19 to %scan3A_21 step %scan3A_22  : i32 {
        "tpu.region"() ({
          %run_scoped3A = tpu.sem_alloc : memref<!tpu.dma_semaphore, #tpu.memory_space<semaphore_mem>>
          %dma_start3A = arith.constant 0 : i32
          %dma_start3A_25 = tpu.memref_slice %arg9[%scan3A_24, %dma_start3A] : memref<80x125xi32, #tpu.memory_space<vmem>> -> memref<1x125xi32, #tpu.memory_space<vmem>>
          %dma_start3A_26 = tpu.memref_squeeze %dma_start3A_25 : memref<1x125xi32, #tpu.memory_space<vmem>> -> memref<125xi32, #tpu.memory_space<vmem>>
          %dma_start3A_27 = arith.constant 0 : i32
          %dma_start3A_28 = arith.constant 0 : i32
          %dma_start3A_29 = tpu.memref_slice %arg2[%dma_start3A_27, %dma_start3A_28] : memref<10000x128xf32, #tpu.memory_space<hbm>> -> memref<10000x128xf32, #tpu.memory_space<hbm>>
          tpu.enqueue_indirect_dma source(%dma_start3A_29 : memref<10000x128xf32, #tpu.memory_space<hbm>>) target(%arg11 : memref<125x128xf32, #tpu.memory_space<vmem>>) offsets(%dma_start3A_26 : memref<125xi32, #tpu.memory_space<vmem>>) semaphore(%run_scoped3A : memref<!tpu.dma_semaphore, #tpu.memory_space<semaphore_mem>>)
          %dma_wait3A = arith.constant 0 : i32
          %dma_wait3A_30 = tpu.memref_slice %arg9[%scan3A_24, %dma_wait3A] : memref<80x125xi32, #tpu.memory_space<vmem>> -> memref<1x125xi32, #tpu.memory_space<vmem>>
          %dma_wait3A_31 = tpu.memref_squeeze %dma_wait3A_30 : memref<1x125xi32, #tpu.memory_space<vmem>> -> memref<125xi32, #tpu.memory_space<vmem>>
          %dma_wait3A_32 = arith.constant 0 : i32
          %dma_wait3A_33 = arith.constant 0 : i32
          %dma_wait3A_34 = tpu.memref_slice %arg2[%dma_wait3A_32, %dma_wait3A_33] : memref<10000x128xf32, #tpu.memory_space<hbm>> -> memref<10000x128xf32, #tpu.memory_space<hbm>>
          tpu.wait_indirect_dma semaphore(%run_scoped3A : memref<!tpu.dma_semaphore, #tpu.memory_space<semaphore_mem>>) src(%dma_wait3A_34 : memref<10000x128xf32, #tpu.memory_space<hbm>>) dst(%arg11 : memref<125x128xf32, #tpu.memory_space<vmem>>)
          tpu.yield
        }) : () -> ()
        "tpu.region"() ({
          %run_scoped3A = tpu.sem_alloc : memref<!tpu.dma_semaphore, #tpu.memory_space<semaphore_mem>>
          %dma_start3A = arith.constant 0 : i32
          %dma_start3A_25 = tpu.memref_slice %arg10[%scan3A_24, %dma_start3A] : memref<80x125xi32, #tpu.memory_space<vmem>> -> memref<1x125xi32, #tpu.memory_space<vmem>>
          %dma_start3A_26 = tpu.memref_squeeze %dma_start3A_25 : memref<1x125xi32, #tpu.memory_space<vmem>> -> memref<125xi32, #tpu.memory_space<vmem>>
          %dma_start3A_27 = arith.constant 0 : i32
          %dma_start3A_28 = arith.constant 0 : i32
          %dma_start3A_29 = tpu.memref_slice %arg12[%dma_start3A_27, %dma_start3A_28] : memref<10240x128xf32, #tpu.memory_space<vmem_shared>> -> memref<10240x128xf32, #tpu.memory_space<vmem_shared>>
          tpu.enqueue_indirect_dma source(%arg11 : memref<125x128xf32, #tpu.memory_space<vmem>>) target(%dma_start3A_29 : memref<10240x128xf32, #tpu.memory_space<vmem_shared>>) offsets(%dma_start3A_26 : memref<125xi32, #tpu.memory_space<vmem>>) semaphore(%run_scoped3A : memref<!tpu.dma_semaphore, #tpu.memory_space<semaphore_mem>>) {add = true}
          %dma_wait3A = arith.constant 0 : i32
          %dma_wait3A_30 = tpu.memref_slice %arg10[%scan3A_24, %dma_wait3A] : memref<80x125xi32, #tpu.memory_space<vmem>> -> memref<1x125xi32, #tpu.memory_space<vmem>>
          %dma_wait3A_31 = tpu.memref_squeeze %dma_wait3A_30 : memref<1x125xi32, #tpu.memory_space<vmem>> -> memref<125xi32, #tpu.memory_space<vmem>>
          %dma_wait3A_32 = arith.constant 0 : i32
          %dma_wait3A_33 = arith.constant 0 : i32
          %dma_wait3A_34 = tpu.memref_slice %arg12[%dma_wait3A_32, %dma_wait3A_33] : memref<10240x128xf32, #tpu.memory_space<vmem_shared>> -> memref<10240x128xf32, #tpu.memory_space<vmem_shared>>
          tpu.wait_indirect_dma semaphore(%run_scoped3A : memref<!tpu.dma_semaphore, #tpu.memory_space<semaphore_mem>>) src(%arg11 : memref<125x128xf32, #tpu.memory_space<vmem>>) dst(%dma_wait3A_34 : memref<10240x128xf32, #tpu.memory_space<vmem_shared>>)
          tpu.yield
        }) : () -> ()
      }
      %scan3A_23 = arith.constant 80 : i32
    } else {
    }
    %eq3A_3 = arith.constant 1 : i32
    %eq3A_4 = arith.cmpi eq, %arg0, %eq3A_3 : i32
    %convert_element_type3A_5 = arith.extui %eq3A_4 : i1 to i32
    %cond3A_6 = arith.constant 0 : i32
    %cond3A_7 = arith.cmpi ne, %convert_element_type3A_5, %cond3A_6 : i32
    scf.if %cond3A_7 {
      "tpu.region"() ({
        %run_scoped3A = tpu.sem_alloc : memref<!tpu.dma_semaphore, #tpu.memory_space<semaphore_mem>>
        %dma_start3A = arith.constant 0 : i32
        %dma_start3A_24 = arith.constant 0 : i32
        %dma_start3A_25 = tpu.memref_slice %arg4[%arg1, %dma_start3A, %dma_start3A_24] : memref<16x80x125xi32, #tpu.memory_space<hbm>> -> memref<1x80x125xi32, #tpu.memory_space<hbm>>
        %dma_start3A_26 = tpu.memref_squeeze %dma_start3A_25 : memref<1x80x125xi32, #tpu.memory_space<hbm>> -> memref<80x125xi32, #tpu.memory_space<hbm>>
        %dma_start3A_27 = arith.constant 0 : i32
        %dma_start3A_28 = arith.constant 0 : i32
        %dma_start3A_29 = tpu.memref_slice %arg4[%arg1, %dma_start3A_27, %dma_start3A_28] : memref<16x80x125xi32, #tpu.memory_space<hbm>> -> memref<1x80x125xi32, #tpu.memory_space<hbm>>
        %dma_start3A_30 = tpu.memref_squeeze %dma_start3A_29 : memref<1x80x125xi32, #tpu.memory_space<hbm>> -> memref<80x125xi32, #tpu.memory_space<hbm>>
        tpu.enqueue_dma source(%dma_start3A_30 : memref<80x125xi32, #tpu.memory_space<hbm>>) target(%arg9 : memref<80x125xi32, #tpu.memory_space<vmem>>) target_semaphore(%run_scoped3A : memref<!tpu.dma_semaphore, #tpu.memory_space<semaphore_mem>>)
        %dma_wait3A = arith.constant 0 : i32
        %dma_wait3A_31 = arith.constant 0 : i32
        %dma_wait3A_32 = tpu.memref_slice %arg4[%arg1, %dma_wait3A, %dma_wait3A_31] : memref<16x80x125xi32, #tpu.memory_space<hbm>> -> memref<1x80x125xi32, #tpu.memory_space<hbm>>
        %dma_wait3A_33 = tpu.memref_squeeze %dma_wait3A_32 : memref<1x80x125xi32, #tpu.memory_space<hbm>> -> memref<80x125xi32, #tpu.memory_space<hbm>>
        %dma_wait3A_34 = arith.constant 0 : i32
        %dma_wait3A_35 = arith.constant 0 : i32
        %dma_wait3A_36 = tpu.memref_slice %arg4[%arg1, %dma_wait3A_34, %dma_wait3A_35] : memref<16x80x125xi32, #tpu.memory_space<hbm>> -> memref<1x80x125xi32, #tpu.memory_space<hbm>>
        %dma_wait3A_37 = tpu.memref_squeeze %dma_wait3A_36 : memref<1x80x125xi32, #tpu.memory_space<hbm>> -> memref<80x125xi32, #tpu.memory_space<hbm>>
        tpu.wait_dma2 semaphore(%run_scoped3A : memref<!tpu.dma_semaphore, #tpu.memory_space<semaphore_mem>>) src(%dma_wait3A_37 : memref<80x125xi32, #tpu.memory_space<hbm>>) dst(%arg9 : memref<80x125xi32, #tpu.memory_space<vmem>>)
        tpu.yield
      }) : () -> ()
      "tpu.region"() ({
        %run_scoped3A = tpu.sem_alloc : memref<!tpu.dma_semaphore, #tpu.memory_space<semaphore_mem>>
        %dma_start3A = arith.constant 0 : i32
        %dma_start3A_24 = arith.constant 0 : i32
        %dma_start3A_25 = tpu.memref_slice %arg5[%arg1, %dma_start3A, %dma_start3A_24] : memref<16x80x125xi32, #tpu.memory_space<hbm>> -> memref<1x80x125xi32, #tpu.memory_space<hbm>>
        %dma_start3A_26 = tpu.memref_squeeze %dma_start3A_25 : memref<1x80x125xi32, #tpu.memory_space<hbm>> -> memref<80x125xi32, #tpu.memory_space<hbm>>
        %dma_start3A_27 = arith.constant 0 : i32
        %dma_start3A_28 = arith.constant 0 : i32
        %dma_start3A_29 = tpu.memref_slice %arg5[%arg1, %dma_start3A_27, %dma_start3A_28] : memref<16x80x125xi32, #tpu.memory_space<hbm>> -> memref<1x80x125xi32, #tpu.memory_space<hbm>>
        %dma_start3A_30 = tpu.memref_squeeze %dma_start3A_29 : memref<1x80x125xi32, #tpu.memory_space<hbm>> -> memref<80x125xi32, #tpu.memory_space<hbm>>
        tpu.enqueue_dma source(%dma_start3A_30 : memref<80x125xi32, #tpu.memory_space<hbm>>) target(%arg10 : memref<80x125xi32, #tpu.memory_space<vmem>>) target_semaphore(%run_scoped3A : memref<!tpu.dma_semaphore, #tpu.memory_space<semaphore_mem>>)
        %dma_wait3A = arith.constant 0 : i32
        %dma_wait3A_31 = arith.constant 0 : i32
        %dma_wait3A_32 = tpu.memref_slice %arg5[%arg1, %dma_wait3A, %dma_wait3A_31] : memref<16x80x125xi32, #tpu.memory_space<hbm>> -> memref<1x80x125xi32, #tpu.memory_space<hbm>>
        %dma_wait3A_33 = tpu.memref_squeeze %dma_wait3A_32 : memref<1x80x125xi32, #tpu.memory_space<hbm>> -> memref<80x125xi32, #tpu.memory_space<hbm>>
        %dma_wait3A_34 = arith.constant 0 : i32
        %dma_wait3A_35 = arith.constant 0 : i32
        %dma_wait3A_36 = tpu.memref_slice %arg5[%arg1, %dma_wait3A_34, %dma_wait3A_35] : memref<16x80x125xi32, #tpu.memory_space<hbm>> -> memref<1x80x125xi32, #tpu.memory_space<hbm>>
        %dma_wait3A_37 = tpu.memref_squeeze %dma_wait3A_36 : memref<1x80x125xi32, #tpu.memory_space<hbm>> -> memref<80x125xi32, #tpu.memory_space<hbm>>
        tpu.wait_dma2 semaphore(%run_scoped3A : memref<!tpu.dma_semaphore, #tpu.memory_space<semaphore_mem>>) src(%dma_wait3A_37 : memref<80x125xi32, #tpu.memory_space<hbm>>) dst(%arg10 : memref<80x125xi32, #tpu.memory_space<vmem>>)
        tpu.yield
      }) : () -> ()
      %scan3A = arith.constant 0 : i32
      %scan3A_19 = arith.constant 0 : i32
      %scan3A_20 = arith.constant 80 : i32
      %scan3A_21 = arith.addi %scan3A_19, %scan3A_20 : i32
      %scan3A_22 = arith.constant 1 : i32
      scf.for %scan3A_24 = %scan3A_19 to %scan3A_21 step %scan3A_22  : i32 {
        "tpu.region"() ({
          %run_scoped3A = tpu.sem_alloc : memref<!tpu.dma_semaphore, #tpu.memory_space<semaphore_mem>>
          %dma_start3A = arith.constant 0 : i32
          %dma_start3A_25 = tpu.memref_slice %arg9[%scan3A_24, %dma_start3A] : memref<80x125xi32, #tpu.memory_space<vmem>> -> memref<1x125xi32, #tpu.memory_space<vmem>>
          %dma_start3A_26 = tpu.memref_squeeze %dma_start3A_25 : memref<1x125xi32, #tpu.memory_space<vmem>> -> memref<125xi32, #tpu.memory_space<vmem>>
          %dma_start3A_27 = arith.constant 0 : i32
          %dma_start3A_28 = arith.constant 0 : i32
          %dma_start3A_29 = tpu.memref_slice %arg3[%dma_start3A_27, %dma_start3A_28] : memref<10000x128xf32, #tpu.memory_space<hbm>> -> memref<10000x128xf32, #tpu.memory_space<hbm>>
          tpu.enqueue_indirect_dma source(%dma_start3A_29 : memref<10000x128xf32, #tpu.memory_space<hbm>>) target(%arg11 : memref<125x128xf32, #tpu.memory_space<vmem>>) offsets(%dma_start3A_26 : memref<125xi32, #tpu.memory_space<vmem>>) semaphore(%run_scoped3A : memref<!tpu.dma_semaphore, #tpu.memory_space<semaphore_mem>>)
          %dma_wait3A = arith.constant 0 : i32
          %dma_wait3A_30 = tpu.memref_slice %arg9[%scan3A_24, %dma_wait3A] : memref<80x125xi32, #tpu.memory_space<vmem>> -> memref<1x125xi32, #tpu.memory_space<vmem>>
          %dma_wait3A_31 = tpu.memref_squeeze %dma_wait3A_30 : memref<1x125xi32, #tpu.memory_space<vmem>> -> memref<125xi32, #tpu.memory_space<vmem>>
          %dma_wait3A_32 = arith.constant 0 : i32
          %dma_wait3A_33 = arith.constant 0 : i32
          %dma_wait3A_34 = tpu.memref_slice %arg3[%dma_wait3A_32, %dma_wait3A_33] : memref<10000x128xf32, #tpu.memory_space<hbm>> -> memref<10000x128xf32, #tpu.memory_space<hbm>>
          tpu.wait_indirect_dma semaphore(%run_scoped3A : memref<!tpu.dma_semaphore, #tpu.memory_space<semaphore_mem>>) src(%dma_wait3A_34 : memref<10000x128xf32, #tpu.memory_space<hbm>>) dst(%arg11 : memref<125x128xf32, #tpu.memory_space<vmem>>)
          tpu.yield
        }) : () -> ()
        "tpu.region"() ({
          %run_scoped3A = tpu.sem_alloc : memref<!tpu.dma_semaphore, #tpu.memory_space<semaphore_mem>>
          %dma_start3A = arith.constant 0 : i32
          %dma_start3A_25 = tpu.memref_slice %arg10[%scan3A_24, %dma_start3A] : memref<80x125xi32, #tpu.memory_space<vmem>> -> memref<1x125xi32, #tpu.memory_space<vmem>>
          %dma_start3A_26 = tpu.memref_squeeze %dma_start3A_25 : memref<1x125xi32, #tpu.memory_space<vmem>> -> memref<125xi32, #tpu.memory_space<vmem>>
          %dma_start3A_27 = arith.constant 0 : i32
          %dma_start3A_28 = arith.constant 0 : i32
          %dma_start3A_29 = tpu.memref_slice %arg12[%dma_start3A_27, %dma_start3A_28] : memref<10240x128xf32, #tpu.memory_space<vmem_shared>> -> memref<10240x128xf32, #tpu.memory_space<vmem_shared>>
          tpu.enqueue_indirect_dma source(%arg11 : memref<125x128xf32, #tpu.memory_space<vmem>>) target(%dma_start3A_29 : memref<10240x128xf32, #tpu.memory_space<vmem_shared>>) offsets(%dma_start3A_26 : memref<125xi32, #tpu.memory_space<vmem>>) semaphore(%run_scoped3A : memref<!tpu.dma_semaphore, #tpu.memory_space<semaphore_mem>>) {add = true}
          %dma_wait3A = arith.constant 0 : i32
          %dma_wait3A_30 = tpu.memref_slice %arg10[%scan3A_24, %dma_wait3A] : memref<80x125xi32, #tpu.memory_space<vmem>> -> memref<1x125xi32, #tpu.memory_space<vmem>>
          %dma_wait3A_31 = tpu.memref_squeeze %dma_wait3A_30 : memref<1x125xi32, #tpu.memory_space<vmem>> -> memref<125xi32, #tpu.memory_space<vmem>>
          %dma_wait3A_32 = arith.constant 0 : i32
          %dma_wait3A_33 = arith.constant 0 : i32
          %dma_wait3A_34 = tpu.memref_slice %arg12[%dma_wait3A_32, %dma_wait3A_33] : memref<10240x128xf32, #tpu.memory_space<vmem_shared>> -> memref<10240x128xf32, #tpu.memory_space<vmem_shared>>
          tpu.wait_indirect_dma semaphore(%run_scoped3A : memref<!tpu.dma_semaphore, #tpu.memory_space<semaphore_mem>>) src(%arg11 : memref<125x128xf32, #tpu.memory_space<vmem>>) dst(%dma_wait3A_34 : memref<10240x128xf32, #tpu.memory_space<vmem_shared>>)
          tpu.yield
        }) : () -> ()
      }
      %scan3A_23 = arith.constant 80 : i32
    } else {
    }
    %barrier3A_8 = arith.constant 0 : index
    tpu.barrier barrier_id(%barrier3A_8)
    %eq3A_9 = arith.constant 0 : i32
    %eq3A_10 = arith.cmpi eq, %arg0, %eq3A_9 : i32
    %convert_element_type3A_11 = arith.extui %eq3A_10 : i1 to i32
    %cond3A_12 = arith.constant 0 : i32
    %cond3A_13 = arith.cmpi ne, %convert_element_type3A_11, %cond3A_12 : i32
    scf.if %cond3A_13 {
      %mul3A_19 = arith.constant 640 : i32
      %mul3A_20 = arith.muli %arg1, %mul3A_19 : i32
      %mul3A_21 = arith.constant 640 : i32
      %mul3A_22 = arith.muli %arg1, %mul3A_21 : i32
      "tpu.region"() ({
        %run_scoped3A = tpu.sem_alloc : memref<!tpu.dma_semaphore, #tpu.memory_space<semaphore_mem>>
        %dma_start3A = arith.constant 0 : i32
        %dma_start3A_23 = tpu.memref_slice %arg7[%mul3A_22, %dma_start3A] : memref<10240x128xf32, #tpu.memory_space<hbm>> -> memref<640x128xf32, #tpu.memory_space<hbm>>
        %dma_start3A_24 = arith.constant 0 : i32
        %dma_start3A_25 = tpu.memref_slice %arg12[%mul3A_20, %dma_start3A_24] : memref<10240x128xf32, #tpu.memory_space<vmem_shared>> -> memref<640x128xf32, #tpu.memory_space<vmem_shared>>
        tpu.enqueue_dma source(%dma_start3A_25 : memref<640x128xf32, #tpu.memory_space<vmem_shared>>) target(%dma_start3A_23 : memref<640x128xf32, #tpu.memory_space<hbm>>) target_semaphore(%run_scoped3A : memref<!tpu.dma_semaphore, #tpu.memory_space<semaphore_mem>>)
        %dma_wait3A = arith.constant 0 : i32
        %dma_wait3A_26 = tpu.memref_slice %arg7[%mul3A_22, %dma_wait3A] : memref<10240x128xf32, #tpu.memory_space<hbm>> -> memref<640x128xf32, #tpu.memory_space<hbm>>
        %dma_wait3A_27 = arith.constant 0 : i32
        %dma_wait3A_28 = tpu.memref_slice %arg12[%mul3A_20, %dma_wait3A_27] : memref<10240x128xf32, #tpu.memory_space<vmem_shared>> -> memref<640x128xf32, #tpu.memory_space<vmem_shared>>
        tpu.wait_dma2 semaphore(%run_scoped3A : memref<!tpu.dma_semaphore, #tpu.memory_space<semaphore_mem>>) src(%dma_wait3A_28 : memref<640x128xf32, #tpu.memory_space<vmem_shared>>) dst(%dma_wait3A_26 : memref<640x128xf32, #tpu.memory_space<hbm>>)
        tpu.yield
      }) : () -> ()
    } else {
    }
    %eq3A_14 = arith.constant 1 : i32
    %eq3A_15 = arith.cmpi eq, %arg0, %eq3A_14 : i32
    %convert_element_type3A_16 = arith.extui %eq3A_15 : i1 to i32
    %cond3A_17 = arith.constant 0 : i32
    %cond3A_18 = arith.cmpi ne, %convert_element_type3A_16, %cond3A_17 : i32
    scf.if %cond3A_18 {
      %mul3A_19 = arith.constant 640 : i32
      %mul3A_20 = arith.muli %arg1, %mul3A_19 : i32
      %mul3A_21 = arith.constant 640 : i32
      %mul3A_22 = arith.muli %arg1, %mul3A_21 : i32
      "tpu.region"() ({
        %run_scoped3A = tpu.sem_alloc : memref<!tpu.dma_semaphore, #tpu.memory_space<semaphore_mem>>
        %dma_start3A = arith.constant 0 : i32
        %dma_start3A_23 = tpu.memref_slice %arg8[%mul3A_22, %dma_start3A] : memref<10240x128xf32, #tpu.memory_space<hbm>> -> memref<640x128xf32, #tpu.memory_space<hbm>>
        %dma_start3A_24 = arith.constant 0 : i32
        %dma_start3A_25 = tpu.memref_slice %arg12[%mul3A_20, %dma_start3A_24] : memref<10240x128xf32, #tpu.memory_space<vmem_shared>> -> memref<640x128xf32, #tpu.memory_space<vmem_shared>>
        tpu.enqueue_dma source(%dma_start3A_25 : memref<640x128xf32, #tpu.memory_space<vmem_shared>>) target(%dma_start3A_23 : memref<640x128xf32, #tpu.memory_space<hbm>>) target_semaphore(%run_scoped3A : memref<!tpu.dma_semaphore, #tpu.memory_space<semaphore_mem>>)
        %dma_wait3A = arith.constant 0 : i32
        %dma_wait3A_26 = tpu.memref_slice %arg8[%mul3A_22, %dma_wait3A] : memref<10240x128xf32, #tpu.memory_space<hbm>> -> memref<640x128xf32, #tpu.memory_space<hbm>>
        %dma_wait3A_27 = arith.constant 0 : i32
        %dma_wait3A_28 = tpu.memref_slice %arg12[%mul3A_20, %dma_wait3A_27] : memref<10240x128xf32, #tpu.memory_space<vmem_shared>> -> memref<640x128xf32, #tpu.memory_space<vmem_shared>>
        tpu.wait_dma2 semaphore(%run_scoped3A : memref<!tpu.dma_semaphore, #tpu.memory_space<semaphore_mem>>) src(%dma_wait3A_28 : memref<640x128xf32, #tpu.memory_space<vmem_shared>>) dst(%dma_wait3A_26 : memref<640x128xf32, #tpu.memory_space<hbm>>)
        tpu.yield
      }) : () -> ()
    } else {
    }
    return
  }
}

module attributes {stable_mosaic.version = 14 : i64} {
  func.func @body(%arg0: i32, %arg1: memref<1000x128xf32, #tpu.memory_space<vmem>>, %arg2: memref<1000x128xf32, #tpu.memory_space<vmem>>, %arg3: memref<1000x256xf32, #tpu.memory_space<vmem>>, %arg4: memref<1000x1xf32, #tpu.memory_space<vmem>>, %arg5: memref<1000x128xf32, #tpu.memory_space<vmem>>, %arg6: memref<1000x128xf32, #tpu.memory_space<vmem>>) attributes {dimension_semantics = [#tpu.dimension_semantics<arbitrary>], iteration_bounds = array<i64: 10>, scalar_prefetch = 0 : i64, scratch_operands = 0 : i64, tpu.core_type = #tpu.core_type<tc>, window_params = [{transform_indices = @transform_0, window_bounds = array<i64: 1000, 128>}, {transform_indices = @transform_1, window_bounds = array<i64: 1000, 128>}, {transform_indices = @transform_2, window_bounds = array<i64: 1000, 256>}, {transform_indices = @transform_3, window_bounds = array<i64: 1000, 1>}, {transform_indices = @transform_4, window_bounds = array<i64: 1000, 128>}, {transform_indices = @transform_5, window_bounds = array<i64: 1000, 128>}]} {
    %get3A = arith.constant 0 : index
    %get3A_0 = arith.constant 0 : index
    %get3A_1 = vector.load %arg1[%get3A, %get3A_0] : memref<1000x128xf32, #tpu.memory_space<vmem>>, vector<1000x1xf32>
    %get3A_2 = arith.constant 0 : index
    %get3A_3 = arith.constant 0 : index
    %get3A_4 = vector.load %arg2[%get3A_2, %get3A_3] : memref<1000x128xf32, #tpu.memory_space<vmem>>, vector<1000x1xf32>
    %add3A = arith.addf %get3A_1, %get3A_4 : vector<1000x1xf32>
    %add3A_5 = arith.constant 1.000000e+00 : f32
    %add3A_6 = vector.broadcast %add3A_5 : f32 to vector<1000x1xf32>
    %add3A_7 = arith.addf %add3A, %add3A_6 : vector<1000x1xf32>
    %rsqrt3A = math.rsqrt %add3A_7 : vector<1000x1xf32>
    %swap3A = arith.constant 0 : index
    %swap3A_8 = arith.constant 0 : index
    %swap3A_9 = vector.load %arg4[%swap3A, %swap3A_8] : memref<1000x1xf32, #tpu.memory_space<vmem>>, vector<1000x1xf32>
    tpu.vector_store %arg4[%swap3A, %swap3A_8], %rsqrt3A {strides = array<i32>} : memref<1000x1xf32, #tpu.memory_space<vmem>>, vector<1000x1xf32>,
    %get3A_10 = arith.constant 0 : index
    %get3A_11 = arith.constant 0 : index
    %get3A_12 = vector.load %arg3[%get3A_10, %get3A_11] : memref<1000x256xf32, #tpu.memory_space<vmem>>, vector<1000x256xf32>
    %mul3A = vector.broadcast %rsqrt3A : vector<1000x1xf32> to vector<1000x256xf32>
    %mul3A_13 = arith.mulf %get3A_12, %mul3A : vector<1000x256xf32>
    %slice3A = vector.extract_strided_slice %mul3A_13 {offsets = [0, 0], sizes = [1000, 128], strides = [1, 1]} : vector<1000x256xf32> to vector<1000x128xf32>
    %swap3A_14 = arith.constant 0 : index
    %swap3A_15 = arith.constant 0 : index
    %swap3A_16 = vector.load %arg5[%swap3A_14, %swap3A_15] : memref<1000x128xf32, #tpu.memory_space<vmem>>, vector<1000x128xf32>
    tpu.vector_store %arg5[%swap3A_14, %swap3A_15], %slice3A {strides = array<i32>} : memref<1000x128xf32, #tpu.memory_space<vmem>>, vector<1000x128xf32>,
    %slice3A_17 = vector.extract_strided_slice %mul3A_13 {offsets = [0, 128], sizes = [1000, 128], strides = [1, 1]} : vector<1000x256xf32> to vector<1000x128xf32>
    %swap3A_18 = arith.constant 0 : index
    %swap3A_19 = arith.constant 0 : index
    %swap3A_20 = vector.load %arg6[%swap3A_18, %swap3A_19] : memref<1000x128xf32, #tpu.memory_space<vmem>>, vector<1000x128xf32>
    tpu.vector_store %arg6[%swap3A_18, %swap3A_19], %slice3A_17 {strides = array<i32>} : memref<1000x128xf32, #tpu.memory_space<vmem>>, vector<1000x128xf32>,
    return
  }
  func.func @transform_0(%arg0: i32) -> (i32, i32) {
    %c0_i32 = arith.constant 0 : i32
    %c0_i32_0 = arith.constant 0 : i32
    return %arg0, %c0_i32 : i32, i32
  }
  func.func @transform_1(%arg0: i32) -> (i32, i32) {
    %c0_i32 = arith.constant 0 : i32
    %c0_i32_0 = arith.constant 0 : i32
    return %arg0, %c0_i32 : i32, i32
  }
  func.func @transform_2(%arg0: i32) -> (i32, i32) {
    %c0_i32 = arith.constant 0 : i32
    %c0_i32_0 = arith.constant 0 : i32
    return %arg0, %c0_i32 : i32, i32
  }
  func.func @transform_3(%arg0: i32) -> (i32, i32) {
    %c0_i32 = arith.constant 0 : i32
    %c0_i32_0 = arith.constant 0 : i32
    return %arg0, %c0_i32 : i32, i32
  }
  func.func @transform_4(%arg0: i32) -> (i32, i32) {
    %c0_i32 = arith.constant 0 : i32
    %c0_i32_0 = arith.constant 0 : i32
    return %arg0, %c0_i32 : i32, i32
  }
  func.func @transform_5(%arg0: i32) -> (i32, i32) {
    %c0_i32 = arith.constant 0 : i32
    %c0_i32_0 = arith.constant 0 : i32
    return %arg0, %c0_i32 : i32, i32
  }
}

module attributes {stable_mosaic.version = 14 : i64} {
  func.func @body(%arg0: i32, %arg1: memref<1000x1xf32, #tpu.memory_space<vmem>>, %arg2: memref<1000x128xf32, #tpu.memory_space<vmem>>, %arg3: memref<1000x128xf32, #tpu.memory_space<vmem>>, %arg4: memref<1000x128xf32, #tpu.memory_space<vmem>>, %arg5: memref<1000x128xf32, #tpu.memory_space<vmem>>, %arg6: memref<256x512xf32, #tpu.memory_space<vmem>>, %arg7: memref<1x512xf32, #tpu.memory_space<vmem>>, %arg8: memref<1000x128xf32, #tpu.memory_space<vmem>>, %arg9: memref<1000x128xf32, #tpu.memory_space<vmem>>, %arg10: memref<1000x128xf32, #tpu.memory_space<vmem>>, %arg11: memref<1000x128xf32, #tpu.memory_space<vmem>>) attributes {dimension_semantics = [#tpu.dimension_semantics<arbitrary>], iteration_bounds = array<i64: 10>, scalar_prefetch = 0 : i64, scratch_operands = 0 : i64, tpu.core_type = #tpu.core_type<tc>, window_params = [{transform_indices = @transform_0, window_bounds = array<i64: 1000, 1>}, {transform_indices = @transform_1, window_bounds = array<i64: 1000, 128>}, {transform_indices = @transform_2, window_bounds = array<i64: 1000, 128>}, {transform_indices = @transform_3, window_bounds = array<i64: 1000, 128>}, {transform_indices = @transform_4, window_bounds = array<i64: 1000, 128>}, {pipeline_mode = #tpu.pipeline_mode<synchronous>, transform_indices = @transform_5, window_bounds = array<i64: 256, 512>}, {pipeline_mode = #tpu.pipeline_mode<synchronous>, transform_indices = @transform_6, window_bounds = array<i64: 1, 512>}, {transform_indices = @transform_7, window_bounds = array<i64: 1000, 128>}, {transform_indices = @transform_8, window_bounds = array<i64: 1000, 128>}, {transform_indices = @transform_9, window_bounds = array<i64: 1000, 128>}, {transform_indices = @transform_10, window_bounds = array<i64: 1000, 128>}]} {
    %get3A = arith.constant 0 : index
    %get3A_0 = arith.constant 0 : index
    %get3A_1 = vector.load %arg1[%get3A, %get3A_0] : memref<1000x1xf32, #tpu.memory_space<vmem>>, vector<1000x1xf32>
    %get3A_2 = arith.constant 0 : index
    %get3A_3 = arith.constant 0 : index
    %get3A_4 = vector.load %arg2[%get3A_2, %get3A_3] : memref<1000x128xf32, #tpu.memory_space<vmem>>, vector<1000x128xf32>
    %get3A_5 = arith.constant 0 : index
    %get3A_6 = arith.constant 0 : index
    %get3A_7 = vector.load %arg4[%get3A_5, %get3A_6] : memref<1000x128xf32, #tpu.memory_space<vmem>>, vector<1000x128xf32>
    %add3A = arith.addf %get3A_4, %get3A_7 : vector<1000x128xf32>
    %mul3A = vector.broadcast %get3A_1 : vector<1000x1xf32> to vector<1000x128xf32>
    %mul3A_8 = arith.mulf %add3A, %mul3A : vector<1000x128xf32>
    %get3A_9 = arith.constant 0 : index
    %get3A_10 = arith.constant 0 : index
    %get3A_11 = vector.load %arg6[%get3A_9, %get3A_10] : memref<256x512xf32, #tpu.memory_space<vmem>>, vector<128x512xf32>
    %dot_general3A = arith.constant dense<0.000000e+00> : vector<1000x512xf32>
    %dot_general3A_12 = tpu.matmul %mul3A_8, %get3A_11, %dot_general3A {dimension_numbers = #tpu.dot_dimension_numbers<[1], [0], [0], [1], [0, 0, 1, 1], [], []>, transpose_lhs_hint = false} : vector<1000x128xf32>, vector<128x512xf32>, vector<1000x512xf32> -> vector<1000x512xf32>
    %get3A_13 = arith.constant 0 : index
    %get3A_14 = arith.constant 0 : index
    %get3A_15 = vector.load %arg3[%get3A_13, %get3A_14] : memref<1000x128xf32, #tpu.memory_space<vmem>>, vector<1000x128xf32>
    %get3A_16 = arith.constant 0 : index
    %get3A_17 = arith.constant 0 : index
    %get3A_18 = vector.load %arg5[%get3A_16, %get3A_17] : memref<1000x128xf32, #tpu.memory_space<vmem>>, vector<1000x128xf32>
    %add3A_19 = arith.addf %get3A_15, %get3A_18 : vector<1000x128xf32>
    %mul3A_20 = vector.broadcast %get3A_1 : vector<1000x1xf32> to vector<1000x128xf32>
    %mul3A_21 = arith.mulf %add3A_19, %mul3A_20 : vector<1000x128xf32>
    %get3A_22 = arith.constant 128 : index
    %get3A_23 = arith.constant 0 : index
    %get3A_24 = vector.load %arg6[%get3A_22, %get3A_23] : memref<256x512xf32, #tpu.memory_space<vmem>>, vector<128x512xf32>
    %dot_general3A_25 = arith.constant dense<0.000000e+00> : vector<1000x512xf32>
    %dot_general3A_26 = tpu.matmul %mul3A_21, %get3A_24, %dot_general3A_25 {dimension_numbers = #tpu.dot_dimension_numbers<[1], [0], [0], [1], [0, 0, 1, 1], [], []>, transpose_lhs_hint = false} : vector<1000x128xf32>, vector<128x512xf32>, vector<1000x512xf32> -> vector<1000x512xf32>
    %add3A_27 = arith.addf %dot_general3A_12, %dot_general3A_26 : vector<1000x512xf32>
    %get3A_28 = arith.constant 0 : index
    %get3A_29 = arith.constant 0 : index
    %get3A_30 = vector.load %arg7[%get3A_28, %get3A_29] : memref<1x512xf32, #tpu.memory_space<vmem>>, vector<1x512xf32>
    %add3A_31 = vector.broadcast %get3A_30 : vector<1x512xf32> to vector<1000x512xf32>
    %add3A_32 = arith.addf %add3A_27, %add3A_31 : vector<1000x512xf32>
    %tanh3A = math.tanh %add3A_32 : vector<1000x512xf32>
    %mul3A_33 = vector.broadcast %get3A_1 : vector<1000x1xf32> to vector<1000x512xf32>
    %mul3A_34 = arith.mulf %tanh3A, %mul3A_33 : vector<1000x512xf32>
    %slice3A = vector.extract_strided_slice %mul3A_34 {offsets = [0, 0], sizes = [1000, 128], strides = [1, 1]} : vector<1000x512xf32> to vector<1000x128xf32>
    %swap3A = arith.constant 0 : index
    %swap3A_35 = arith.constant 0 : index
    %swap3A_36 = vector.load %arg8[%swap3A, %swap3A_35] : memref<1000x128xf32, #tpu.memory_space<vmem>>, vector<1000x128xf32>
    tpu.vector_store %arg8[%swap3A, %swap3A_35], %slice3A {strides = array<i32>} : memref<1000x128xf32, #tpu.memory_space<vmem>>, vector<1000x128xf32>,
    %slice3A_37 = vector.extract_strided_slice %mul3A_34 {offsets = [0, 128], sizes = [1000, 128], strides = [1, 1]} : vector<1000x512xf32> to vector<1000x128xf32>
    %swap3A_38 = arith.constant 0 : index
    %swap3A_39 = arith.constant 0 : index
    %swap3A_40 = vector.load %arg9[%swap3A_38, %swap3A_39] : memref<1000x128xf32, #tpu.memory_space<vmem>>, vector<1000x128xf32>
    tpu.vector_store %arg9[%swap3A_38, %swap3A_39], %slice3A_37 {strides = array<i32>} : memref<1000x128xf32, #tpu.memory_space<vmem>>, vector<1000x128xf32>,
    %slice3A_41 = vector.extract_strided_slice %mul3A_34 {offsets = [0, 256], sizes = [1000, 128], strides = [1, 1]} : vector<1000x512xf32> to vector<1000x128xf32>
    %swap3A_42 = arith.constant 0 : index
    %swap3A_43 = arith.constant 0 : index
    %swap3A_44 = vector.load %arg10[%swap3A_42, %swap3A_43] : memref<1000x128xf32, #tpu.memory_space<vmem>>, vector<1000x128xf32>
    tpu.vector_store %arg10[%swap3A_42, %swap3A_43], %slice3A_41 {strides = array<i32>} : memref<1000x128xf32, #tpu.memory_space<vmem>>, vector<1000x128xf32>,
    %slice3A_45 = vector.extract_strided_slice %mul3A_34 {offsets = [0, 384], sizes = [1000, 128], strides = [1, 1]} : vector<1000x512xf32> to vector<1000x128xf32>
    %swap3A_46 = arith.constant 0 : index
    %swap3A_47 = arith.constant 0 : index
    %swap3A_48 = vector.load %arg11[%swap3A_46, %swap3A_47] : memref<1000x128xf32, #tpu.memory_space<vmem>>, vector<1000x128xf32>
    tpu.vector_store %arg11[%swap3A_46, %swap3A_47], %slice3A_45 {strides = array<i32>} : memref<1000x128xf32, #tpu.memory_space<vmem>>, vector<1000x128xf32>,
    return
  }
  func.func @transform_0(%arg0: i32) -> (i32, i32) {
    %c0_i32 = arith.constant 0 : i32
    %c0_i32_0 = arith.constant 0 : i32
    return %arg0, %c0_i32 : i32, i32
  }
  func.func @transform_1(%arg0: i32) -> (i32, i32) {
    %c0_i32 = arith.constant 0 : i32
    %c0_i32_0 = arith.constant 0 : i32
    return %arg0, %c0_i32 : i32, i32
  }
  func.func @transform_2(%arg0: i32) -> (i32, i32) {
    %c0_i32 = arith.constant 0 : i32
    %c0_i32_0 = arith.constant 0 : i32
    return %arg0, %c0_i32 : i32, i32
  }
  func.func @transform_3(%arg0: i32) -> (i32, i32) {
    %c0_i32 = arith.constant 0 : i32
    %c0_i32_0 = arith.constant 0 : i32
    return %arg0, %c0_i32 : i32, i32
  }
  func.func @transform_4(%arg0: i32) -> (i32, i32) {
    %c0_i32 = arith.constant 0 : i32
    %c0_i32_0 = arith.constant 0 : i32
    return %arg0, %c0_i32 : i32, i32
  }
  func.func @transform_5(%arg0: i32) -> (i32, i32) {
    %c0_i32 = arith.constant 0 : i32
    %c0_i32_0 = arith.constant 0 : i32
    %c0_i32_1 = arith.constant 0 : i32
    return %c0_i32, %c0_i32_0 : i32, i32
  }
  func.func @transform_6(%arg0: i32) -> (i32, i32) {
    %c0_i32 = arith.constant 0 : i32
    %c0_i32_0 = arith.constant 0 : i32
    %c0_i32_1 = arith.constant 0 : i32
    return %c0_i32, %c0_i32_0 : i32, i32
  }
  func.func @transform_7(%arg0: i32) -> (i32, i32) {
    %c0_i32 = arith.constant 0 : i32
    %c0_i32_0 = arith.constant 0 : i32
    return %arg0, %c0_i32 : i32, i32
  }
  func.func @transform_8(%arg0: i32) -> (i32, i32) {
    %c0_i32 = arith.constant 0 : i32
    %c0_i32_0 = arith.constant 0 : i32
    return %arg0, %c0_i32 : i32, i32
  }
  func.func @transform_9(%arg0: i32) -> (i32, i32) {
    %c0_i32 = arith.constant 0 : i32
    %c0_i32_0 = arith.constant 0 : i32
    return %arg0, %c0_i32 : i32, i32
  }
  func.func @transform_10(%arg0: i32) -> (i32, i32) {
    %c0_i32 = arith.constant 0 : i32
    %c0_i32_0 = arith.constant 0 : i32
    return %arg0, %c0_i32 : i32, i32
  }
}

module attributes {stable_mosaic.version = 14 : i64} {
  func.func @body(%arg0: i32, %arg1: memref<1000x1xf32, #tpu.memory_space<vmem>>, %arg2: memref<1000x128xf32, #tpu.memory_space<vmem>>, %arg3: memref<1000x128xf32, #tpu.memory_space<vmem>>, %arg4: memref<1000x128xf32, #tpu.memory_space<vmem>>, %arg5: memref<1000x128xf32, #tpu.memory_space<vmem>>, %arg6: memref<1000x128xf32, #tpu.memory_space<vmem>>, %arg7: memref<1000x128xf32, #tpu.memory_space<vmem>>, %arg8: memref<1000x128xf32, #tpu.memory_space<vmem>>, %arg9: memref<1000x128xf32, #tpu.memory_space<vmem>>, %arg10: memref<512x512xf32, #tpu.memory_space<vmem>>, %arg11: memref<1x512xf32, #tpu.memory_space<vmem>>, %arg12: memref<512x256xf32, #tpu.memory_space<vmem>>, %arg13: memref<1000x128xf32, #tpu.memory_space<vmem>>, %arg14: memref<1000x128xf32, #tpu.memory_space<vmem>>) attributes {dimension_semantics = [#tpu.dimension_semantics<arbitrary>], iteration_bounds = array<i64: 10>, scalar_prefetch = 0 : i64, scratch_operands = 0 : i64, tpu.core_type = #tpu.core_type<tc>, window_params = [{transform_indices = @transform_0, window_bounds = array<i64: 1000, 1>}, {transform_indices = @transform_1, window_bounds = array<i64: 1000, 128>}, {transform_indices = @transform_2, window_bounds = array<i64: 1000, 128>}, {transform_indices = @transform_3, window_bounds = array<i64: 1000, 128>}, {transform_indices = @transform_4, window_bounds = array<i64: 1000, 128>}, {transform_indices = @transform_5, window_bounds = array<i64: 1000, 128>}, {transform_indices = @transform_6, window_bounds = array<i64: 1000, 128>}, {transform_indices = @transform_7, window_bounds = array<i64: 1000, 128>}, {transform_indices = @transform_8, window_bounds = array<i64: 1000, 128>}, {pipeline_mode = #tpu.pipeline_mode<synchronous>, transform_indices = @transform_9, window_bounds = array<i64: 512, 512>}, {pipeline_mode = #tpu.pipeline_mode<synchronous>, transform_indices = @transform_10, window_bounds = array<i64: 1, 512>}, {pipeline_mode = #tpu.pipeline_mode<synchronous>, transform_indices = @transform_11, window_bounds = array<i64: 512, 256>}, {transform_indices = @transform_12, window_bounds = array<i64: 1000, 128>}, {transform_indices = @transform_13, window_bounds = array<i64: 1000, 128>}]} {
    %get3A = arith.constant 0 : index
    %get3A_0 = arith.constant 0 : index
    %get3A_1 = vector.load %arg1[%get3A, %get3A_0] : memref<1000x1xf32, #tpu.memory_space<vmem>>, vector<1000x1xf32>
    %get3A_2 = arith.constant 0 : index
    %get3A_3 = arith.constant 0 : index
    %get3A_4 = vector.load %arg2[%get3A_2, %get3A_3] : memref<1000x128xf32, #tpu.memory_space<vmem>>, vector<1000x128xf32>
    %get3A_5 = arith.constant 0 : index
    %get3A_6 = arith.constant 0 : index
    %get3A_7 = vector.load %arg6[%get3A_5, %get3A_6] : memref<1000x128xf32, #tpu.memory_space<vmem>>, vector<1000x128xf32>
    %add3A = arith.addf %get3A_4, %get3A_7 : vector<1000x128xf32>
    %mul3A = vector.broadcast %get3A_1 : vector<1000x1xf32> to vector<1000x128xf32>
    %mul3A_8 = arith.mulf %add3A, %mul3A : vector<1000x128xf32>
    %get3A_9 = arith.constant 0 : index
    %get3A_10 = arith.constant 0 : index
    %get3A_11 = vector.load %arg10[%get3A_9, %get3A_10] : memref<512x512xf32, #tpu.memory_space<vmem>>, vector<128x512xf32>
    %dot_general3A = arith.constant dense<0.000000e+00> : vector<1000x512xf32>
    %dot_general3A_12 = tpu.matmul %mul3A_8, %get3A_11, %dot_general3A {dimension_numbers = #tpu.dot_dimension_numbers<[1], [0], [0], [1], [0, 0, 1, 1], [], []>, transpose_lhs_hint = false} : vector<1000x128xf32>, vector<128x512xf32>, vector<1000x512xf32> -> vector<1000x512xf32>
    %get3A_13 = arith.constant 0 : index
    %get3A_14 = arith.constant 0 : index
    %get3A_15 = vector.load %arg3[%get3A_13, %get3A_14] : memref<1000x128xf32, #tpu.memory_space<vmem>>, vector<1000x128xf32>
    %get3A_16 = arith.constant 0 : index
    %get3A_17 = arith.constant 0 : index
    %get3A_18 = vector.load %arg7[%get3A_16, %get3A_17] : memref<1000x128xf32, #tpu.memory_space<vmem>>, vector<1000x128xf32>
    %add3A_19 = arith.addf %get3A_15, %get3A_18 : vector<1000x128xf32>
    %mul3A_20 = vector.broadcast %get3A_1 : vector<1000x1xf32> to vector<1000x128xf32>
    %mul3A_21 = arith.mulf %add3A_19, %mul3A_20 : vector<1000x128xf32>
    %get3A_22 = arith.constant 128 : index
    %get3A_23 = arith.constant 0 : index
    %get3A_24 = vector.load %arg10[%get3A_22, %get3A_23] : memref<512x512xf32, #tpu.memory_space<vmem>>, vector<128x512xf32>
    %dot_general3A_25 = arith.constant dense<0.000000e+00> : vector<1000x512xf32>
    %dot_general3A_26 = tpu.matmul %mul3A_21, %get3A_24, %dot_general3A_25 {dimension_numbers = #tpu.dot_dimension_numbers<[1], [0], [0], [1], [0, 0, 1, 1], [], []>, transpose_lhs_hint = false} : vector<1000x128xf32>, vector<128x512xf32>, vector<1000x512xf32> -> vector<1000x512xf32>
    %add3A_27 = arith.addf %dot_general3A_12, %dot_general3A_26 : vector<1000x512xf32>
    %get3A_28 = arith.constant 0 : index
    %get3A_29 = arith.constant 0 : index
    %get3A_30 = vector.load %arg4[%get3A_28, %get3A_29] : memref<1000x128xf32, #tpu.memory_space<vmem>>, vector<1000x128xf32>
    %get3A_31 = arith.constant 0 : index
    %get3A_32 = arith.constant 0 : index
    %get3A_33 = vector.load %arg8[%get3A_31, %get3A_32] : memref<1000x128xf32, #tpu.memory_space<vmem>>, vector<1000x128xf32>
    %add3A_34 = arith.addf %get3A_30, %get3A_33 : vector<1000x128xf32>
    %mul3A_35 = vector.broadcast %get3A_1 : vector<1000x1xf32> to vector<1000x128xf32>
    %mul3A_36 = arith.mulf %add3A_34, %mul3A_35 : vector<1000x128xf32>
    %get3A_37 = arith.constant 256 : index
    %get3A_38 = arith.constant 0 : index
    %get3A_39 = vector.load %arg10[%get3A_37, %get3A_38] : memref<512x512xf32, #tpu.memory_space<vmem>>, vector<128x512xf32>
    %dot_general3A_40 = arith.constant dense<0.000000e+00> : vector<1000x512xf32>
    %dot_general3A_41 = tpu.matmul %mul3A_36, %get3A_39, %dot_general3A_40 {dimension_numbers = #tpu.dot_dimension_numbers<[1], [0], [0], [1], [0, 0, 1, 1], [], []>, transpose_lhs_hint = false} : vector<1000x128xf32>, vector<128x512xf32>, vector<1000x512xf32> -> vector<1000x512xf32>
    %add3A_42 = arith.addf %add3A_27, %dot_general3A_41 : vector<1000x512xf32>
    %get3A_43 = arith.constant 0 : index
    %get3A_44 = arith.constant 0 : index
    %get3A_45 = vector.load %arg5[%get3A_43, %get3A_44] : memref<1000x128xf32, #tpu.memory_space<vmem>>, vector<1000x128xf32>
    %get3A_46 = arith.constant 0 : index
    %get3A_47 = arith.constant 0 : index
    %get3A_48 = vector.load %arg9[%get3A_46, %get3A_47] : memref<1000x128xf32, #tpu.memory_space<vmem>>, vector<1000x128xf32>
    %add3A_49 = arith.addf %get3A_45, %get3A_48 : vector<1000x128xf32>
    %mul3A_50 = vector.broadcast %get3A_1 : vector<1000x1xf32> to vector<1000x128xf32>
    %mul3A_51 = arith.mulf %add3A_49, %mul3A_50 : vector<1000x128xf32>
    %get3A_52 = arith.constant 384 : index
    %get3A_53 = arith.constant 0 : index
    %get3A_54 = vector.load %arg10[%get3A_52, %get3A_53] : memref<512x512xf32, #tpu.memory_space<vmem>>, vector<128x512xf32>
    %dot_general3A_55 = arith.constant dense<0.000000e+00> : vector<1000x512xf32>
    %dot_general3A_56 = tpu.matmul %mul3A_51, %get3A_54, %dot_general3A_55 {dimension_numbers = #tpu.dot_dimension_numbers<[1], [0], [0], [1], [0, 0, 1, 1], [], []>, transpose_lhs_hint = false} : vector<1000x128xf32>, vector<128x512xf32>, vector<1000x512xf32> -> vector<1000x512xf32>
    %add3A_57 = arith.addf %add3A_42, %dot_general3A_56 : vector<1000x512xf32>
    %get3A_58 = arith.constant 0 : index
    %get3A_59 = arith.constant 0 : index
    %get3A_60 = vector.load %arg11[%get3A_58, %get3A_59] : memref<1x512xf32, #tpu.memory_space<vmem>>, vector<1x512xf32>
    %add3A_61 = vector.broadcast %get3A_60 : vector<1x512xf32> to vector<1000x512xf32>
    %add3A_62 = arith.addf %add3A_57, %add3A_61 : vector<1000x512xf32>
    %tanh3A = math.tanh %add3A_62 : vector<1000x512xf32>
    %get3A_63 = arith.constant 0 : index
    %get3A_64 = arith.constant 0 : index
    %get3A_65 = vector.load %arg12[%get3A_63, %get3A_64] : memref<512x256xf32, #tpu.memory_space<vmem>>, vector<512x256xf32>
    %dot_general3A_66 = arith.constant dense<0.000000e+00> : vector<1000x256xf32>
    %dot_general3A_67 = tpu.matmul %tanh3A, %get3A_65, %dot_general3A_66 {dimension_numbers = #tpu.dot_dimension_numbers<[1], [0], [0], [1], [0, 0, 1, 1], [], []>, transpose_lhs_hint = false} : vector<1000x512xf32>, vector<512x256xf32>, vector<1000x256xf32> -> vector<1000x256xf32>
    %mul3A_68 = vector.broadcast %get3A_1 : vector<1000x1xf32> to vector<1000x256xf32>
    %mul3A_69 = arith.mulf %dot_general3A_67, %mul3A_68 : vector<1000x256xf32>
    %slice3A = vector.extract_strided_slice %mul3A_69 {offsets = [0, 0], sizes = [1000, 128], strides = [1, 1]} : vector<1000x256xf32> to vector<1000x128xf32>
    %swap3A = arith.constant 0 : index
    %swap3A_70 = arith.constant 0 : index
    %swap3A_71 = vector.load %arg13[%swap3A, %swap3A_70] : memref<1000x128xf32, #tpu.memory_space<vmem>>, vector<1000x128xf32>
    tpu.vector_store %arg13[%swap3A, %swap3A_70], %slice3A {strides = array<i32>} : memref<1000x128xf32, #tpu.memory_space<vmem>>, vector<1000x128xf32>,
    %slice3A_72 = vector.extract_strided_slice %mul3A_69 {offsets = [0, 128], sizes = [1000, 128], strides = [1, 1]} : vector<1000x256xf32> to vector<1000x128xf32>
    %swap3A_73 = arith.constant 0 : index
    %swap3A_74 = arith.constant 0 : index
    %swap3A_75 = vector.load %arg14[%swap3A_73, %swap3A_74] : memref<1000x128xf32, #tpu.memory_space<vmem>>, vector<1000x128xf32>
    tpu.vector_store %arg14[%swap3A_73, %swap3A_74], %slice3A_72 {strides = array<i32>} : memref<1000x128xf32, #tpu.memory_space<vmem>>, vector<1000x128xf32>,
    return
  }
  func.func @transform_0(%arg0: i32) -> (i32, i32) {
    %c0_i32 = arith.constant 0 : i32
    %c0_i32_0 = arith.constant 0 : i32
    return %arg0, %c0_i32 : i32, i32
  }
  func.func @transform_1(%arg0: i32) -> (i32, i32) {
    %c0_i32 = arith.constant 0 : i32
    %c0_i32_0 = arith.constant 0 : i32
    return %arg0, %c0_i32 : i32, i32
  }
  func.func @transform_2(%arg0: i32) -> (i32, i32) {
    %c0_i32 = arith.constant 0 : i32
    %c0_i32_0 = arith.constant 0 : i32
    return %arg0, %c0_i32 : i32, i32
  }
  func.func @transform_3(%arg0: i32) -> (i32, i32) {
    %c0_i32 = arith.constant 0 : i32
    %c0_i32_0 = arith.constant 0 : i32
    return %arg0, %c0_i32 : i32, i32
  }
  func.func @transform_4(%arg0: i32) -> (i32, i32) {
    %c0_i32 = arith.constant 0 : i32
    %c0_i32_0 = arith.constant 0 : i32
    return %arg0, %c0_i32 : i32, i32
  }
  func.func @transform_5(%arg0: i32) -> (i32, i32) {
    %c0_i32 = arith.constant 0 : i32
    %c0_i32_0 = arith.constant 0 : i32
    return %arg0, %c0_i32 : i32, i32
  }
  func.func @transform_6(%arg0: i32) -> (i32, i32) {
    %c0_i32 = arith.constant 0 : i32
    %c0_i32_0 = arith.constant 0 : i32
    return %arg0, %c0_i32 : i32, i32
  }
  func.func @transform_7(%arg0: i32) -> (i32, i32) {
    %c0_i32 = arith.constant 0 : i32
    %c0_i32_0 = arith.constant 0 : i32
    return %arg0, %c0_i32 : i32, i32
  }
  func.func @transform_8(%arg0: i32) -> (i32, i32) {
    %c0_i32 = arith.constant 0 : i32
    %c0_i32_0 = arith.constant 0 : i32
    return %arg0, %c0_i32 : i32, i32
  }
  func.func @transform_9(%arg0: i32) -> (i32, i32) {
    %c0_i32 = arith.constant 0 : i32
    %c0_i32_0 = arith.constant 0 : i32
    %c0_i32_1 = arith.constant 0 : i32
    return %c0_i32, %c0_i32_0 : i32, i32
  }
  func.func @transform_10(%arg0: i32) -> (i32, i32) {
    %c0_i32 = arith.constant 0 : i32
    %c0_i32_0 = arith.constant 0 : i32
    %c0_i32_1 = arith.constant 0 : i32
    return %c0_i32, %c0_i32_0 : i32, i32
  }
  func.func @transform_11(%arg0: i32) -> (i32, i32) {
    %c0_i32 = arith.constant 0 : i32
    %c0_i32_0 = arith.constant 0 : i32
    %c0_i32_1 = arith.constant 0 : i32
    return %c0_i32, %c0_i32_0 : i32, i32
  }
  func.func @transform_12(%arg0: i32) -> (i32, i32) {
    %c0_i32 = arith.constant 0 : i32
    %c0_i32_0 = arith.constant 0 : i32
    return %arg0, %c0_i32 : i32, i32
  }
  func.func @transform_13(%arg0: i32) -> (i32, i32) {
    %c0_i32 = arith.constant 0 : i32
    %c0_i32_0 = arith.constant 0 : i32
    return %arg0, %c0_i32 : i32, i32
  }
}

module attributes {stable_mosaic.version = 14 : i64} {
  func.func @body(%arg0: i32, %arg1: memref<1000x1xf32, #tpu.memory_space<vmem>>, %arg2: memref<1000x128xf32, #tpu.memory_space<vmem>>, %arg3: memref<1000x128xf32, #tpu.memory_space<vmem>>, %arg4: memref<1000x128xf32, #tpu.memory_space<vmem>>, %arg5: memref<1000x128xf32, #tpu.memory_space<vmem>>, %arg6: memref<1x256xf32, #tpu.memory_space<vmem>>, %arg7: memref<1000x256xf32, #tpu.memory_space<vmem>>) attributes {dimension_semantics = [#tpu.dimension_semantics<arbitrary>], iteration_bounds = array<i64: 10>, scalar_prefetch = 0 : i64, scratch_operands = 0 : i64, tpu.core_type = #tpu.core_type<tc>, window_params = [{transform_indices = @transform_0, window_bounds = array<i64: 1000, 1>}, {transform_indices = @transform_1, window_bounds = array<i64: 1000, 128>}, {transform_indices = @transform_2, window_bounds = array<i64: 1000, 128>}, {transform_indices = @transform_3, window_bounds = array<i64: 1000, 128>}, {transform_indices = @transform_4, window_bounds = array<i64: 1000, 128>}, {pipeline_mode = #tpu.pipeline_mode<synchronous>, transform_indices = @transform_5, window_bounds = array<i64: 1, 256>}, {transform_indices = @transform_6, window_bounds = array<i64: 1000, 256>}]} {
    %get3A = arith.constant 0 : index
    %get3A_0 = arith.constant 0 : index
    %get3A_1 = vector.load %arg1[%get3A, %get3A_0] : memref<1000x1xf32, #tpu.memory_space<vmem>>, vector<1000x1xf32>
    %get3A_2 = arith.constant 0 : index
    %get3A_3 = arith.constant 0 : index
    %get3A_4 = vector.load %arg2[%get3A_2, %get3A_3] : memref<1000x128xf32, #tpu.memory_space<vmem>>, vector<1000x128xf32>
    %get3A_5 = arith.constant 0 : index
    %get3A_6 = arith.constant 0 : index
    %get3A_7 = vector.load %arg4[%get3A_5, %get3A_6] : memref<1000x128xf32, #tpu.memory_space<vmem>>, vector<1000x128xf32>
    %add3A = arith.addf %get3A_4, %get3A_7 : vector<1000x128xf32>
    %mul3A = vector.broadcast %get3A_1 : vector<1000x1xf32> to vector<1000x128xf32>
    %mul3A_8 = arith.mulf %add3A, %mul3A : vector<1000x128xf32>
    %get3A_9 = arith.constant 0 : index
    %get3A_10 = arith.constant 0 : index
    %get3A_11 = vector.load %arg3[%get3A_9, %get3A_10] : memref<1000x128xf32, #tpu.memory_space<vmem>>, vector<1000x128xf32>
    %get3A_12 = arith.constant 0 : index
    %get3A_13 = arith.constant 0 : index
    %get3A_14 = vector.load %arg5[%get3A_12, %get3A_13] : memref<1000x128xf32, #tpu.memory_space<vmem>>, vector<1000x128xf32>
    %add3A_15 = arith.addf %get3A_11, %get3A_14 : vector<1000x128xf32>
    %mul3A_16 = vector.broadcast %get3A_1 : vector<1000x1xf32> to vector<1000x128xf32>
    %mul3A_17 = arith.mulf %add3A_15, %mul3A_16 : vector<1000x128xf32>
    %concatenate3A = tpu.concatenate %mul3A_8, %mul3A_17 in 1 : vector<1000x128xf32>, vector<1000x128xf32> -> vector<1000x256xf32>
    %get3A_18 = arith.constant 0 : index
    %get3A_19 = arith.constant 0 : index
    %get3A_20 = vector.load %arg6[%get3A_18, %get3A_19] : memref<1x256xf32, #tpu.memory_space<vmem>>, vector<1x256xf32>
    %add3A_21 = vector.broadcast %get3A_20 : vector<1x256xf32> to vector<1000x256xf32>
    %add3A_22 = arith.addf %concatenate3A, %add3A_21 : vector<1000x256xf32>
    %swap3A = arith.constant 0 : index
    %swap3A_23 = arith.constant 0 : index
    %swap3A_24 = vector.load %arg7[%swap3A, %swap3A_23] : memref<1000x256xf32, #tpu.memory_space<vmem>>, vector<1000x256xf32>
    tpu.vector_store %arg7[%swap3A, %swap3A_23], %add3A_22 {strides = array<i32>} : memref<1000x256xf32, #tpu.memory_space<vmem>>, vector<1000x256xf32>,
    return
  }
  func.func @transform_0(%arg0: i32) -> (i32, i32) {
    %c0_i32 = arith.constant 0 : i32
    %c0_i32_0 = arith.constant 0 : i32
    return %arg0, %c0_i32 : i32, i32
  }
  func.func @transform_1(%arg0: i32) -> (i32, i32) {
    %c0_i32 = arith.constant 0 : i32
    %c0_i32_0 = arith.constant 0 : i32
    return %arg0, %c0_i32 : i32, i32
  }
  func.func @transform_2(%arg0: i32) -> (i32, i32) {
    %c0_i32 = arith.constant 0 : i32
    %c0_i32_0 = arith.constant 0 : i32
    return %arg0, %c0_i32 : i32, i32
  }
  func.func @transform_3(%arg0: i32) -> (i32, i32) {
    %c0_i32 = arith.constant 0 : i32
    %c0_i32_0 = arith.constant 0 : i32
    return %arg0, %c0_i32 : i32, i32
  }
  func.func @transform_4(%arg0: i32) -> (i32, i32) {
    %c0_i32 = arith.constant 0 : i32
    %c0_i32_0 = arith.constant 0 : i32
    return %arg0, %c0_i32 : i32, i32
  }
  func.func @transform_5(%arg0: i32) -> (i32, i32) {
    %c0_i32 = arith.constant 0 : i32
    %c0_i32_0 = arith.constant 0 : i32
    %c0_i32_1 = arith.constant 0 : i32
    return %c0_i32, %c0_i32_0 : i32, i32
  }
  func.func @transform_6(%arg0: i32) -> (i32, i32) {
    %c0_i32 = arith.constant 0 : i32
    %c0_i32_0 = arith.constant 0 : i32
    return %arg0, %c0_i32 : i32, i32
  }
}

</mosaic_0001>

<sc_bundles>
// kernel: kernel.10.cloned.1.call-start
scs
__scs_entry_jumppad:
0x0: {  	(pc) =	sbr.rel $0x88, $3  }
0x1: {  	(tag) =	ssettag $0x0;
	lr =	simm.s32 $0x1  }
0x2: {  	[smem:$0x3F99] =	sst lr;
	_ =	strace $0xD0000000  }
0x3: {  	_ = 	snop  }
0x4: {  	_ = 	snop  }
0x5: {  	_ = 	snop  }
0x6: {  	_ = 	snop  }
0x7: {  	_ = 	snop  }
__scs_overlays_trampoline_lowered:
0x8: {  	[smem:$0x3FA8] =	sst s0  }
0x9: {  	[smem:$0x3FA9] =	sst s1  }
0xa: {  	[smem:$0x3FAA] =	sst s2  }
0xb: {  	[smem:$0x3FAB] =	sst s3  }
0xc: {  	[smem:$0x3FAC] =	sst s4  }
0xd: {  	[smem:$0x3FAD] =	sst s5  }
0xe: {  	[smem:$0x3FAE] =	sst s6  }
0xf: {  	[smem:$0x3FAF] =	sst s7  }
0x10: {  	[smem:$0x3FB0] =	sst s8  }
0x11: {  	[smem:$0x3FB1] =	sst s9;
	s0 =	simm.s32 @!p0 $0x0  }
0x12: {  	s1 =	sld [smem:$0x3F97];
	s0 =	simm.s32 @p0 $0x1  }
0x13: {  	[smem:$0x3FB2] =	sst s0;
	s0 =	simm.s32 @!p1 $0x0  }
0x14: {  	s2 =	sld [smem:$0x3F96];
	s0 =	simm.s32 @p1 $0x1  }
0x15: {  	[smem:$0x3FB3] =	sst s0;
	s0 =	simm.s32 @!p2 $0x0  }
0x16: {  	s3 =	sld [smem:$0x3FDB];
	s0 =	simm.s32 @p2 $0x1  }
0x17: {  	s4 =	simm.s32 $0x1BF5;
	[smem:$0x3FB5] =	sst s0  }
0x18: {  	s0 =	sld [smem:$0x3F98];
	_ =	swait.ge [sflag:s4], $0x0  }
0x19: {  	s7 =	sld [smem:$0x3F99]  }
0x1a: {  	s8 =	sadd.s32 $0xFFFFE003, lr  }
0x1b: {  	s9 =	sadd.s32 $0xFFFFFEF7, lr;
	s5 =	simm.s32 $0xFFFFFFFF;
	p2 =	slt.u32 s8, $0xFFFFF086  }
0x1c: {  	p1 =	slt.u32 s9, $0xF7A;
	s5 =	simm.s32 @!p2 $0x0  }
0x1d: {  	s5 =	simm.s32 @p1 $0x1;
	p0 =	seq.s32 s7, s2  }
0x1e: {  	s7 =	smul.u32 @!p0 $0xF7A, s2;
	p2 =	seq.s32 @!p0 s5, $0x0  }
0x1f: {  	s9 =	smul.u32 $0xF7A, s1;
	s8 =	simm.s32 @!p0 $0x1BF5;
	p2 =	por !p2, p0  }
0x20: {  	[sflag:s8] =	ssyncset.s32 @!p0 $0xFFFFF086;
	s6 =	sadd.s32 @!p0 s3, s7;
	s7 =	simm.s32 @!p0 $0x108  }
0x21: {  	s3 =	sadd.s32 s3, s9;
	s6 =	sadd.s32 @!p0 $0x88, s6;
	s7 =	simm.s32 @p2 $0x1082  }
0x22: {  	[simem:s7], [sflag:s8] =	dma.local @!p0 [hbm:s6], $0xF7A  }
0x23: {  	s9 =	sor.u32 $0xD0000000, s2;
	s6 =	simm.s32 $0x108;
	_ =	swait.ge @!p0 [sflag:s8], $0x0  }
0x24: {  	s3 =	sadd.s32 $0x88, s3;
	s6 =	simm.s32 @!p1 $0x1082;
	[sflag:s4] =	ssyncset.s32 $0xFFFFF086  }
0x25: {  	[simem:s6], [sflag:s4] =	dma.local [hbm:s3], $0xF7A  }
0x26: {  	[smem:$0x3F99] =	sst s1;
	(tag) =	ssettag s2;
	_ =	strace s9  }
0x27: {  	s1 =	sld [smem:$0x3FA9]  }
0x28: {  	s2 =	sld [smem:$0x3FAA]  }
0x29: {  	s4 =	sld [smem:$0x3FAC]  }
0x2a: {  	p0 =	seq.s32 s5, $0x0;
	s5 =	sld [smem:$0x3FAD]  }
0x2b: {  	s6 =	sld [smem:$0x3FAE]  }
0x2c: {  	s7 =	sld [smem:$0x3FAF]  }
0x2d: {  	s3 =	simm.s32 $0x108;
	s8 =	sld [smem:$0x3FB0]  }
0x2e: {  	s3 =	simm.s32 @!p0 $0x1082;
	s9 =	sld [smem:$0x3FB1]  }
0x2f: {  	lr =	sadd.s32 s0, s3;
	s0 =	sld [smem:$0x3FA8]  }
0x30: {  	s3 =	sld [smem:$0x3FAB]  }
0x31: {  	[smem:$0x3FB4] =	sst s10  }
0x32: {  	s10 =	sld [smem:$0x3FB2];
	_ =	sdelay $0x3  }
0x33: {  	p0 =	seq.s32 s10, $0x1;
	s10 =	sld [smem:$0x3FB4];
	_ =	sdelay $0x3  }
0x34: {  	[smem:$0x3FB4] =	sst s10  }
0x35: {  	s10 =	sld [smem:$0x3FB3];
	_ =	sdelay $0x3  }
0x36: {  	p1 =	seq.s32 s10, $0x1;
	s10 =	sld [smem:$0x3FB4];
	_ =	sdelay $0x3  }
0x37: {  	[smem:$0x3FB4] =	sst s10  }
0x38: {  	s10 =	sld [smem:$0x3FB5]  }
0x39: {  	_ = 	snop;
	(pc) =	sbr.ind lr, $3  }
0x3a: {  	_ = 	snop  }
0x3b: {  	_ = 	snop  }
0x3c: {  	p2 =	seq.s32 s10, $0x1;
	s10 =	sld [smem:$0x3FB4]  }
0x3d: {  	_ =	shalt  }
0x3e: {  	_ =	shalt  }
0x3f: {  	_ =	shalt  }
0x40: {  	_ =	shalt  }
0x41: {  	_ =	shalt  }
0x42: {  	_ =	shalt  }
0x43: {  	_ =	shalt  }
0x44: {  	_ =	shalt  }
0x45: {  	_ =	shalt  }
0x46: {  	_ =	shalt  }
0x47: {  	_ =	shalt  }
0x48: {  	_ =	shalt  }
0x49: {  	_ =	shalt  }
0x4a: {  	_ =	shalt  }
0x4b: {  	_ =	shalt  }
0x4c: {  	_ =	shalt  }
0x4d: {  	_ =	shalt  }
0x4e: {  	_ =	shalt  }
0x4f: {  	_ =	shalt  }
0x50: {  	_ =	shalt  }
0x51: {  	_ =	shalt  }
0x52: {  	_ =	shalt  }
0x53: {  	_ =	shalt  }
0x54: {  	_ =	shalt  }
0x55: {  	_ =	shalt  }
0x56: {  	_ =	shalt  }
0x57: {  	_ =	shalt  }
0x58: {  	_ =	shalt  }
0x59: {  	_ =	shalt  }
0x5a: {  	_ =	shalt  }
0x5b: {  	_ =	shalt  }
0x5c: {  	_ =	shalt  }
0x5d: {  	_ =	shalt  }
0x5e: {  	_ =	shalt  }
0x5f: {  	_ =	shalt  }
0x60: {  	_ =	shalt  }
0x61: {  	_ =	shalt  }
0x62: {  	_ =	shalt  }
0x63: {  	_ =	shalt  }
0x64: {  	_ =	shalt  }
0x65: {  	_ =	shalt  }
0x66: {  	_ =	shalt  }
0x67: {  	_ =	shalt  }
0x68: {  	_ =	shalt  }
0x69: {  	_ =	shalt  }
0x6a: {  	_ =	shalt  }
0x6b: {  	_ =	shalt  }
0x6c: {  	_ =	shalt  }
0x6d: {  	_ =	shalt  }
0x6e: {  	_ =	shalt  }
0x6f: {  	_ =	shalt  }
0x70: {  	_ =	shalt  }
0x71: {  	_ =	shalt  }
0x72: {  	_ =	shalt  }
0x73: {  	_ =	shalt  }
0x74: {  	_ =	shalt  }
0x75: {  	_ =	shalt  }
0x76: {  	_ =	shalt  }
0x77: {  	_ =	shalt  }
0x78: {  	_ =	shalt  }
0x79: {  	_ =	shalt  }
0x7a: {  	_ =	shalt  }
0x7b: {  	_ =	shalt  }
0x7c: {  	_ =	shalt  }
0x7d: {  	_ =	shalt  }
0x7e: {  	_ =	shalt  }
0x7f: {  	_ =	shalt  }
0x80: {  	_ =	shalt  }
0x81: {  	_ =	shalt  }
0x82: {  	_ =	shalt  }
0x83: {  	_ =	shalt  }
0x84: {  	_ =	shalt  }
0x85: {  	_ =	shalt  }
0x86: {  	_ =	shalt  }
0x87: {  	_ =	shalt  }
.Lfunc_end0:
.L_simem_size_0:
called_computation_lowered:
.L_overlay_start_0:
0x88: {  	s2 =	sld [smem:$0x3FD9]  }
0x89: {  	s3 =	sld [smem:$0x3FFE];
	_ =	sdelay $0x1  }
0x8a: {  	s1 =	srdreg.scid  }
0x8b: {  	s0 =	sand.u32 $0x1, s1  }
0x8c: {  	s17 =	sshll.u32 s0, $0xA;
	s2 =	sadd.s32 s3, s2  }
0x8d: {  	s2 =	sadd.s32 s2, s17  }
0x8e: {  	[smem:$0x3FC0] =	sst s2  }
0x8f: {  	_ = 	snop  }
0x90: {  	s2 =	sld [smem:$0x3FD0];
	(tm) =	ssettm $0x1  }
0x91: {  	s18 =	sld [smem:$0x3FFB];
	_ =	sdelay $0x3  }
0x92: {  	_ =	strace s18  }
0x93: {  	s3 =	sld [smem:$0x3FFC];
	_ =	sdelay $0x3  }
0x94: {  	_ =	strace s3  }
0x95: {  	s3 =	sld [smem:$0x3FFD];
	_ =	sdelay $0x3  }
0x96: {  	_ =	strace s3  }
0x97: {  	_ =	strace $0x8FFFFFFF  }
0x98: {  	s19 =	sld [smem:$0x3FDB];
	_ =	sdelay $0x1  }
0x99: {  	s4 =	simm.s32 $_scs_section_size  }
0x9a: {  	s5 =	simm.s32 $_size__tile_overlayer_lowered;
	s6 =	simm.s32 $_tile_overlayer_lowered  }
0x9b: {  	s22 =	simm.s32 $0x1BFF;
	s21 =	sshll.u32 s6, $0x1;
	s3 =	sadd.s32 s4, s19  }
0x9c: {  	s7 =	simm.s32 $0x0;
	s20 =	sshll.u32 s5, $0x1;
	s5 =	sadd.s32 s21, s3  }
0x9d: {  	[timem:s7], [sflag:s22] =	dma.local [hbm:s5], s20  }
0x9e: {  	_ =	swait.ge [sflag:s22], s20  }
0x9f: {  	s4 =	ssub.s32 $0x0, s20;
	[sflag:s22] =	ssyncset.done $0x0  }
0xa0: {  	[sflag:s22] =	ssyncadd.s32 s4;
	_ =	sdelay $0x1  }
0xa1: {  	s23 =	simm.s32 $0x1B8B  }
0xa2: {  	_ =	swait.ge [sflag:s23], $0x1  }
0xa3: {  	[sflag:s23] =	ssyncset.done $0x0  }
0xa4: {  	s25 =	simm.s32 $0x1B8E;
	s24 =	sld [smem:$0x3FFE];
	[sflag:s23] =	ssyncadd.s32 $0xFFFFFFFF  }
0xa5: {  	s26 =	simm.s32 $execute0_lowered;
	[smem:$0x3FD2] =	sst s25  }
0xa6: {  	s5 =	sshll.u32 s26, $0x1;
	_ =	strace $0x80000046;
	[dreg:$0x1] =	wrdreg $0xFFFFFFFF  }
0xa7: {  	s28 =	simm.s32 $_size_execute0_lowered;
	s3 =	sadd.s32 s3, s5;
	[dreg:$0x0] =	wrdreg $0x0  }
0xa8: {  	s5 =	sshll.u32 s28, $0x1;
	[dreg:$0x2] =	wrdreg s3  }
0xa9: {  	[dreg:$0x3] =	wrdreg s5  }
0xaa: {  	[dreg:$0x4] =	wrdreg $0xC0  }
0xab: {  	_ =	task [dreg:s7], $0x5FFFF  }
0xac: {  	[dreg:$0x1] =	wrdreg $0xFFFFFFFF  }
0xad: {  	[dreg:$0x0] =	wrdreg $0x60  }
0xae: {  	[dreg:$0x2] =	wrdreg s24  }
0xaf: {  	[dreg:$0x3] =	wrdreg s2  }
0xb0: {  	[dreg:$0x4] =	wrdreg $0x54000  }
0xb1: {  	[dreg:$0x5] =	wrdreg $0x9  }
0xb2: {  	_ =	task.clear_ibuf [dreg:s7], $0x6FFFF;
	_ =	strace $0x90000046  }
0xb3: {  	s29 =	simm.s32 $0x9;
	_ =	strace $0x80000048  }
0xb4: {  	_ =	swait.ge [sflag:s29], $0x1  }
0xb5: {  	[sflag:s29] =	ssyncadd.s32 $0xFFFFFFFF  }
0xb6: {  	_ =	strace $0x90000048  }
0xb7: {  	_ =	sfence  }
0xb8: {  	s30 =	sld [smem:$0x0];
	_ =	sdelay $0x2  }
0xb9: {  	s31 =	sshll.u32 s1, $0xD;
	s1 =	sshrl.u32 s1, $0x2  }
0xba: {  	s3 =	sand.u32 $0x4000, s31;
	s1 =	sadd.s32 s1, s30  }
0xbb: {  	s0 =	sor.u32 s3, s0;
	s1 =	sshll.u32 s1, $0x11  }
0xbc: {  	s0 =	sor.u32 s1, s0  }
0xbd: {  	s0 =	sadd.s32 $0x8F2B, s0  }
0xbe: {  	[sflag:s0] =	ssyncadd.remote.s32 $0x1  }
0xbf: {  	_ =	sfence.sel $0xFFFF  }
0xc0: {  	[dreg:$0x0] =	wrdreg $0xFFFFFFFF;
	(pc) =	sbr.abs _section_cstart, $3  }
0xc1: {  	[dreg:$0x1] =	wrdreg $0xFFFFFFFF  }
0xc2: {  	_ =	task.clear_ibuf [dreg:s7], $0x2FFFF;
	_ =	strace $0x9FFFFFFF  }
0xc3: {  	(tm) =	ssettm $0x7FFFFFFF  }
tec
execute0_lowered:
.L_overlay_start_1:
0x0: {  	(tag) =	ssettag $0x1  }
0x1: {  	s6 =	rddreg [dreg:$0x0]  }
0x2: {  	s0 =	srdreg.scid;
	s8 =	rddreg [dreg:$0x1]  }
0x3: {  	s2 =	rddreg [dreg:$0x2];
	s3 =	simm.s32 $0x0;
	s7 =	sand.u32 $0x1, s0  }
0x4: {  	s0 =	stileid.u32;
	[smem:$0x7FF] =	sst s3;
	s5 =	sadd.s32 $0x9E00, s6  }
0x5: {  	s13 =	sadd.s32 $0xCE00, s6;
	s1 =	sshll.u32 s7, $0x4;
	s12 =	smul.u32 $0x50000, s0  }
0x6: {  	s10 =	ssub.s32 $0x2, s7;
	p0 =	seq.s32 s7, $0x1;
	s30 =	smul.u32 $0x2800, s0  }
0x7: {  	s31 =	sshll.u32 s0, $0x6;
	s4 =	sor.u32 s0, s1;
	s1 =	rddreg [dreg:$0x3]  }
0x8: {  	_ =	strace $0x80000047;
	s11 =	sshrl.u32 s10, $0x1;
	s8 =	smov.u32 @p0 s13  }
0x9: {  	s13 =	simm.s32 $0x7D;
	s4 =	smul.u32 $0x280, s4;
	s10 =	ssub.s32 s10, s11  }
0xa: {  	s29 =	sshrl.u32 s12, $0x2;
	s8 =	sadd.s32 s8, s30;
	s11 =	sor.u32 $0x1C01, s31  }
0xb: {  	s14 =	sadd.s32 s29, s2;
	s7 =	smax.u32 s10, $0x1;
	s10 =	simm.s32 $0x1400  }
0xc: {  	s9 =	sadd.s32 s4, s6;
	s4 =	sadd.s32 $0xA600, s6;
	s12 =	sshrl.u32 s14, $0x3  }
0xd: {  	s14 =	simm.s32 $0x0;
	s6 =	sadd.s32 $0x4E00, s9;
	s9 =	simm.s32 $0x1  }
.LBB2_1:
0xe: {  	[tilespmem:s3], [sflag:$0x1] =	stream.linear.gather [hbm4b:s6+s3], $0x1400, $0x38;
	[tilespmem:$0x19400] =	vst v63  }
0xf: {  	_ =	swait.ge [sflag:s9], $0x1400  }
0x10: {  	[sflag:s9] =	ssyncset.done $0x0  }
0x11: {  	[sflag:s9] =	ssyncadd.s32 $0xFFFFEC00  }
0x12: {  	[tilespmem:s10], [sflag:$0x1] =	stream.linear.gather [hbm4b:s5+s3], $0x3E80, $0x38;
	[tilespmem:$0x19400] =	vst v63  }
0x13: {  	_ =	swait.ge [sflag:s9], $0x3E80  }
0x14: {  	[sflag:s9] =	ssyncset.done $0x0  }
0x15: {  	[sflag:s9] =	ssyncadd.s32 $0xFFFFC180  }
0x16: {  	[spmem:s12], [sflag:s11] =	dma.local [hbm:s4], $0x2800  }
0x17: {  	_ =	swait.ge [sflag:s9], $0x2800  }
0x18: {  	[sflag:s9] =	ssyncset.done $0x0  }
0x19: {  	[sflag:s9] =	ssyncadd.s32 $0xFFFFD800  }
0x1a: {  	s15 =	simm.s32 $0x0;
	[bflag:$0x0] =	sbarrier.arrive $0xFFFF  }
0x1b: {  	[spmem:s2] =	stream.indirect.scatter.add.f32 [tilespmem:s10], [sflag:$0x1], $0x80, s15, s13, $0xb8;
	[tilespmem:$0x19400] =	vst v63  }
0x1c: {  	_ =	swait.ge [sflag:s9], $0x3E80  }
0x1d: {  	s15 =	simm.s32 $0x200;
	[sflag:s9] =	ssyncset.done $0x0  }
.LBB2_2:
0x1e: {  	s16 =	sshra.s32 s15, $0x2;
	[sflag:s9] =	ssyncadd.s32 $0xFFFFC180;
	p0 =	sne.s32 s15, $0x4E00  }
0x1f: {  	[spmem:s2] =	stream.indirect.scatter.add.f32 [tilespmem:s10], [sflag:$0x1], $0x80, s16, s13, $0xb8;
	[tilespmem:$0x19400] =	vst v63  }
.Ltmp0:
0x20: {  	_ = 	snop;
	(pc) =	sbr.rel @p0 .LBB2_2-.Ltmp0, $4  }
0x21: {  	_ = 	snop  }
0x22: {  	s15 =	sadd.s32 $0x200, s15  }
0x23: {  	_ =	swait.ge [sflag:s9], $0x3E80  }
0x24: {  	[sflag:s9] =	ssyncset.done $0x0  }
0x25: {  	s14 =	sadd.s32 $0x1, s14  }
0x26: {  	[sflag:s9] =	ssyncadd.s32 $0xFFFFC180;
	p0 =	sne.s32 s14, s7  }
.Ltmp1:
0x27: {  	[bflag:$0x0] =	sbarrier.arrive $0xFFFF;
	(pc) =	sbr.rel @p0 .LBB2_1-.Ltmp1, $4  }
0x28: {  	[hbm:s8], [sflag:s11] =	dma.local [spmem:s12], $0x2800  }
0x29: {  	_ =	swait.ge [sflag:s9], $0x2800  }
0x2a: {  	[sflag:s9] =	ssyncset.done $0x0  }
0x2b: {  	[sflag:s9] =	ssyncadd.s32 $0xFFFFD800  }
0x2c: {  	_ =	sfence.sel $0x180000  }
0x2d: {  	[bflag:$0x0] =	sbarrier.arrive $0xFFFF  }
0x2e: {  	p0 =	sne.s32 s0, $0x0;
	_ =	strace $0x90000047  }
0x2f: {  	s0 =	sadd.s32 @!p0 $0x100000, s1;
	[bflag:$0x2] =	sbarrier.arrive $0xFFFF  }
0x30: {  	[sflag:s0] =	ssyncadd.tile.s32 @!p0 $0x1;
	_ =	shalt  }
.Lfunc_end2:
_tile_overlayer_lowered:
.L_overlay_start_2:
0x31: {  	(tag) =	ssettag $0x2  }
0x32: {  	s0 =	rddreg [dreg:$0x0];
	s2 =	stileid.u32  }
0x33: {  	s1 =	rddreg [dreg:$0x1];
	p0 =	sne.s32 s2, $0x0  }
0x34: {  	s3 =	rddreg [dreg:$0x2];
	[bflag:$0x3] =	sbarrier.arrive $0xFFFF;
	s2 =	simm.s32 @!p0 $0x1C01  }
0x35: {  	[timem:s3], [sflag:s2] =	dma.local @!p0 [hbm:s0], s1  }
0x36: {  	s0 =	simm.s32 @!p0 $0x1  }
0x37: {  	_ =	swait.ge @!p0 [sflag:s0], s1  }
0x38: {  	s1 =	ssub.s32 @!p0 $0x0, s1;
	[sflag:s0] =	ssyncset.done @!p0 $0x0  }
0x39: {  	[sflag:s0] =	ssyncadd.s32 @!p0 s1  }
0x3a: {  	[bflag:$0x3] =	sbarrier.arrive $0xFFFF  }
0x3b: {  	_ =	shalt  }

// kernel: kernel.13.cloned.1.call-start
scs
__scs_entry_jumppad:
0x0: {  	(pc) =	sbr.rel $0x88, $3  }
0x1: {  	(tag) =	ssettag $0x0;
	lr =	simm.s32 $0x1  }
0x2: {  	[smem:$0x3F99] =	sst lr;
	_ =	strace $0xD0000000  }
0x3: {  	_ = 	snop  }
0x4: {  	_ = 	snop  }
0x5: {  	_ = 	snop  }
0x6: {  	_ = 	snop  }
0x7: {  	_ = 	snop  }
__scs_overlays_trampoline_lowered:
0x8: {  	[smem:$0x3FA8] =	sst s0  }
0x9: {  	[smem:$0x3FA9] =	sst s1  }
0xa: {  	[smem:$0x3FAA] =	sst s2  }
0xb: {  	[smem:$0x3FAB] =	sst s3  }
0xc: {  	[smem:$0x3FAC] =	sst s4  }
0xd: {  	[smem:$0x3FAD] =	sst s5  }
0xe: {  	[smem:$0x3FAE] =	sst s6  }
0xf: {  	[smem:$0x3FAF] =	sst s7  }
0x10: {  	[smem:$0x3FB0] =	sst s8  }
0x11: {  	[smem:$0x3FB1] =	sst s9;
	s0 =	simm.s32 @!p0 $0x0  }
0x12: {  	s1 =	sld [smem:$0x3F97];
	s0 =	simm.s32 @p0 $0x1  }
0x13: {  	[smem:$0x3FB2] =	sst s0;
	s0 =	simm.s32 @!p1 $0x0  }
0x14: {  	s2 =	sld [smem:$0x3F96];
	s0 =	simm.s32 @p1 $0x1  }
0x15: {  	[smem:$0x3FB3] =	sst s0;
	s0 =	simm.s32 @!p2 $0x0  }
0x16: {  	s3 =	sld [smem:$0x3FDB];
	s0 =	simm.s32 @p2 $0x1  }
0x17: {  	s4 =	simm.s32 $0x1BF5;
	[smem:$0x3FB5] =	sst s0  }
0x18: {  	s0 =	sld [smem:$0x3F98];
	_ =	swait.ge [sflag:s4], $0x0  }
0x19: {  	s7 =	sld [smem:$0x3F99]  }
0x1a: {  	s8 =	sadd.s32 $0xFFFFE003, lr  }
0x1b: {  	s9 =	sadd.s32 $0xFFFFFEF7, lr;
	s5 =	simm.s32 $0xFFFFFFFF;
	p2 =	slt.u32 s8, $0xFFFFF086  }
0x1c: {  	p1 =	slt.u32 s9, $0xF7A;
	s5 =	simm.s32 @!p2 $0x0  }
0x1d: {  	s5 =	simm.s32 @p1 $0x1;
	p0 =	seq.s32 s7, s2  }
0x1e: {  	s7 =	smul.u32 @!p0 $0xF7A, s2;
	p2 =	seq.s32 @!p0 s5, $0x0  }
0x1f: {  	s9 =	smul.u32 $0xF7A, s1;
	s8 =	simm.s32 @!p0 $0x1BF5;
	p2 =	por !p2, p0  }
0x20: {  	[sflag:s8] =	ssyncset.s32 @!p0 $0xFFFFF086;
	s6 =	sadd.s32 @!p0 s3, s7;
	s7 =	simm.s32 @!p0 $0x108  }
0x21: {  	s3 =	sadd.s32 s3, s9;
	s6 =	sadd.s32 @!p0 $0x88, s6;
	s7 =	simm.s32 @p2 $0x1082  }
0x22: {  	[simem:s7], [sflag:s8] =	dma.local @!p0 [hbm:s6], $0xF7A  }
0x23: {  	s9 =	sor.u32 $0xD0000000, s2;
	s6 =	simm.s32 $0x108;
	_ =	swait.ge @!p0 [sflag:s8], $0x0  }
0x24: {  	s3 =	sadd.s32 $0x88, s3;
	s6 =	simm.s32 @!p1 $0x1082;
	[sflag:s4] =	ssyncset.s32 $0xFFFFF086  }
0x25: {  	[simem:s6], [sflag:s4] =	dma.local [hbm:s3], $0xF7A  }
0x26: {  	[smem:$0x3F99] =	sst s1;
	(tag) =	ssettag s2;
	_ =	strace s9  }
0x27: {  	s1 =	sld [smem:$0x3FA9]  }
0x28: {  	s2 =	sld [smem:$0x3FAA]  }
0x29: {  	s4 =	sld [smem:$0x3FAC]  }
0x2a: {  	p0 =	seq.s32 s5, $0x0;
	s5 =	sld [smem:$0x3FAD]  }
0x2b: {  	s6 =	sld [smem:$0x3FAE]  }
0x2c: {  	s7 =	sld [smem:$0x3FAF]  }
0x2d: {  	s3 =	simm.s32 $0x108;
	s8 =	sld [smem:$0x3FB0]  }
0x2e: {  	s3 =	simm.s32 @!p0 $0x1082;
	s9 =	sld [smem:$0x3FB1]  }
0x2f: {  	lr =	sadd.s32 s0, s3;
	s0 =	sld [smem:$0x3FA8]  }
0x30: {  	s3 =	sld [smem:$0x3FAB]  }
0x31: {  	[smem:$0x3FB4] =	sst s10  }
0x32: {  	s10 =	sld [smem:$0x3FB2];
	_ =	sdelay $0x3  }
0x33: {  	p0 =	seq.s32 s10, $0x1;
	s10 =	sld [smem:$0x3FB4];
	_ =	sdelay $0x3  }
0x34: {  	[smem:$0x3FB4] =	sst s10  }
0x35: {  	s10 =	sld [smem:$0x3FB3];
	_ =	sdelay $0x3  }
0x36: {  	p1 =	seq.s32 s10, $0x1;
	s10 =	sld [smem:$0x3FB4];
	_ =	sdelay $0x3  }
0x37: {  	[smem:$0x3FB4] =	sst s10  }
0x38: {  	s10 =	sld [smem:$0x3FB5]  }
0x39: {  	_ = 	snop;
	(pc) =	sbr.ind lr, $3  }
0x3a: {  	_ = 	snop  }
0x3b: {  	_ = 	snop  }
0x3c: {  	p2 =	seq.s32 s10, $0x1;
	s10 =	sld [smem:$0x3FB4]  }
0x3d: {  	_ =	shalt  }
0x3e: {  	_ =	shalt  }
0x3f: {  	_ =	shalt  }
0x40: {  	_ =	shalt  }
0x41: {  	_ =	shalt  }
0x42: {  	_ =	shalt  }
0x43: {  	_ =	shalt  }
0x44: {  	_ =	shalt  }
0x45: {  	_ =	shalt  }
0x46: {  	_ =	shalt  }
0x47: {  	_ =	shalt  }
0x48: {  	_ =	shalt  }
0x49: {  	_ =	shalt  }
0x4a: {  	_ =	shalt  }
0x4b: {  	_ =	shalt  }
0x4c: {  	_ =	shalt  }
0x4d: {  	_ =	shalt  }
0x4e: {  	_ =	shalt  }
0x4f: {  	_ =	shalt  }
0x50: {  	_ =	shalt  }
0x51: {  	_ =	shalt  }
0x52: {  	_ =	shalt  }
0x53: {  	_ =	shalt  }
0x54: {  	_ =	shalt  }
0x55: {  	_ =	shalt  }
0x56: {  	_ =	shalt  }
0x57: {  	_ =	shalt  }
0x58: {  	_ =	shalt  }
0x59: {  	_ =	shalt  }
0x5a: {  	_ =	shalt  }
0x5b: {  	_ =	shalt  }
0x5c: {  	_ =	shalt  }
0x5d: {  	_ =	shalt  }
0x5e: {  	_ =	shalt  }
0x5f: {  	_ =	shalt  }
0x60: {  	_ =	shalt  }
0x61: {  	_ =	shalt  }
0x62: {  	_ =	shalt  }
0x63: {  	_ =	shalt  }
0x64: {  	_ =	shalt  }
0x65: {  	_ =	shalt  }
0x66: {  	_ =	shalt  }
0x67: {  	_ =	shalt  }
0x68: {  	_ =	shalt  }
0x69: {  	_ =	shalt  }
0x6a: {  	_ =	shalt  }
0x6b: {  	_ =	shalt  }
0x6c: {  	_ =	shalt  }
0x6d: {  	_ =	shalt  }
0x6e: {  	_ =	shalt  }
0x6f: {  	_ =	shalt  }
0x70: {  	_ =	shalt  }
0x71: {  	_ =	shalt  }
0x72: {  	_ =	shalt  }
0x73: {  	_ =	shalt  }
0x74: {  	_ =	shalt  }
0x75: {  	_ =	shalt  }
0x76: {  	_ =	shalt  }
0x77: {  	_ =	shalt  }
0x78: {  	_ =	shalt  }
0x79: {  	_ =	shalt  }
0x7a: {  	_ =	shalt  }
0x7b: {  	_ =	shalt  }
0x7c: {  	_ =	shalt  }
0x7d: {  	_ =	shalt  }
0x7e: {  	_ =	shalt  }
0x7f: {  	_ =	shalt  }
0x80: {  	_ =	shalt  }
0x81: {  	_ =	shalt  }
0x82: {  	_ =	shalt  }
0x83: {  	_ =	shalt  }
0x84: {  	_ =	shalt  }
0x85: {  	_ =	shalt  }
0x86: {  	_ =	shalt  }
0x87: {  	_ =	shalt  }
.Lfunc_end0:
.L_simem_size_0:
called_computation.1_lowered:
.L_overlay_start_0:
0x88: {  	s2 =	sld [smem:$0x3FD9]  }
0x89: {  	s3 =	sld [smem:$0x3FFE];
	_ =	sdelay $0x1  }
0x8a: {  	s1 =	srdreg.scid  }
0x8b: {  	s0 =	sand.u32 $0x1, s1  }
0x8c: {  	s17 =	sshll.u32 s0, $0xA;
	s2 =	sadd.s32 s3, s2  }
0x8d: {  	s2 =	sadd.s32 s2, s17  }
0x8e: {  	[smem:$0x3FC0] =	sst s2  }
0x8f: {  	_ = 	snop  }
0x90: {  	s2 =	sld [smem:$0x3FD0];
	(tm) =	ssettm $0x1  }
0x91: {  	s18 =	sld [smem:$0x3FFB];
	_ =	sdelay $0x3  }
0x92: {  	_ =	strace s18  }
0x93: {  	s3 =	sld [smem:$0x3FFC];
	_ =	sdelay $0x3  }
0x94: {  	_ =	strace s3  }
0x95: {  	s3 =	sld [smem:$0x3FFD];
	_ =	sdelay $0x3  }
0x96: {  	_ =	strace s3  }
0x97: {  	_ =	strace $0x8FFFFFFF  }
0x98: {  	s19 =	sld [smem:$0x3FDB];
	_ =	sdelay $0x1  }
0x99: {  	s4 =	simm.s32 $_scs_section_size  }
0x9a: {  	s5 =	simm.s32 $_size__tile_overlayer_lowered;
	s6 =	simm.s32 $_tile_overlayer_lowered  }
0x9b: {  	s22 =	simm.s32 $0x1BFF;
	s21 =	sshll.u32 s6, $0x1;
	s3 =	sadd.s32 s4, s19  }
0x9c: {  	s7 =	simm.s32 $0x0;
	s20 =	sshll.u32 s5, $0x1;
	s5 =	sadd.s32 s21, s3  }
0x9d: {  	[timem:s7], [sflag:s22] =	dma.local [hbm:s5], s20  }
0x9e: {  	_ =	swait.ge [sflag:s22], s20  }
0x9f: {  	s4 =	ssub.s32 $0x0, s20;
	[sflag:s22] =	ssyncset.done $0x0  }
0xa0: {  	[sflag:s22] =	ssyncadd.s32 s4;
	_ =	sdelay $0x1  }
0xa1: {  	s23 =	simm.s32 $0x1B8B  }
0xa2: {  	_ =	swait.ge [sflag:s23], $0x1  }
0xa3: {  	[sflag:s23] =	ssyncset.done $0x0  }
0xa4: {  	s25 =	simm.s32 $0x1B8E;
	s24 =	sld [smem:$0x3FFE];
	[sflag:s23] =	ssyncadd.s32 $0xFFFFFFFF  }
0xa5: {  	s26 =	simm.s32 $execute0_lowered;
	[smem:$0x3FD2] =	sst s25  }
0xa6: {  	s5 =	sshll.u32 s26, $0x1;
	_ =	strace $0x80000049;
	[dreg:$0x1] =	wrdreg $0xFFFFFFFF  }
0xa7: {  	s28 =	simm.s32 $_size_execute0_lowered;
	s3 =	sadd.s32 s3, s5;
	[dreg:$0x0] =	wrdreg $0x0  }
0xa8: {  	s5 =	sshll.u32 s28, $0x1;
	[dreg:$0x2] =	wrdreg s3  }
0xa9: {  	[dreg:$0x3] =	wrdreg s5  }
0xaa: {  	[dreg:$0x4] =	wrdreg $0xC0  }
0xab: {  	_ =	task [dreg:s7], $0x5FFFF  }
0xac: {  	[dreg:$0x1] =	wrdreg $0xFFFFFFFF  }
0xad: {  	[dreg:$0x0] =	wrdreg $0x60  }
0xae: {  	[dreg:$0x2] =	wrdreg s24  }
0xaf: {  	[dreg:$0x3] =	wrdreg s2  }
0xb0: {  	[dreg:$0x4] =	wrdreg $0x90000  }
0xb1: {  	[dreg:$0x5] =	wrdreg $0x9  }
0xb2: {  	_ =	task.clear_ibuf [dreg:s7], $0x6FFFF;
	_ =	strace $0x90000049  }
0xb3: {  	s29 =	simm.s32 $0x9;
	_ =	strace $0x8000004B  }
0xb4: {  	_ =	swait.ge [sflag:s29], $0x1  }
0xb5: {  	[sflag:s29] =	ssyncadd.s32 $0xFFFFFFFF  }
0xb6: {  	_ =	strace $0x9000004B  }
0xb7: {  	_ =	sfence  }
0xb8: {  	s30 =	sld [smem:$0x0];
	_ =	sdelay $0x2  }
0xb9: {  	s31 =	sshll.u32 s1, $0xD;
	s1 =	sshrl.u32 s1, $0x2  }
0xba: {  	s3 =	sand.u32 $0x4000, s31;
	s1 =	sadd.s32 s1, s30  }
0xbb: {  	s0 =	sor.u32 s3, s0;
	s1 =	sshll.u32 s1, $0x11  }
0xbc: {  	s0 =	sor.u32 s1, s0  }
0xbd: {  	s0 =	sadd.s32 $0x8F2B, s0  }
0xbe: {  	[sflag:s0] =	ssyncadd.remote.s32 $0x1  }
0xbf: {  	_ =	sfence.sel $0xFFFF  }
0xc0: {  	[dreg:$0x0] =	wrdreg $0xFFFFFFFF;
	(pc) =	sbr.abs _section_cstart, $3  }
0xc1: {  	[dreg:$0x1] =	wrdreg $0xFFFFFFFF  }
0xc2: {  	_ =	task.clear_ibuf [dreg:s7], $0x2FFFF;
	_ =	strace $0x9FFFFFFF  }
0xc3: {  	(tm) =	ssettm $0x7FFFFFFF  }
tec
execute0_lowered:
.L_overlay_start_1:
0x0: {  	(tag) =	ssettag $0x1  }
0x1: {  	s8 =	rddreg [dreg:$0x0]  }
0x2: {  	s1 =	rddreg [dreg:$0x1]  }
0x3: {  	s2 =	rddreg [dreg:$0x2]  }
0x4: {  	s0 =	rddreg [dreg:$0x3];
	s4 =	simm.s32 $0x0;
	s3 =	stileid.u32  }
0x5: {  	s9 =	srdreg.scid;
	s16 =	simm.s32 $0x2800;
	s17 =	simm.s32 $0x7D  }
0x6: {  	s18 =	simm.s32 $0x5000;
	s19 =	simm.s32 $0x0;
	[smem:$0x7FF] =	sst s4  }
0x7: {  	s5 =	sadd.s32 $0xCE00, s8;
	s7 =	smul.u32 $0x500, s3;
	s6 =	sadd.s32 $0x3EE00, s8  }
0x8: {  	s14 =	sand.u32 $0x1, s9;
	s30 =	smul.u32 $0x50000, s3;
	s31 =	sshll.u32 s3, $0x6  }
0x9: {  	_ =	strace $0x8000004A;
	s10 =	ssub.s32 $0x2, s14;
	p0 =	sne.s32 s14, $0x0  }
.Ltmp0:
0xa: {  	s11 =	sadd.s32 s7, s8;
	s7 =	sadd.s32 $0xA600, s8;
	(pc) =	sbr.rel .LBB2_1-.Ltmp0, $4  }
0xb: {  	s8 =	sadd.s32 $0x8D200, s8;
	s12 =	sshrl.u32 s10, $0x1;
	s9 =	sshrl.u32 s30, $0x2  }
0xc: {  	s13 =	ssub.s32 s10, s12;
	s15 =	sadd.s32 s9, s2;
	s9 =	sor.u32 $0x1C01, s31  }
0xd: {  	s10 =	sadd.s32 $0x39E00, s11;
	s11 =	sadd.s32 $0x34E00, s11;
	s12 =	smul.u32 $0x2800, s3  }
0xe: {  	s13 =	smax.u32 s13, $0x1;
	s14 =	sshrl.u32 s15, $0x3;
	s15 =	simm.s32 $0x1  }
.LBB2_7:
0xf: {  	s20 =	sshra.s32 s20, $0x2;
	[sflag:s15] =	ssyncadd.s32 $0xFFFFC180  }
0x10: {  	[tilespmem:s18], [sflag:$0x1] =	stream.indirect.gather [hbm4b:s6+s17], $0x80, s20, s17, $0xb8;
	[tilespmem:$0x1D000] =	vst v63  }
0x11: {  	_ =	swait.ge [sflag:s15], $0x3E80  }
0x12: {  	[sflag:s15] =	ssyncset.done $0x0  }
0x13: {  	s20 =	sadd.s32 $0x2800, s20;
	[sflag:s15] =	ssyncadd.s32 $0xFFFFC180  }
0x14: {  	[spmem:s2] =	stream.indirect.scatter.add.f32 [tilespmem:s18], [sflag:$0x1], $0x80, s20, s17, $0xb8;
	[tilespmem:$0x1D000] =	vst v63  }
0x15: {  	_ =	swait.ge [sflag:s15], $0x3E80  }
0x16: {  	[sflag:s15] =	ssyncset.done $0x0  }
0x17: {  	s20 =	smov.u32 s8;
	[sflag:s15] =	ssyncadd.s32 $0xFFFFC180  }
.LBB2_8:
0x18: {  	s19 =	sadd.s32 $0x1, s19  }
0x19: {  	p1 =	sne.s32 s19, s13  }
.Ltmp1:
0x1a: {  	s20 =	sadd.s32 s20, s12;
	[bflag:$0x0] =	sbarrier.arrive $0xFFFF;
	(pc) =	sbr.rel @!p1 .LBB2_9-.Ltmp1, $4  }
0x1b: {  	[hbm:s20], [sflag:s9] =	dma.local [spmem:s14], $0x2800  }
0x1c: {  	_ =	swait.ge [sflag:s15], $0x2800  }
0x1d: {  	[sflag:s15] =	ssyncset.done $0x0  }
0x1e: {  	[sflag:s15] =	ssyncadd.s32 $0xFFFFD800  }
.LBB2_1:
0x1f: {  	[spmem:s14], [sflag:s9] =	dma.local [hbm:s7], $0x2800  }
0x20: {  	_ =	swait.ge [sflag:s15], $0x2800  }
0x21: {  	[sflag:s15] =	ssyncset.done $0x0  }
0x22: {  	[sflag:s15] =	ssyncadd.s32 $0xFFFFD800  }
0x23: {  	[bflag:$0x0] =	sbarrier.arrive $0xFFFF  }
0x24: {  	[tilespmem:s4], [sflag:$0x1] =	stream.linear.gather [hbm4b:s10+s4], $0x2800, $0x38;
	[tilespmem:$0x1D000] =	vst v63  }
0x25: {  	_ =	swait.ge [sflag:s15], $0x2800  }
0x26: {  	[sflag:s15] =	ssyncset.done $0x0  }
.Ltmp2:
0x27: {  	[sflag:s15] =	ssyncadd.s32 $0xFFFFD800;
	(pc) =	sbr.rel @p0 .LBB2_5-.Ltmp2, $4  }
0x28: {  	[tilespmem:s16], [sflag:$0x1] =	stream.linear.gather [hbm4b:s11+s4], $0x2800, $0x38;
	[tilespmem:$0x1D000] =	vst v63  }
0x29: {  	_ =	swait.ge [sflag:s15], $0x2800  }
0x2a: {  	[sflag:s15] =	ssyncset.done $0x0  }
0x2b: {  	s20 =	simm.s32 $0x0;
	[sflag:s15] =	ssyncadd.s32 $0xFFFFD800  }
0x2c: {  	[tilespmem:s18], [sflag:$0x1] =	stream.indirect.gather [hbm4b:s5+s17], $0x80, s20, s17, $0xb8;
	[tilespmem:$0x1D000] =	vst v63  }
0x2d: {  	_ =	swait.ge [sflag:s15], $0x3E80  }
0x2e: {  	[sflag:s15] =	ssyncset.done $0x0  }
0x2f: {  	s31 =	simm.s32 $0x2800;
	[sflag:s15] =	ssyncadd.s32 $0xFFFFC180  }
0x30: {  	[spmem:s2] =	stream.indirect.scatter.add.f32 [tilespmem:s18], [sflag:$0x1], $0x80, s31, s17, $0xb8;
	[tilespmem:$0x1D000] =	vst v63  }
0x31: {  	_ =	swait.ge [sflag:s15], $0x3E80  }
0x32: {  	s20 =	simm.s32 $0x200;
	s21 =	simm.s32 $0x400;
	[sflag:s15] =	ssyncset.done $0x0  }
.LBB2_3:
0x33: {  	s22 =	sshra.s32 s20, $0x2  }
0x34: {  	[sflag:s15] =	ssyncadd.s32 $0xFFFFC180;
	s20 =	smov.u32 s21;
	s23 =	sadd.s32 $0x200, s21  }
0x35: {  	[tilespmem:s18], [sflag:$0x1] =	stream.indirect.gather [hbm4b:s5+s17], $0x80, s22, s17, $0xb8;
	[tilespmem:$0x1D000] =	vst v63  }
0x36: {  	p1 =	seq.s32 s21, $0x9E00;
	_ =	swait.ge [sflag:s15], $0x3E80  }
.Ltmp3:
0x37: {  	[sflag:s15] =	ssyncset.done $0x0;
	(pc) =	sbr.rel @!p1 .LBB2_3-.Ltmp3, $4  }
0x38: {  	s21 =	sadd.s32 $0x2800, s22;
	[sflag:s15] =	ssyncadd.s32 $0xFFFFC180  }
0x39: {  	[spmem:s2] =	stream.indirect.scatter.add.f32 [tilespmem:s18], [sflag:$0x1], $0x80, s21, s17, $0xb8;
	[tilespmem:$0x1D000] =	vst v63  }
0x3a: {  	_ =	swait.ge [sflag:s15], $0x3E80  }
0x3b: {  	s21 =	smov.u32 s23;
	[sflag:s15] =	ssyncset.done $0x0  }
0x3c: {  	s20 =	sshra.s32 s20, $0x2;
	[sflag:s15] =	ssyncadd.s32 $0xFFFFC180  }
0x3d: {  	[tilespmem:s18], [sflag:$0x1] =	stream.indirect.gather [hbm4b:s5+s17], $0x80, s20, s17, $0xb8;
	[tilespmem:$0x1D000] =	vst v63  }
0x3e: {  	_ =	swait.ge [sflag:s15], $0x3E80  }
0x3f: {  	[sflag:s15] =	ssyncset.done $0x0  }
.Ltmp4:
0x40: {  	s20 =	sadd.s32 $0x2800, s20;
	[sflag:s15] =	ssyncadd.s32 $0xFFFFC180;
	(pc) =	sbr.rel .LBB2_8-.Ltmp4, $4  }
0x41: {  	[spmem:s2] =	stream.indirect.scatter.add.f32 [tilespmem:s18], [sflag:$0x1], $0x80, s20, s17, $0xb8;
	[tilespmem:$0x1D000] =	vst v63  }
0x42: {  	_ =	swait.ge [sflag:s15], $0x3E80  }
0x43: {  	[sflag:s15] =	ssyncset.done $0x0  }
0x44: {  	s20 =	smov.u32 s1;
	[sflag:s15] =	ssyncadd.s32 $0xFFFFC180  }
.LBB2_5:
0x45: {  	[tilespmem:s18], [sflag:$0x1] =	stream.indirect.gather [hbm4b:s6+s17], $0x80, s20, s17, $0xb8;
	[tilespmem:$0x1D000] =	vst v63  }
0x46: {  	_ =	swait.ge [sflag:s15], $0x3E80  }
0x47: {  	[sflag:s15] =	ssyncset.done $0x0  }
0x48: {  	s31 =	simm.s32 $0x2800;
	[sflag:s15] =	ssyncadd.s32 $0xFFFFC180  }
0x49: {  	[spmem:s2] =	stream.indirect.scatter.add.f32 [tilespmem:s18], [sflag:$0x1], $0x80, s31, s17, $0xb8;
	[tilespmem:$0x1D000] =	vst v63  }
0x4a: {  	_ =	swait.ge [sflag:s15], $0x3E80  }
0x4b: {  	s20 =	simm.s32 $0x200;
	s21 =	simm.s32 $0x400;
	[sflag:s15] =	ssyncset.done $0x0  }
.LBB2_6:
0x4c: {  	s22 =	sshra.s32 s20, $0x2  }
0x4d: {  	[sflag:s15] =	ssyncadd.s32 $0xFFFFC180;
	s20 =	smov.u32 s21;
	s23 =	sadd.s32 $0x200, s21  }
0x4e: {  	[tilespmem:s18], [sflag:$0x1] =	stream.indirect.gather [hbm4b:s6+s17], $0x80, s22, s17, $0xb8;
	[tilespmem:$0x1D000] =	vst v63  }
0x4f: {  	p1 =	sne.s32 s21, $0x9E00;
	_ =	swait.ge [sflag:s15], $0x3E80  }
.Ltmp5:
0x50: {  	[sflag:s15] =	ssyncset.done $0x0;
	(pc) =	sbr.rel @p1 .LBB2_6-.Ltmp5, $4  }
0x51: {  	s21 =	sadd.s32 $0x2800, s22;
	[sflag:s15] =	ssyncadd.s32 $0xFFFFC180  }
0x52: {  	[spmem:s2] =	stream.indirect.scatter.add.f32 [tilespmem:s18], [sflag:$0x1], $0x80, s21, s17, $0xb8;
	[tilespmem:$0x1D000] =	vst v63  }
0x53: {  	_ =	swait.ge [sflag:s15], $0x3E80  }
0x54: {  	s21 =	smov.u32 s23;
	[sflag:s15] =	ssyncset.done $0x0  }
.Ltmp6:
0x55: {  	_ = 	snop;
	(pc) =	sbr.rel .LBB2_7-.Ltmp6, $1  }
0x56: {  	_ =	sdelay $0x3  }
.LBB2_9:
0x57: {  	_ =	sfence.sel $0x180000  }
0x58: {  	[bflag:$0x0] =	sbarrier.arrive $0xFFFF  }
0x59: {  	p0 =	sne.s32 s3, $0x0;
	_ =	strace $0x9000004A  }
0x5a: {  	s0 =	sadd.s32 @!p0 $0x100000, s0;
	[bflag:$0x2] =	sbarrier.arrive $0xFFFF  }
0x5b: {  	[sflag:s0] =	ssyncadd.tile.s32 @!p0 $0x1;
	_ =	shalt  }
.Lfunc_end2:
_tile_overlayer_lowered:
.L_overlay_start_2:
0x5c: {  	(tag) =	ssettag $0x2  }
0x5d: {  	s0 =	rddreg [dreg:$0x0];
	s2 =	stileid.u32  }
0x5e: {  	s1 =	rddreg [dreg:$0x1];
	p0 =	sne.s32 s2, $0x0  }
0x5f: {  	s3 =	rddreg [dreg:$0x2];
	[bflag:$0x3] =	sbarrier.arrive $0xFFFF;
	s2 =	simm.s32 @!p0 $0x1C01  }
0x60: {  	[timem:s3], [sflag:s2] =	dma.local @!p0 [hbm:s0], s1  }
0x61: {  	s0 =	simm.s32 @!p0 $0x1  }
0x62: {  	_ =	swait.ge @!p0 [sflag:s0], s1  }
0x63: {  	s1 =	ssub.s32 @!p0 $0x0, s1;
	[sflag:s0] =	ssyncset.done @!p0 $0x0  }
0x64: {  	[sflag:s0] =	ssyncadd.s32 @!p0 s1  }
0x65: {  	[bflag:$0x3] =	sbarrier.arrive $0xFFFF  }
0x66: {  	_ =	shalt  }

// kernel: kernel.16.cloned.1.call-start
scs
__scs_entry_jumppad:
0x0: {  	(pc) =	sbr.rel $0x88, $3  }
0x1: {  	(tag) =	ssettag $0x0;
	lr =	simm.s32 $0x1  }
0x2: {  	[smem:$0x3F99] =	sst lr;
	_ =	strace $0xD0000000  }
0x3: {  	_ = 	snop  }
0x4: {  	_ = 	snop  }
0x5: {  	_ = 	snop  }
0x6: {  	_ = 	snop  }
0x7: {  	_ = 	snop  }
__scs_overlays_trampoline_lowered:
0x8: {  	[smem:$0x3FA8] =	sst s0  }
0x9: {  	[smem:$0x3FA9] =	sst s1  }
0xa: {  	[smem:$0x3FAA] =	sst s2  }
0xb: {  	[smem:$0x3FAB] =	sst s3  }
0xc: {  	[smem:$0x3FAC] =	sst s4  }
0xd: {  	[smem:$0x3FAD] =	sst s5  }
0xe: {  	[smem:$0x3FAE] =	sst s6  }
0xf: {  	[smem:$0x3FAF] =	sst s7  }
0x10: {  	[smem:$0x3FB0] =	sst s8  }
0x11: {  	[smem:$0x3FB1] =	sst s9;
	s0 =	simm.s32 @!p0 $0x0  }
0x12: {  	s1 =	sld [smem:$0x3F97];
	s0 =	simm.s32 @p0 $0x1  }
0x13: {  	[smem:$0x3FB2] =	sst s0;
	s0 =	simm.s32 @!p1 $0x0  }
0x14: {  	s2 =	sld [smem:$0x3F96];
	s0 =	simm.s32 @p1 $0x1  }
0x15: {  	[smem:$0x3FB3] =	sst s0;
	s0 =	simm.s32 @!p2 $0x0  }
0x16: {  	s3 =	sld [smem:$0x3FDB];
	s0 =	simm.s32 @p2 $0x1  }
0x17: {  	s4 =	simm.s32 $0x1BF5;
	[smem:$0x3FB5] =	sst s0  }
0x18: {  	s0 =	sld [smem:$0x3F98];
	_ =	swait.ge [sflag:s4], $0x0  }
0x19: {  	s7 =	sld [smem:$0x3F99]  }
0x1a: {  	s8 =	sadd.s32 $0xFFFFE003, lr  }
0x1b: {  	s9 =	sadd.s32 $0xFFFFFEF7, lr;
	s5 =	simm.s32 $0xFFFFFFFF;
	p2 =	slt.u32 s8, $0xFFFFF086  }
0x1c: {  	p1 =	slt.u32 s9, $0xF7A;
	s5 =	simm.s32 @!p2 $0x0  }
0x1d: {  	s5 =	simm.s32 @p1 $0x1;
	p0 =	seq.s32 s7, s2  }
0x1e: {  	s7 =	smul.u32 @!p0 $0xF7A, s2;
	p2 =	seq.s32 @!p0 s5, $0x0  }
0x1f: {  	s9 =	smul.u32 $0xF7A, s1;
	s8 =	simm.s32 @!p0 $0x1BF5;
	p2 =	por !p2, p0  }
0x20: {  	[sflag:s8] =	ssyncset.s32 @!p0 $0xFFFFF086;
	s6 =	sadd.s32 @!p0 s3, s7;
	s7 =	simm.s32 @!p0 $0x108  }
0x21: {  	s3 =	sadd.s32 s3, s9;
	s6 =	sadd.s32 @!p0 $0x88, s6;
	s7 =	simm.s32 @p2 $0x1082  }
0x22: {  	[simem:s7], [sflag:s8] =	dma.local @!p0 [hbm:s6], $0xF7A  }
0x23: {  	s9 =	sor.u32 $0xD0000000, s2;
	s6 =	simm.s32 $0x108;
	_ =	swait.ge @!p0 [sflag:s8], $0x0  }
0x24: {  	s3 =	sadd.s32 $0x88, s3;
	s6 =	simm.s32 @!p1 $0x1082;
	[sflag:s4] =	ssyncset.s32 $0xFFFFF086  }
0x25: {  	[simem:s6], [sflag:s4] =	dma.local [hbm:s3], $0xF7A  }
0x26: {  	[smem:$0x3F99] =	sst s1;
	(tag) =	ssettag s2;
	_ =	strace s9  }
0x27: {  	s1 =	sld [smem:$0x3FA9]  }
0x28: {  	s2 =	sld [smem:$0x3FAA]  }
0x29: {  	s4 =	sld [smem:$0x3FAC]  }
0x2a: {  	p0 =	seq.s32 s5, $0x0;
	s5 =	sld [smem:$0x3FAD]  }
0x2b: {  	s6 =	sld [smem:$0x3FAE]  }
0x2c: {  	s7 =	sld [smem:$0x3FAF]  }
0x2d: {  	s3 =	simm.s32 $0x108;
	s8 =	sld [smem:$0x3FB0]  }
0x2e: {  	s3 =	simm.s32 @!p0 $0x1082;
	s9 =	sld [smem:$0x3FB1]  }
0x2f: {  	lr =	sadd.s32 s0, s3;
	s0 =	sld [smem:$0x3FA8]  }
0x30: {  	s3 =	sld [smem:$0x3FAB]  }
0x31: {  	[smem:$0x3FB4] =	sst s10  }
0x32: {  	s10 =	sld [smem:$0x3FB2];
	_ =	sdelay $0x3  }
0x33: {  	p0 =	seq.s32 s10, $0x1;
	s10 =	sld [smem:$0x3FB4];
	_ =	sdelay $0x3  }
0x34: {  	[smem:$0x3FB4] =	sst s10  }
0x35: {  	s10 =	sld [smem:$0x3FB3];
	_ =	sdelay $0x3  }
0x36: {  	p1 =	seq.s32 s10, $0x1;
	s10 =	sld [smem:$0x3FB4];
	_ =	sdelay $0x3  }
0x37: {  	[smem:$0x3FB4] =	sst s10  }
0x38: {  	s10 =	sld [smem:$0x3FB5]  }
0x39: {  	_ = 	snop;
	(pc) =	sbr.ind lr, $3  }
0x3a: {  	_ = 	snop  }
0x3b: {  	_ = 	snop  }
0x3c: {  	p2 =	seq.s32 s10, $0x1;
	s10 =	sld [smem:$0x3FB4]  }
0x3d: {  	_ =	shalt  }
0x3e: {  	_ =	shalt  }
0x3f: {  	_ =	shalt  }
0x40: {  	_ =	shalt  }
0x41: {  	_ =	shalt  }
0x42: {  	_ =	shalt  }
0x43: {  	_ =	shalt  }
0x44: {  	_ =	shalt  }
0x45: {  	_ =	shalt  }
0x46: {  	_ =	shalt  }
0x47: {  	_ =	shalt  }
0x48: {  	_ =	shalt  }
0x49: {  	_ =	shalt  }
0x4a: {  	_ =	shalt  }
0x4b: {  	_ =	shalt  }
0x4c: {  	_ =	shalt  }
0x4d: {  	_ =	shalt  }
0x4e: {  	_ =	shalt  }
0x4f: {  	_ =	shalt  }
0x50: {  	_ =	shalt  }
0x51: {  	_ =	shalt  }
0x52: {  	_ =	shalt  }
0x53: {  	_ =	shalt  }
0x54: {  	_ =	shalt  }
0x55: {  	_ =	shalt  }
0x56: {  	_ =	shalt  }
0x57: {  	_ =	shalt  }
0x58: {  	_ =	shalt  }
0x59: {  	_ =	shalt  }
0x5a: {  	_ =	shalt  }
0x5b: {  	_ =	shalt  }
0x5c: {  	_ =	shalt  }
0x5d: {  	_ =	shalt  }
0x5e: {  	_ =	shalt  }
0x5f: {  	_ =	shalt  }
0x60: {  	_ =	shalt  }
0x61: {  	_ =	shalt  }
0x62: {  	_ =	shalt  }
0x63: {  	_ =	shalt  }
0x64: {  	_ =	shalt  }
0x65: {  	_ =	shalt  }
0x66: {  	_ =	shalt  }
0x67: {  	_ =	shalt  }
0x68: {  	_ =	shalt  }
0x69: {  	_ =	shalt  }
0x6a: {  	_ =	shalt  }
0x6b: {  	_ =	shalt  }
0x6c: {  	_ =	shalt  }
0x6d: {  	_ =	shalt  }
0x6e: {  	_ =	shalt  }
0x6f: {  	_ =	shalt  }
0x70: {  	_ =	shalt  }
0x71: {  	_ =	shalt  }
0x72: {  	_ =	shalt  }
0x73: {  	_ =	shalt  }
0x74: {  	_ =	shalt  }
0x75: {  	_ =	shalt  }
0x76: {  	_ =	shalt  }
0x77: {  	_ =	shalt  }
0x78: {  	_ =	shalt  }
0x79: {  	_ =	shalt  }
0x7a: {  	_ =	shalt  }
0x7b: {  	_ =	shalt  }
0x7c: {  	_ =	shalt  }
0x7d: {  	_ =	shalt  }
0x7e: {  	_ =	shalt  }
0x7f: {  	_ =	shalt  }
0x80: {  	_ =	shalt  }
0x81: {  	_ =	shalt  }
0x82: {  	_ =	shalt  }
0x83: {  	_ =	shalt  }
0x84: {  	_ =	shalt  }
0x85: {  	_ =	shalt  }
0x86: {  	_ =	shalt  }
0x87: {  	_ =	shalt  }
.Lfunc_end0:
.L_simem_size_0:
called_computation.2_lowered:
.L_overlay_start_0:
0x88: {  	s2 =	sld [smem:$0x3FD9]  }
0x89: {  	s3 =	sld [smem:$0x3FFE];
	_ =	sdelay $0x1  }
0x8a: {  	s1 =	srdreg.scid  }
0x8b: {  	s0 =	sand.u32 $0x1, s1  }
0x8c: {  	s17 =	sshll.u32 s0, $0xA;
	s2 =	sadd.s32 s3, s2  }
0x8d: {  	s2 =	sadd.s32 s2, s17  }
0x8e: {  	[smem:$0x3FC0] =	sst s2  }
0x8f: {  	_ = 	snop  }
0x90: {  	s2 =	sld [smem:$0x3FD0];
	(tm) =	ssettm $0x1  }
0x91: {  	s18 =	sld [smem:$0x3FFB];
	_ =	sdelay $0x3  }
0x92: {  	_ =	strace s18  }
0x93: {  	s3 =	sld [smem:$0x3FFC];
	_ =	sdelay $0x3  }
0x94: {  	_ =	strace s3  }
0x95: {  	s3 =	sld [smem:$0x3FFD];
	_ =	sdelay $0x3  }
0x96: {  	_ =	strace s3  }
0x97: {  	_ =	strace $0x8FFFFFFF  }
0x98: {  	s19 =	sld [smem:$0x3FDB];
	_ =	sdelay $0x1  }
0x99: {  	s4 =	simm.s32 $_scs_section_size  }
0x9a: {  	s5 =	simm.s32 $_size__tile_overlayer_lowered;
	s6 =	simm.s32 $_tile_overlayer_lowered  }
0x9b: {  	s22 =	simm.s32 $0x1BFF;
	s21 =	sshll.u32 s6, $0x1;
	s3 =	sadd.s32 s4, s19  }
0x9c: {  	s7 =	simm.s32 $0x0;
	s20 =	sshll.u32 s5, $0x1;
	s5 =	sadd.s32 s21, s3  }
0x9d: {  	[timem:s7], [sflag:s22] =	dma.local [hbm:s5], s20  }
0x9e: {  	_ =	swait.ge [sflag:s22], s20  }
0x9f: {  	s4 =	ssub.s32 $0x0, s20;
	[sflag:s22] =	ssyncset.done $0x0  }
0xa0: {  	[sflag:s22] =	ssyncadd.s32 s4;
	_ =	sdelay $0x1  }
0xa1: {  	s23 =	simm.s32 $0x1B8B  }
0xa2: {  	_ =	swait.ge [sflag:s23], $0x1  }
0xa3: {  	[sflag:s23] =	ssyncset.done $0x0  }
0xa4: {  	s25 =	simm.s32 $0x1B8E;
	s24 =	sld [smem:$0x3FFE];
	[sflag:s23] =	ssyncadd.s32 $0xFFFFFFFF  }
0xa5: {  	s26 =	simm.s32 $execute0_lowered;
	[smem:$0x3FD2] =	sst s25  }
0xa6: {  	s5 =	sshll.u32 s26, $0x1;
	_ =	strace $0x8000004C;
	[dreg:$0x1] =	wrdreg $0xFFFFFFFF  }
0xa7: {  	s28 =	simm.s32 $_size_execute0_lowered;
	s3 =	sadd.s32 s3, s5;
	[dreg:$0x0] =	wrdreg $0x0  }
0xa8: {  	s5 =	sshll.u32 s28, $0x1;
	[dreg:$0x2] =	wrdreg s3  }
0xa9: {  	[dreg:$0x3] =	wrdreg s5  }
0xaa: {  	[dreg:$0x4] =	wrdreg $0xC0  }
0xab: {  	_ =	task [dreg:s7], $0x5FFFF  }
0xac: {  	[dreg:$0x1] =	wrdreg $0xFFFFFFFF  }
0xad: {  	[dreg:$0x0] =	wrdreg $0x60  }
0xae: {  	[dreg:$0x2] =	wrdreg s24  }
0xaf: {  	[dreg:$0x3] =	wrdreg s2  }
0xb0: {  	[dreg:$0x4] =	wrdreg $0x90000  }
0xb1: {  	[dreg:$0x5] =	wrdreg $0x9  }
0xb2: {  	_ =	task.clear_ibuf [dreg:s7], $0x6FFFF;
	_ =	strace $0x9000004C  }
0xb3: {  	s29 =	simm.s32 $0x9;
	_ =	strace $0x8000004E  }
0xb4: {  	_ =	swait.ge [sflag:s29], $0x1  }
0xb5: {  	[sflag:s29] =	ssyncadd.s32 $0xFFFFFFFF  }
0xb6: {  	_ =	strace $0x9000004E  }
0xb7: {  	_ =	sfence  }
0xb8: {  	s30 =	sld [smem:$0x0];
	_ =	sdelay $0x2  }
0xb9: {  	s31 =	sshll.u32 s1, $0xD;
	s1 =	sshrl.u32 s1, $0x2  }
0xba: {  	s3 =	sand.u32 $0x4000, s31;
	s1 =	sadd.s32 s1, s30  }
0xbb: {  	s0 =	sor.u32 s3, s0;
	s1 =	sshll.u32 s1, $0x11  }
0xbc: {  	s0 =	sor.u32 s1, s0  }
0xbd: {  	s0 =	sadd.s32 $0x8F2B, s0  }
0xbe: {  	[sflag:s0] =	ssyncadd.remote.s32 $0x1  }
0xbf: {  	_ =	sfence.sel $0xFFFF  }
0xc0: {  	[dreg:$0x0] =	wrdreg $0xFFFFFFFF;
	(pc) =	sbr.abs _section_cstart, $3  }
0xc1: {  	[dreg:$0x1] =	wrdreg $0xFFFFFFFF  }
0xc2: {  	_ =	task.clear_ibuf [dreg:s7], $0x2FFFF;
	_ =	strace $0x9FFFFFFF  }
0xc3: {  	(tm) =	ssettm $0x7FFFFFFF  }
tec
execute0_lowered:
.L_overlay_start_1:
0x0: {  	(tag) =	ssettag $0x1  }
0x1: {  	s12 =	rddreg [dreg:$0x0]  }
0x2: {  	s1 =	rddreg [dreg:$0x1]  }
0x3: {  	s3 =	rddreg [dreg:$0x2]  }
0x4: {  	s0 =	rddreg [dreg:$0x3]  }
0x5: {  	s4 =	simm.s32 $0x0;
	s2 =	stileid.u32;
	s10 =	srdreg.scid  }
0x6: {  	s20 =	simm.s32 $0x2800;
	s21 =	simm.s32 $0x7D;
	s22 =	simm.s32 $0x5000  }
0x7: {  	s23 =	simm.s32 $0x0;
	[smem:$0x7FF] =	sst s4;
	s9 =	smul.u32 $0x500, s2  }
0x8: {  	s5 =	sadd.s32 $0x3EE00, s12;
	s6 =	sadd.s32 $0xCE00, s12;
	s7 =	sadd.s32 $0x8D200, s12  }
0x9: {  	s8 =	sadd.s32 $0xB4400, s12;
	s18 =	sand.u32 $0x1, s10;
	s13 =	smul.u32 $0x50000, s2  }
0xa: {  	s10 =	sadd.s32 $0xDB600, s12;
	s11 =	sadd.s32 $0x103600, s12;
	s31 =	sshll.u32 s2, $0x6  }
0xb: {  	_ =	strace $0x8000004D;
	s14 =	ssub.s32 $0x2, s18;
	p0 =	sne.s32 s18, $0x0  }
.Ltmp0:
0xc: {  	s15 =	sadd.s32 s9, s12;
	s9 =	sadd.s32 $0xA600, s12;
	(pc) =	sbr.rel .LBB2_1-.Ltmp0, $4  }
0xd: {  	s12 =	sadd.s32 $0x12B600, s12;
	s16 =	sshrl.u32 s14, $0x1;
	s13 =	sshrl.u32 s13, $0x2  }
0xe: {  	s17 =	ssub.s32 s14, s16;
	s19 =	sadd.s32 s13, s3;
	s13 =	sor.u32 $0x1C01, s31  }
0xf: {  	s14 =	sadd.s32 $0x39E00, s15;
	s15 =	sadd.s32 $0x34E00, s15;
	s16 =	smul.u32 $0x2800, s2  }
0x10: {  	s17 =	smax.u32 s17, $0x1;
	s18 =	sshrl.u32 s19, $0x3;
	s19 =	simm.s32 $0x1  }
.LBB2_14:
0x11: {  	s24 =	sshra.s32 s24, $0x2;
	[sflag:s19] =	ssyncadd.s32 $0xFFFFC180  }
0x12: {  	[tilespmem:s22], [sflag:$0x1] =	stream.indirect.gather [hbm4b:s8+s21], $0x80, s24, s21, $0xb8;
	[tilespmem:$0x1D000] =	vst v63  }
0x13: {  	_ =	swait.ge [sflag:s19], $0x3E80  }
0x14: {  	[sflag:s19] =	ssyncset.done $0x0  }
0x15: {  	s24 =	sadd.s32 $0x2800, s24;
	[sflag:s19] =	ssyncadd.s32 $0xFFFFC180  }
0x16: {  	[spmem:s3] =	stream.indirect.scatter.add.f32 [tilespmem:s22], [sflag:$0x1], $0x80, s24, s21, $0xb8;
	[tilespmem:$0x1D000] =	vst v63  }
0x17: {  	_ =	swait.ge [sflag:s19], $0x3E80  }
0x18: {  	[sflag:s19] =	ssyncset.done $0x0  }
0x19: {  	s24 =	smov.u32 s12;
	[sflag:s19] =	ssyncadd.s32 $0xFFFFC180  }
.LBB2_15:
0x1a: {  	s23 =	sadd.s32 $0x1, s23  }
0x1b: {  	p1 =	sne.s32 s23, s17  }
.Ltmp1:
0x1c: {  	s24 =	sadd.s32 s24, s16;
	[bflag:$0x0] =	sbarrier.arrive $0xFFFF;
	(pc) =	sbr.rel @!p1 .LBB2_16-.Ltmp1, $4  }
0x1d: {  	[hbm:s24], [sflag:s13] =	dma.local [spmem:s18], $0x2800  }
0x1e: {  	_ =	swait.ge [sflag:s19], $0x2800  }
0x1f: {  	[sflag:s19] =	ssyncset.done $0x0  }
0x20: {  	[sflag:s19] =	ssyncadd.s32 $0xFFFFD800  }
.LBB2_1:
0x21: {  	[spmem:s18], [sflag:s13] =	dma.local [hbm:s9], $0x2800  }
0x22: {  	_ =	swait.ge [sflag:s19], $0x2800  }
0x23: {  	[sflag:s19] =	ssyncset.done $0x0  }
0x24: {  	[sflag:s19] =	ssyncadd.s32 $0xFFFFD800  }
0x25: {  	[bflag:$0x0] =	sbarrier.arrive $0xFFFF  }
0x26: {  	[tilespmem:s4], [sflag:$0x1] =	stream.linear.gather [hbm4b:s14+s4], $0x2800, $0x38;
	[tilespmem:$0x1D000] =	vst v63  }
0x27: {  	_ =	swait.ge [sflag:s19], $0x2800  }
0x28: {  	[sflag:s19] =	ssyncset.done $0x0  }
.Ltmp2:
0x29: {  	[sflag:s19] =	ssyncadd.s32 $0xFFFFD800;
	(pc) =	sbr.rel @p0 .LBB2_5-.Ltmp2, $4  }
0x2a: {  	[tilespmem:s20], [sflag:$0x1] =	stream.linear.gather [hbm4b:s15+s4], $0x2800, $0x38;
	[tilespmem:$0x1D000] =	vst v63  }
0x2b: {  	_ =	swait.ge [sflag:s19], $0x2800  }
0x2c: {  	[sflag:s19] =	ssyncset.done $0x0  }
0x2d: {  	s24 =	simm.s32 $0x0;
	[sflag:s19] =	ssyncadd.s32 $0xFFFFD800  }
0x2e: {  	[tilespmem:s22], [sflag:$0x1] =	stream.indirect.gather [hbm4b:s5+s21], $0x80, s24, s21, $0xb8;
	[tilespmem:$0x1D000] =	vst v63  }
0x2f: {  	_ =	swait.ge [sflag:s19], $0x3E80  }
0x30: {  	[sflag:s19] =	ssyncset.done $0x0  }
0x31: {  	s31 =	simm.s32 $0x2800;
	[sflag:s19] =	ssyncadd.s32 $0xFFFFC180  }
0x32: {  	[spmem:s3] =	stream.indirect.scatter.add.f32 [tilespmem:s22], [sflag:$0x1], $0x80, s31, s21, $0xb8;
	[tilespmem:$0x1D000] =	vst v63  }
0x33: {  	_ =	swait.ge [sflag:s19], $0x3E80  }
0x34: {  	s24 =	simm.s32 $0x200;
	s25 =	simm.s32 $0x400;
	[sflag:s19] =	ssyncset.done $0x0  }
.LBB2_3:
0x35: {  	s26 =	sshra.s32 s24, $0x2  }
0x36: {  	[sflag:s19] =	ssyncadd.s32 $0xFFFFC180;
	s24 =	smov.u32 s25;
	s28 =	sadd.s32 $0x200, s25  }
0x37: {  	[tilespmem:s22], [sflag:$0x1] =	stream.indirect.gather [hbm4b:s5+s21], $0x80, s26, s21, $0xb8;
	[tilespmem:$0x1D000] =	vst v63  }
0x38: {  	p1 =	seq.s32 s25, $0x9E00;
	_ =	swait.ge [sflag:s19], $0x3E80  }
.Ltmp3:
0x39: {  	[sflag:s19] =	ssyncset.done $0x0;
	(pc) =	sbr.rel @!p1 .LBB2_3-.Ltmp3, $4  }
0x3a: {  	s25 =	sadd.s32 $0x2800, s26;
	[sflag:s19] =	ssyncadd.s32 $0xFFFFC180  }
0x3b: {  	[spmem:s3] =	stream.indirect.scatter.add.f32 [tilespmem:s22], [sflag:$0x1], $0x80, s25, s21, $0xb8;
	[tilespmem:$0x1D000] =	vst v63  }
0x3c: {  	_ =	swait.ge [sflag:s19], $0x3E80  }
0x3d: {  	s25 =	smov.u32 s28;
	[sflag:s19] =	ssyncset.done $0x0  }
0x3e: {  	s24 =	sshra.s32 s24, $0x2;
	[sflag:s19] =	ssyncadd.s32 $0xFFFFC180  }
0x3f: {  	[tilespmem:s22], [sflag:$0x1] =	stream.indirect.gather [hbm4b:s5+s21], $0x80, s24, s21, $0xb8;
	[tilespmem:$0x1D000] =	vst v63  }
0x40: {  	_ =	swait.ge [sflag:s19], $0x3E80  }
0x41: {  	[sflag:s19] =	ssyncset.done $0x0  }
.Ltmp4:
0x42: {  	s24 =	sadd.s32 $0x2800, s24;
	[sflag:s19] =	ssyncadd.s32 $0xFFFFC180;
	(pc) =	sbr.rel .LBB2_8-.Ltmp4, $4  }
0x43: {  	[spmem:s3] =	stream.indirect.scatter.add.f32 [tilespmem:s22], [sflag:$0x1], $0x80, s24, s21, $0xb8;
	[tilespmem:$0x1D000] =	vst v63  }
0x44: {  	_ =	swait.ge [sflag:s19], $0x3E80  }
0x45: {  	[sflag:s19] =	ssyncset.done $0x0  }
0x46: {  	s24 =	smov.u32 s1;
	[sflag:s19] =	ssyncadd.s32 $0xFFFFC180  }
.LBB2_5:
0x47: {  	[tilespmem:s22], [sflag:$0x1] =	stream.indirect.gather [hbm4b:s7+s21], $0x80, s24, s21, $0xb8;
	[tilespmem:$0x1D000] =	vst v63  }
0x48: {  	_ =	swait.ge [sflag:s19], $0x3E80  }
0x49: {  	[sflag:s19] =	ssyncset.done $0x0  }
0x4a: {  	s31 =	simm.s32 $0x2800;
	[sflag:s19] =	ssyncadd.s32 $0xFFFFC180  }
0x4b: {  	[spmem:s3] =	stream.indirect.scatter.add.f32 [tilespmem:s22], [sflag:$0x1], $0x80, s31, s21, $0xb8;
	[tilespmem:$0x1D000] =	vst v63  }
0x4c: {  	_ =	swait.ge [sflag:s19], $0x3E80  }
0x4d: {  	s24 =	simm.s32 $0x200;
	s25 =	simm.s32 $0x400;
	[sflag:s19] =	ssyncset.done $0x0  }
.LBB2_6:
0x4e: {  	s26 =	sshra.s32 s24, $0x2  }
0x4f: {  	[sflag:s19] =	ssyncadd.s32 $0xFFFFC180;
	s24 =	smov.u32 s25;
	s28 =	sadd.s32 $0x200, s25  }
0x50: {  	[tilespmem:s22], [sflag:$0x1] =	stream.indirect.gather [hbm4b:s7+s21], $0x80, s26, s21, $0xb8;
	[tilespmem:$0x1D000] =	vst v63  }
0x51: {  	p1 =	sne.s32 s25, $0x9E00;
	_ =	swait.ge [sflag:s19], $0x3E80  }
.Ltmp5:
0x52: {  	[sflag:s19] =	ssyncset.done $0x0;
	(pc) =	sbr.rel @p1 .LBB2_6-.Ltmp5, $4  }
0x53: {  	s25 =	sadd.s32 $0x2800, s26;
	[sflag:s19] =	ssyncadd.s32 $0xFFFFC180  }
0x54: {  	[spmem:s3] =	stream.indirect.scatter.add.f32 [tilespmem:s22], [sflag:$0x1], $0x80, s25, s21, $0xb8;
	[tilespmem:$0x1D000] =	vst v63  }
0x55: {  	_ =	swait.ge [sflag:s19], $0x3E80  }
0x56: {  	s25 =	smov.u32 s28;
	[sflag:s19] =	ssyncset.done $0x0  }
0x57: {  	s24 =	sshra.s32 s24, $0x2;
	[sflag:s19] =	ssyncadd.s32 $0xFFFFC180  }
0x58: {  	[tilespmem:s22], [sflag:$0x1] =	stream.indirect.gather [hbm4b:s7+s21], $0x80, s24, s21, $0xb8;
	[tilespmem:$0x1D000] =	vst v63  }
0x59: {  	_ =	swait.ge [sflag:s19], $0x3E80  }
0x5a: {  	[sflag:s19] =	ssyncset.done $0x0  }
0x5b: {  	s24 =	sadd.s32 $0x2800, s24;
	[sflag:s19] =	ssyncadd.s32 $0xFFFFC180  }
0x5c: {  	[spmem:s3] =	stream.indirect.scatter.add.f32 [tilespmem:s22], [sflag:$0x1], $0x80, s24, s21, $0xb8;
	[tilespmem:$0x1D000] =	vst v63  }
0x5d: {  	_ =	swait.ge [sflag:s19], $0x3E80  }
0x5e: {  	[sflag:s19] =	ssyncset.done $0x0  }
0x5f: {  	s24 =	smov.u32 s11;
	[sflag:s19] =	ssyncadd.s32 $0xFFFFC180  }
.LBB2_8:
0x60: {  	s24 =	sadd.s32 s24, s16;
	[bflag:$0x0] =	sbarrier.arrive $0xFFFF  }
0x61: {  	[hbm:s24], [sflag:s13] =	dma.local [spmem:s18], $0x2800  }
0x62: {  	_ =	swait.ge [sflag:s19], $0x2800  }
0x63: {  	[sflag:s19] =	ssyncset.done $0x0  }
0x64: {  	[sflag:s19] =	ssyncadd.s32 $0xFFFFD800  }
0x65: {  	[spmem:s18], [sflag:s13] =	dma.local [hbm:s9], $0x2800  }
0x66: {  	_ =	swait.ge [sflag:s19], $0x2800  }
0x67: {  	[sflag:s19] =	ssyncset.done $0x0  }
0x68: {  	[sflag:s19] =	ssyncadd.s32 $0xFFFFD800  }
0x69: {  	s31 =	simm.s32 $0x0;
	[bflag:$0x0] =	sbarrier.arrive $0xFFFF  }
0x6a: {  	[tilespmem:s31], [sflag:$0x1] =	stream.linear.gather [hbm4b:s14+s31], $0x2800, $0x38;
	[tilespmem:$0x1D000] =	vst v63  }
0x6b: {  	_ =	swait.ge [sflag:s19], $0x2800  }
0x6c: {  	[sflag:s19] =	ssyncset.done $0x0  }
.Ltmp6:
0x6d: {  	[sflag:s19] =	ssyncadd.s32 $0xFFFFD800;
	(pc) =	sbr.rel @p0 .LBB2_12-.Ltmp6, $4  }
0x6e: {  	[tilespmem:s20], [sflag:$0x1] =	stream.linear.gather [hbm4b:s15+s31], $0x2800, $0x38;
	[tilespmem:$0x1D000] =	vst v63  }
0x6f: {  	_ =	swait.ge [sflag:s19], $0x2800  }
0x70: {  	[sflag:s19] =	ssyncset.done $0x0  }
0x71: {  	s24 =	simm.s32 $0x0;
	[sflag:s19] =	ssyncadd.s32 $0xFFFFD800  }
0x72: {  	[tilespmem:s22], [sflag:$0x1] =	stream.indirect.gather [hbm4b:s6+s21], $0x80, s24, s21, $0xb8;
	[tilespmem:$0x1D000] =	vst v63  }
0x73: {  	_ =	swait.ge [sflag:s19], $0x3E80  }
0x74: {  	[sflag:s19] =	ssyncset.done $0x0  }
0x75: {  	s31 =	simm.s32 $0x2800;
	[sflag:s19] =	ssyncadd.s32 $0xFFFFC180  }
0x76: {  	[spmem:s3] =	stream.indirect.scatter.add.f32 [tilespmem:s22], [sflag:$0x1], $0x80, s31, s21, $0xb8;
	[tilespmem:$0x1D000] =	vst v63  }
0x77: {  	_ =	swait.ge [sflag:s19], $0x3E80  }
0x78: {  	s24 =	simm.s32 $0x200;
	s25 =	simm.s32 $0x400;
	[sflag:s19] =	ssyncset.done $0x0  }
.LBB2_10:
0x79: {  	s26 =	sshra.s32 s24, $0x2  }
0x7a: {  	[sflag:s19] =	ssyncadd.s32 $0xFFFFC180;
	s24 =	smov.u32 s25;
	s28 =	sadd.s32 $0x200, s25  }
0x7b: {  	[tilespmem:s22], [sflag:$0x1] =	stream.indirect.gather [hbm4b:s6+s21], $0x80, s26, s21, $0xb8;
	[tilespmem:$0x1D000] =	vst v63  }
0x7c: {  	p1 =	seq.s32 s25, $0x9E00;
	_ =	swait.ge [sflag:s19], $0x3E80  }
.Ltmp7:
0x7d: {  	[sflag:s19] =	ssyncset.done $0x0;
	(pc) =	sbr.rel @!p1 .LBB2_10-.Ltmp7, $4  }
0x7e: {  	s25 =	sadd.s32 $0x2800, s26;
	[sflag:s19] =	ssyncadd.s32 $0xFFFFC180  }
0x7f: {  	[spmem:s3] =	stream.indirect.scatter.add.f32 [tilespmem:s22], [sflag:$0x1], $0x80, s25, s21, $0xb8;
	[tilespmem:$0x1D000] =	vst v63  }
0x80: {  	_ =	swait.ge [sflag:s19], $0x3E80  }
0x81: {  	s25 =	smov.u32 s28;
	[sflag:s19] =	ssyncset.done $0x0  }
0x82: {  	s24 =	sshra.s32 s24, $0x2;
	[sflag:s19] =	ssyncadd.s32 $0xFFFFC180  }
0x83: {  	[tilespmem:s22], [sflag:$0x1] =	stream.indirect.gather [hbm4b:s6+s21], $0x80, s24, s21, $0xb8;
	[tilespmem:$0x1D000] =	vst v63  }
0x84: {  	_ =	swait.ge [sflag:s19], $0x3E80  }
0x85: {  	[sflag:s19] =	ssyncset.done $0x0  }
.Ltmp8:
0x86: {  	s24 =	sadd.s32 $0x2800, s24;
	[sflag:s19] =	ssyncadd.s32 $0xFFFFC180;
	(pc) =	sbr.rel .LBB2_15-.Ltmp8, $4  }
0x87: {  	[spmem:s3] =	stream.indirect.scatter.add.f32 [tilespmem:s22], [sflag:$0x1], $0x80, s24, s21, $0xb8;
	[tilespmem:$0x1D000] =	vst v63  }
0x88: {  	_ =	swait.ge [sflag:s19], $0x3E80  }
0x89: {  	[sflag:s19] =	ssyncset.done $0x0  }
0x8a: {  	s24 =	smov.u32 s10;
	[sflag:s19] =	ssyncadd.s32 $0xFFFFC180  }
.LBB2_12:
0x8b: {  	[tilespmem:s22], [sflag:$0x1] =	stream.indirect.gather [hbm4b:s8+s21], $0x80, s24, s21, $0xb8;
	[tilespmem:$0x1D000] =	vst v63  }
0x8c: {  	_ =	swait.ge [sflag:s19], $0x3E80  }
0x8d: {  	[sflag:s19] =	ssyncset.done $0x0  }
0x8e: {  	s31 =	simm.s32 $0x2800;
	[sflag:s19] =	ssyncadd.s32 $0xFFFFC180  }
0x8f: {  	[spmem:s3] =	stream.indirect.scatter.add.f32 [tilespmem:s22], [sflag:$0x1], $0x80, s31, s21, $0xb8;
	[tilespmem:$0x1D000] =	vst v63  }
0x90: {  	_ =	swait.ge [sflag:s19], $0x3E80  }
0x91: {  	s24 =	simm.s32 $0x200;
	s25 =	simm.s32 $0x400;
	[sflag:s19] =	ssyncset.done $0x0  }
.LBB2_13:
0x92: {  	s26 =	sshra.s32 s24, $0x2  }
0x93: {  	[sflag:s19] =	ssyncadd.s32 $0xFFFFC180;
	s24 =	smov.u32 s25;
	s28 =	sadd.s32 $0x200, s25  }
0x94: {  	[tilespmem:s22], [sflag:$0x1] =	stream.indirect.gather [hbm4b:s8+s21], $0x80, s26, s21, $0xb8;
	[tilespmem:$0x1D000] =	vst v63  }
0x95: {  	p1 =	sne.s32 s25, $0x9E00;
	_ =	swait.ge [sflag:s19], $0x3E80  }
.Ltmp9:
0x96: {  	[sflag:s19] =	ssyncset.done $0x0;
	(pc) =	sbr.rel @p1 .LBB2_13-.Ltmp9, $4  }
0x97: {  	s25 =	sadd.s32 $0x2800, s26;
	[sflag:s19] =	ssyncadd.s32 $0xFFFFC180  }
0x98: {  	[spmem:s3] =	stream.indirect.scatter.add.f32 [tilespmem:s22], [sflag:$0x1], $0x80, s25, s21, $0xb8;
	[tilespmem:$0x1D000] =	vst v63  }
0x99: {  	_ =	swait.ge [sflag:s19], $0x3E80  }
0x9a: {  	s25 =	smov.u32 s28;
	[sflag:s19] =	ssyncset.done $0x0  }
.Ltmp10:
0x9b: {  	_ = 	snop;
	(pc) =	sbr.rel .LBB2_14-.Ltmp10, $1  }
0x9c: {  	_ =	sdelay $0x3  }
.LBB2_16:
0x9d: {  	_ =	sfence.sel $0x180000  }
0x9e: {  	[bflag:$0x0] =	sbarrier.arrive $0xFFFF  }
0x9f: {  	p0 =	sne.s32 s2, $0x0;
	_ =	strace $0x9000004D  }
0xa0: {  	s0 =	sadd.s32 @!p0 $0x100000, s0;
	[bflag:$0x2] =	sbarrier.arrive $0xFFFF  }
0xa1: {  	[sflag:s0] =	ssyncadd.tile.s32 @!p0 $0x1;
	_ =	shalt  }
.Lfunc_end2:
_tile_overlayer_lowered:
.L_overlay_start_2:
0xa2: {  	(tag) =	ssettag $0x2  }
0xa3: {  	s0 =	rddreg [dreg:$0x0];
	s2 =	stileid.u32  }
0xa4: {  	s1 =	rddreg [dreg:$0x1];
	p0 =	sne.s32 s2, $0x0  }
0xa5: {  	s3 =	rddreg [dreg:$0x2];
	[bflag:$0x3] =	sbarrier.arrive $0xFFFF;
	s2 =	simm.s32 @!p0 $0x1C01  }
0xa6: {  	[timem:s3], [sflag:s2] =	dma.local @!p0 [hbm:s0], s1  }
0xa7: {  	s0 =	simm.s32 @!p0 $0x1  }
0xa8: {  	_ =	swait.ge @!p0 [sflag:s0], s1  }
0xa9: {  	s1 =	ssub.s32 @!p0 $0x0, s1;
	[sflag:s0] =	ssyncset.done @!p0 $0x0  }
0xaa: {  	[sflag:s0] =	ssyncadd.s32 @!p0 s1  }
0xab: {  	[bflag:$0x3] =	sbarrier.arrive $0xFFFF  }
0xac: {  	_ =	shalt  }

// kernel: kernel.19.cloned.1.call-start
scs
__scs_entry_jumppad:
0x0: {  	(pc) =	sbr.rel $0x88, $3  }
0x1: {  	(tag) =	ssettag $0x0;
	lr =	simm.s32 $0x1  }
0x2: {  	[smem:$0x3F99] =	sst lr;
	_ =	strace $0xD0000000  }
0x3: {  	_ = 	snop  }
0x4: {  	_ = 	snop  }
0x5: {  	_ = 	snop  }
0x6: {  	_ = 	snop  }
0x7: {  	_ = 	snop  }
__scs_overlays_trampoline_lowered:
0x8: {  	[smem:$0x3FA8] =	sst s0  }
0x9: {  	[smem:$0x3FA9] =	sst s1  }
0xa: {  	[smem:$0x3FAA] =	sst s2  }
0xb: {  	[smem:$0x3FAB] =	sst s3  }
0xc: {  	[smem:$0x3FAC] =	sst s4  }
0xd: {  	[smem:$0x3FAD] =	sst s5  }
0xe: {  	[smem:$0x3FAE] =	sst s6  }
0xf: {  	[smem:$0x3FAF] =	sst s7  }
0x10: {  	[smem:$0x3FB0] =	sst s8  }
0x11: {  	[smem:$0x3FB1] =	sst s9;
	s0 =	simm.s32 @!p0 $0x0  }
0x12: {  	s1 =	sld [smem:$0x3F97];
	s0 =	simm.s32 @p0 $0x1  }
0x13: {  	[smem:$0x3FB2] =	sst s0;
	s0 =	simm.s32 @!p1 $0x0  }
0x14: {  	s2 =	sld [smem:$0x3F96];
	s0 =	simm.s32 @p1 $0x1  }
0x15: {  	[smem:$0x3FB3] =	sst s0;
	s0 =	simm.s32 @!p2 $0x0  }
0x16: {  	s3 =	sld [smem:$0x3FDB];
	s0 =	simm.s32 @p2 $0x1  }
0x17: {  	s4 =	simm.s32 $0x1BF5;
	[smem:$0x3FB5] =	sst s0  }
0x18: {  	s0 =	sld [smem:$0x3F98];
	_ =	swait.ge [sflag:s4], $0x0  }
0x19: {  	s7 =	sld [smem:$0x3F99]  }
0x1a: {  	s8 =	sadd.s32 $0xFFFFE003, lr  }
0x1b: {  	s9 =	sadd.s32 $0xFFFFFEF7, lr;
	s5 =	simm.s32 $0xFFFFFFFF;
	p2 =	slt.u32 s8, $0xFFFFF086  }
0x1c: {  	p1 =	slt.u32 s9, $0xF7A;
	s5 =	simm.s32 @!p2 $0x0  }
0x1d: {  	s5 =	simm.s32 @p1 $0x1;
	p0 =	seq.s32 s7, s2  }
0x1e: {  	s7 =	smul.u32 @!p0 $0xF7A, s2;
	p2 =	seq.s32 @!p0 s5, $0x0  }
0x1f: {  	s9 =	smul.u32 $0xF7A, s1;
	s8 =	simm.s32 @!p0 $0x1BF5;
	p2 =	por !p2, p0  }
0x20: {  	[sflag:s8] =	ssyncset.s32 @!p0 $0xFFFFF086;
	s6 =	sadd.s32 @!p0 s3, s7;
	s7 =	simm.s32 @!p0 $0x108  }
0x21: {  	s3 =	sadd.s32 s3, s9;
	s6 =	sadd.s32 @!p0 $0x88, s6;
	s7 =	simm.s32 @p2 $0x1082  }
0x22: {  	[simem:s7], [sflag:s8] =	dma.local @!p0 [hbm:s6], $0xF7A  }
0x23: {  	s9 =	sor.u32 $0xD0000000, s2;
	s6 =	simm.s32 $0x108;
	_ =	swait.ge @!p0 [sflag:s8], $0x0  }
0x24: {  	s3 =	sadd.s32 $0x88, s3;
	s6 =	simm.s32 @!p1 $0x1082;
	[sflag:s4] =	ssyncset.s32 $0xFFFFF086  }
0x25: {  	[simem:s6], [sflag:s4] =	dma.local [hbm:s3], $0xF7A  }
0x26: {  	[smem:$0x3F99] =	sst s1;
	(tag) =	ssettag s2;
	_ =	strace s9  }
0x27: {  	s1 =	sld [smem:$0x3FA9]  }
0x28: {  	s2 =	sld [smem:$0x3FAA]  }
0x29: {  	s4 =	sld [smem:$0x3FAC]  }
0x2a: {  	p0 =	seq.s32 s5, $0x0;
	s5 =	sld [smem:$0x3FAD]  }
0x2b: {  	s6 =	sld [smem:$0x3FAE]  }
0x2c: {  	s7 =	sld [smem:$0x3FAF]  }
0x2d: {  	s3 =	simm.s32 $0x108;
	s8 =	sld [smem:$0x3FB0]  }
0x2e: {  	s3 =	simm.s32 @!p0 $0x1082;
	s9 =	sld [smem:$0x3FB1]  }
0x2f: {  	lr =	sadd.s32 s0, s3;
	s0 =	sld [smem:$0x3FA8]  }
0x30: {  	s3 =	sld [smem:$0x3FAB]  }
0x31: {  	[smem:$0x3FB4] =	sst s10  }
0x32: {  	s10 =	sld [smem:$0x3FB2];
	_ =	sdelay $0x3  }
0x33: {  	p0 =	seq.s32 s10, $0x1;
	s10 =	sld [smem:$0x3FB4];
	_ =	sdelay $0x3  }
0x34: {  	[smem:$0x3FB4] =	sst s10  }
0x35: {  	s10 =	sld [smem:$0x3FB3];
	_ =	sdelay $0x3  }
0x36: {  	p1 =	seq.s32 s10, $0x1;
	s10 =	sld [smem:$0x3FB4];
	_ =	sdelay $0x3  }
0x37: {  	[smem:$0x3FB4] =	sst s10  }
0x38: {  	s10 =	sld [smem:$0x3FB5]  }
0x39: {  	_ = 	snop;
	(pc) =	sbr.ind lr, $3  }
0x3a: {  	_ = 	snop  }
0x3b: {  	_ = 	snop  }
0x3c: {  	p2 =	seq.s32 s10, $0x1;
	s10 =	sld [smem:$0x3FB4]  }
0x3d: {  	_ =	shalt  }
0x3e: {  	_ =	shalt  }
0x3f: {  	_ =	shalt  }
0x40: {  	_ =	shalt  }
0x41: {  	_ =	shalt  }
0x42: {  	_ =	shalt  }
0x43: {  	_ =	shalt  }
0x44: {  	_ =	shalt  }
0x45: {  	_ =	shalt  }
0x46: {  	_ =	shalt  }
0x47: {  	_ =	shalt  }
0x48: {  	_ =	shalt  }
0x49: {  	_ =	shalt  }
0x4a: {  	_ =	shalt  }
0x4b: {  	_ =	shalt  }
0x4c: {  	_ =	shalt  }
0x4d: {  	_ =	shalt  }
0x4e: {  	_ =	shalt  }
0x4f: {  	_ =	shalt  }
0x50: {  	_ =	shalt  }
0x51: {  	_ =	shalt  }
0x52: {  	_ =	shalt  }
0x53: {  	_ =	shalt  }
0x54: {  	_ =	shalt  }
0x55: {  	_ =	shalt  }
0x56: {  	_ =	shalt  }
0x57: {  	_ =	shalt  }
0x58: {  	_ =	shalt  }
0x59: {  	_ =	shalt  }
0x5a: {  	_ =	shalt  }
0x5b: {  	_ =	shalt  }
0x5c: {  	_ =	shalt  }
0x5d: {  	_ =	shalt  }
0x5e: {  	_ =	shalt  }
0x5f: {  	_ =	shalt  }
0x60: {  	_ =	shalt  }
0x61: {  	_ =	shalt  }
0x62: {  	_ =	shalt  }
0x63: {  	_ =	shalt  }
0x64: {  	_ =	shalt  }
0x65: {  	_ =	shalt  }
0x66: {  	_ =	shalt  }
0x67: {  	_ =	shalt  }
0x68: {  	_ =	shalt  }
0x69: {  	_ =	shalt  }
0x6a: {  	_ =	shalt  }
0x6b: {  	_ =	shalt  }
0x6c: {  	_ =	shalt  }
0x6d: {  	_ =	shalt  }
0x6e: {  	_ =	shalt  }
0x6f: {  	_ =	shalt  }
0x70: {  	_ =	shalt  }
0x71: {  	_ =	shalt  }
0x72: {  	_ =	shalt  }
0x73: {  	_ =	shalt  }
0x74: {  	_ =	shalt  }
0x75: {  	_ =	shalt  }
0x76: {  	_ =	shalt  }
0x77: {  	_ =	shalt  }
0x78: {  	_ =	shalt  }
0x79: {  	_ =	shalt  }
0x7a: {  	_ =	shalt  }
0x7b: {  	_ =	shalt  }
0x7c: {  	_ =	shalt  }
0x7d: {  	_ =	shalt  }
0x7e: {  	_ =	shalt  }
0x7f: {  	_ =	shalt  }
0x80: {  	_ =	shalt  }
0x81: {  	_ =	shalt  }
0x82: {  	_ =	shalt  }
0x83: {  	_ =	shalt  }
0x84: {  	_ =	shalt  }
0x85: {  	_ =	shalt  }
0x86: {  	_ =	shalt  }
0x87: {  	_ =	shalt  }
.Lfunc_end0:
.L_simem_size_0:
called_computation.3_lowered:
.L_overlay_start_0:
0x88: {  	s2 =	sld [smem:$0x3FD9]  }
0x89: {  	s3 =	sld [smem:$0x3FFE];
	_ =	sdelay $0x1  }
0x8a: {  	s1 =	srdreg.scid  }
0x8b: {  	s0 =	sand.u32 $0x1, s1  }
0x8c: {  	s17 =	sshll.u32 s0, $0xA;
	s2 =	sadd.s32 s3, s2  }
0x8d: {  	s2 =	sadd.s32 s2, s17  }
0x8e: {  	[smem:$0x3FC0] =	sst s2  }
0x8f: {  	_ = 	snop  }
0x90: {  	s2 =	sld [smem:$0x3FD0];
	(tm) =	ssettm $0x1  }
0x91: {  	s18 =	sld [smem:$0x3FFB];
	_ =	sdelay $0x3  }
0x92: {  	_ =	strace s18  }
0x93: {  	s3 =	sld [smem:$0x3FFC];
	_ =	sdelay $0x3  }
0x94: {  	_ =	strace s3  }
0x95: {  	s3 =	sld [smem:$0x3FFD];
	_ =	sdelay $0x3  }
0x96: {  	_ =	strace s3  }
0x97: {  	_ =	strace $0x8FFFFFFF  }
0x98: {  	s19 =	sld [smem:$0x3FDB];
	_ =	sdelay $0x1  }
0x99: {  	s4 =	simm.s32 $_scs_section_size  }
0x9a: {  	s5 =	simm.s32 $_size__tile_overlayer_lowered;
	s6 =	simm.s32 $_tile_overlayer_lowered  }
0x9b: {  	s22 =	simm.s32 $0x1BFF;
	s21 =	sshll.u32 s6, $0x1;
	s3 =	sadd.s32 s4, s19  }
0x9c: {  	s7 =	simm.s32 $0x0;
	s20 =	sshll.u32 s5, $0x1;
	s5 =	sadd.s32 s21, s3  }
0x9d: {  	[timem:s7], [sflag:s22] =	dma.local [hbm:s5], s20  }
0x9e: {  	_ =	swait.ge [sflag:s22], s20  }
0x9f: {  	s4 =	ssub.s32 $0x0, s20;
	[sflag:s22] =	ssyncset.done $0x0  }
0xa0: {  	[sflag:s22] =	ssyncadd.s32 s4;
	_ =	sdelay $0x1  }
0xa1: {  	s23 =	simm.s32 $0x1B8B  }
0xa2: {  	_ =	swait.ge [sflag:s23], $0x1  }
0xa3: {  	[sflag:s23] =	ssyncset.done $0x0  }
0xa4: {  	s25 =	simm.s32 $0x1B8E;
	s24 =	sld [smem:$0x3FFE];
	[sflag:s23] =	ssyncadd.s32 $0xFFFFFFFF  }
0xa5: {  	s26 =	simm.s32 $execute0_lowered;
	[smem:$0x3FD2] =	sst s25  }
0xa6: {  	s5 =	sshll.u32 s26, $0x1;
	_ =	strace $0x8000004F;
	[dreg:$0x1] =	wrdreg $0xFFFFFFFF  }
0xa7: {  	s28 =	simm.s32 $_size_execute0_lowered;
	s3 =	sadd.s32 s3, s5;
	[dreg:$0x0] =	wrdreg $0x0  }
0xa8: {  	s5 =	sshll.u32 s28, $0x1;
	[dreg:$0x2] =	wrdreg s3  }
0xa9: {  	[dreg:$0x3] =	wrdreg s5  }
0xaa: {  	[dreg:$0x4] =	wrdreg $0xC0  }
0xab: {  	_ =	task [dreg:s7], $0x5FFFF  }
0xac: {  	[dreg:$0x1] =	wrdreg $0xFFFFFFFF  }
0xad: {  	[dreg:$0x0] =	wrdreg $0x60  }
0xae: {  	[dreg:$0x2] =	wrdreg s24  }
0xaf: {  	[dreg:$0x3] =	wrdreg s2  }
0xb0: {  	[dreg:$0x4] =	wrdreg $0x90000  }
0xb1: {  	[dreg:$0x5] =	wrdreg $0x9  }
0xb2: {  	_ =	task.clear_ibuf [dreg:s7], $0x6FFFF;
	_ =	strace $0x9000004F  }
0xb3: {  	s29 =	simm.s32 $0x9;
	_ =	strace $0x80000051  }
0xb4: {  	_ =	swait.ge [sflag:s29], $0x1  }
0xb5: {  	[sflag:s29] =	ssyncadd.s32 $0xFFFFFFFF  }
0xb6: {  	_ =	strace $0x90000051  }
0xb7: {  	_ =	sfence  }
0xb8: {  	s30 =	sld [smem:$0x0];
	_ =	sdelay $0x2  }
0xb9: {  	s31 =	sshll.u32 s1, $0xD;
	s1 =	sshrl.u32 s1, $0x2  }
0xba: {  	s3 =	sand.u32 $0x4000, s31;
	s1 =	sadd.s32 s1, s30  }
0xbb: {  	s0 =	sor.u32 s3, s0;
	s1 =	sshll.u32 s1, $0x11  }
0xbc: {  	s0 =	sor.u32 s1, s0  }
0xbd: {  	s0 =	sadd.s32 $0x8F2B, s0  }
0xbe: {  	[sflag:s0] =	ssyncadd.remote.s32 $0x1  }
0xbf: {  	_ =	sfence.sel $0xFFFF  }
0xc0: {  	[dreg:$0x0] =	wrdreg $0xFFFFFFFF;
	(pc) =	sbr.abs _section_cstart, $3  }
0xc1: {  	[dreg:$0x1] =	wrdreg $0xFFFFFFFF  }
0xc2: {  	_ =	task.clear_ibuf [dreg:s7], $0x2FFFF;
	_ =	strace $0x9FFFFFFF  }
0xc3: {  	(tm) =	ssettm $0x7FFFFFFF  }
tec
execute0_lowered:
.L_overlay_start_1:
0x0: {  	(tag) =	ssettag $0x1  }
0x1: {  	s8 =	rddreg [dreg:$0x0]  }
0x2: {  	s1 =	rddreg [dreg:$0x1]  }
0x3: {  	s2 =	rddreg [dreg:$0x2]  }
0x4: {  	s0 =	rddreg [dreg:$0x3];
	s4 =	simm.s32 $0x0;
	s3 =	stileid.u32  }
0x5: {  	s9 =	srdreg.scid;
	s16 =	simm.s32 $0x2800;
	s17 =	simm.s32 $0x7D  }
0x6: {  	s18 =	simm.s32 $0x5000;
	s19 =	simm.s32 $0x0;
	[smem:$0x7FF] =	sst s4  }
0x7: {  	s5 =	sadd.s32 $0xCE00, s8;
	s7 =	smul.u32 $0x500, s3;
	s6 =	sadd.s32 $0x3EE00, s8  }
0x8: {  	s14 =	sand.u32 $0x1, s9;
	s30 =	smul.u32 $0x50000, s3;
	s31 =	sshll.u32 s3, $0x6  }
0x9: {  	_ =	strace $0x80000050;
	s10 =	ssub.s32 $0x2, s14;
	p0 =	sne.s32 s14, $0x0  }
.Ltmp0:
0xa: {  	s11 =	sadd.s32 s7, s8;
	s7 =	sadd.s32 $0xA600, s8;
	(pc) =	sbr.rel .LBB2_1-.Ltmp0, $4  }
0xb: {  	s8 =	sadd.s32 $0x66000, s8;
	s12 =	sshrl.u32 s10, $0x1;
	s9 =	sshrl.u32 s30, $0x2  }
0xc: {  	s13 =	ssub.s32 s10, s12;
	s15 =	sadd.s32 s9, s2;
	s9 =	sor.u32 $0x1C01, s31  }
0xd: {  	s10 =	sadd.s32 $0x39E00, s11;
	s11 =	sadd.s32 $0x34E00, s11;
	s12 =	smul.u32 $0x2800, s3  }
0xe: {  	s13 =	smax.u32 s13, $0x1;
	s14 =	sshrl.u32 s15, $0x3;
	s15 =	simm.s32 $0x1  }
.LBB2_7:
0xf: {  	s20 =	sshra.s32 s20, $0x2;
	[sflag:s15] =	ssyncadd.s32 $0xFFFFC180  }
0x10: {  	[tilespmem:s18], [sflag:$0x1] =	stream.indirect.gather [hbm4b:s6+s17], $0x80, s20, s17, $0xb8;
	[tilespmem:$0x1D000] =	vst v63  }
0x11: {  	_ =	swait.ge [sflag:s15], $0x3E80  }
0x12: {  	[sflag:s15] =	ssyncset.done $0x0  }
0x13: {  	s20 =	sadd.s32 $0x2800, s20;
	[sflag:s15] =	ssyncadd.s32 $0xFFFFC180  }
0x14: {  	[spmem:s2] =	stream.indirect.scatter.add.f32 [tilespmem:s18], [sflag:$0x1], $0x80, s20, s17, $0xb8;
	[tilespmem:$0x1D000] =	vst v63  }
0x15: {  	_ =	swait.ge [sflag:s15], $0x3E80  }
0x16: {  	[sflag:s15] =	ssyncset.done $0x0  }
0x17: {  	s20 =	smov.u32 s8;
	[sflag:s15] =	ssyncadd.s32 $0xFFFFC180  }
.LBB2_8:
0x18: {  	s19 =	sadd.s32 $0x1, s19  }
0x19: {  	p1 =	sne.s32 s19, s13  }
.Ltmp1:
0x1a: {  	s20 =	sadd.s32 s20, s12;
	[bflag:$0x0] =	sbarrier.arrive $0xFFFF;
	(pc) =	sbr.rel @!p1 .LBB2_9-.Ltmp1, $4  }
0x1b: {  	[hbm:s20], [sflag:s9] =	dma.local [spmem:s14], $0x2800  }
0x1c: {  	_ =	swait.ge [sflag:s15], $0x2800  }
0x1d: {  	[sflag:s15] =	ssyncset.done $0x0  }
0x1e: {  	[sflag:s15] =	ssyncadd.s32 $0xFFFFD800  }
.LBB2_1:
0x1f: {  	[spmem:s14], [sflag:s9] =	dma.local [hbm:s7], $0x2800  }
0x20: {  	_ =	swait.ge [sflag:s15], $0x2800  }
0x21: {  	[sflag:s15] =	ssyncset.done $0x0  }
0x22: {  	[sflag:s15] =	ssyncadd.s32 $0xFFFFD800  }
0x23: {  	[bflag:$0x0] =	sbarrier.arrive $0xFFFF  }
0x24: {  	[tilespmem:s4], [sflag:$0x1] =	stream.linear.gather [hbm4b:s10+s4], $0x2800, $0x38;
	[tilespmem:$0x1D000] =	vst v63  }
0x25: {  	_ =	swait.ge [sflag:s15], $0x2800  }
0x26: {  	[sflag:s15] =	ssyncset.done $0x0  }
.Ltmp2:
0x27: {  	[sflag:s15] =	ssyncadd.s32 $0xFFFFD800;
	(pc) =	sbr.rel @p0 .LBB2_5-.Ltmp2, $4  }
0x28: {  	[tilespmem:s16], [sflag:$0x1] =	stream.linear.gather [hbm4b:s11+s4], $0x2800, $0x38;
	[tilespmem:$0x1D000] =	vst v63  }
0x29: {  	_ =	swait.ge [sflag:s15], $0x2800  }
0x2a: {  	[sflag:s15] =	ssyncset.done $0x0  }
0x2b: {  	s20 =	simm.s32 $0x0;
	[sflag:s15] =	ssyncadd.s32 $0xFFFFD800  }
0x2c: {  	[tilespmem:s18], [sflag:$0x1] =	stream.indirect.gather [hbm4b:s5+s17], $0x80, s20, s17, $0xb8;
	[tilespmem:$0x1D000] =	vst v63  }
0x2d: {  	_ =	swait.ge [sflag:s15], $0x3E80  }
0x2e: {  	[sflag:s15] =	ssyncset.done $0x0  }
0x2f: {  	s31 =	simm.s32 $0x2800;
	[sflag:s15] =	ssyncadd.s32 $0xFFFFC180  }
0x30: {  	[spmem:s2] =	stream.indirect.scatter.add.f32 [tilespmem:s18], [sflag:$0x1], $0x80, s31, s17, $0xb8;
	[tilespmem:$0x1D000] =	vst v63  }
0x31: {  	_ =	swait.ge [sflag:s15], $0x3E80  }
0x32: {  	s20 =	simm.s32 $0x200;
	s21 =	simm.s32 $0x400;
	[sflag:s15] =	ssyncset.done $0x0  }
.LBB2_3:
0x33: {  	s22 =	sshra.s32 s20, $0x2  }
0x34: {  	[sflag:s15] =	ssyncadd.s32 $0xFFFFC180;
	s20 =	smov.u32 s21;
	s23 =	sadd.s32 $0x200, s21  }
0x35: {  	[tilespmem:s18], [sflag:$0x1] =	stream.indirect.gather [hbm4b:s5+s17], $0x80, s22, s17, $0xb8;
	[tilespmem:$0x1D000] =	vst v63  }
0x36: {  	p1 =	seq.s32 s21, $0x9E00;
	_ =	swait.ge [sflag:s15], $0x3E80  }
.Ltmp3:
0x37: {  	[sflag:s15] =	ssyncset.done $0x0;
	(pc) =	sbr.rel @!p1 .LBB2_3-.Ltmp3, $4  }
0x38: {  	s21 =	sadd.s32 $0x2800, s22;
	[sflag:s15] =	ssyncadd.s32 $0xFFFFC180  }
0x39: {  	[spmem:s2] =	stream.indirect.scatter.add.f32 [tilespmem:s18], [sflag:$0x1], $0x80, s21, s17, $0xb8;
	[tilespmem:$0x1D000] =	vst v63  }
0x3a: {  	_ =	swait.ge [sflag:s15], $0x3E80  }
0x3b: {  	s21 =	smov.u32 s23;
	[sflag:s15] =	ssyncset.done $0x0  }
0x3c: {  	s20 =	sshra.s32 s20, $0x2;
	[sflag:s15] =	ssyncadd.s32 $0xFFFFC180  }
0x3d: {  	[tilespmem:s18], [sflag:$0x1] =	stream.indirect.gather [hbm4b:s5+s17], $0x80, s20, s17, $0xb8;
	[tilespmem:$0x1D000] =	vst v63  }
0x3e: {  	_ =	swait.ge [sflag:s15], $0x3E80  }
0x3f: {  	[sflag:s15] =	ssyncset.done $0x0  }
.Ltmp4:
0x40: {  	s20 =	sadd.s32 $0x2800, s20;
	[sflag:s15] =	ssyncadd.s32 $0xFFFFC180;
	(pc) =	sbr.rel .LBB2_8-.Ltmp4, $4  }
0x41: {  	[spmem:s2] =	stream.indirect.scatter.add.f32 [tilespmem:s18], [sflag:$0x1], $0x80, s20, s17, $0xb8;
	[tilespmem:$0x1D000] =	vst v63  }
0x42: {  	_ =	swait.ge [sflag:s15], $0x3E80  }
0x43: {  	[sflag:s15] =	ssyncset.done $0x0  }
0x44: {  	s20 =	smov.u32 s1;
	[sflag:s15] =	ssyncadd.s32 $0xFFFFC180  }
.LBB2_5:
0x45: {  	[tilespmem:s18], [sflag:$0x1] =	stream.indirect.gather [hbm4b:s6+s17], $0x80, s20, s17, $0xb8;
	[tilespmem:$0x1D000] =	vst v63  }
0x46: {  	_ =	swait.ge [sflag:s15], $0x3E80  }
0x47: {  	[sflag:s15] =	ssyncset.done $0x0  }
0x48: {  	s31 =	simm.s32 $0x2800;
	[sflag:s15] =	ssyncadd.s32 $0xFFFFC180  }
0x49: {  	[spmem:s2] =	stream.indirect.scatter.add.f32 [tilespmem:s18], [sflag:$0x1], $0x80, s31, s17, $0xb8;
	[tilespmem:$0x1D000] =	vst v63  }
0x4a: {  	_ =	swait.ge [sflag:s15], $0x3E80  }
0x4b: {  	s20 =	simm.s32 $0x200;
	s21 =	simm.s32 $0x400;
	[sflag:s15] =	ssyncset.done $0x0  }
.LBB2_6:
0x4c: {  	s22 =	sshra.s32 s20, $0x2  }
0x4d: {  	[sflag:s15] =	ssyncadd.s32 $0xFFFFC180;
	s20 =	smov.u32 s21;
	s23 =	sadd.s32 $0x200, s21  }
0x4e: {  	[tilespmem:s18], [sflag:$0x1] =	stream.indirect.gather [hbm4b:s6+s17], $0x80, s22, s17, $0xb8;
	[tilespmem:$0x1D000] =	vst v63  }
0x4f: {  	p1 =	sne.s32 s21, $0x9E00;
	_ =	swait.ge [sflag:s15], $0x3E80  }
.Ltmp5:
0x50: {  	[sflag:s15] =	ssyncset.done $0x0;
	(pc) =	sbr.rel @p1 .LBB2_6-.Ltmp5, $4  }
0x51: {  	s21 =	sadd.s32 $0x2800, s22;
	[sflag:s15] =	ssyncadd.s32 $0xFFFFC180  }
0x52: {  	[spmem:s2] =	stream.indirect.scatter.add.f32 [tilespmem:s18], [sflag:$0x1], $0x80, s21, s17, $0xb8;
	[tilespmem:$0x1D000] =	vst v63  }
0x53: {  	_ =	swait.ge [sflag:s15], $0x3E80  }
0x54: {  	s21 =	smov.u32 s23;
	[sflag:s15] =	ssyncset.done $0x0  }
.Ltmp6:
0x55: {  	_ = 	snop;
	(pc) =	sbr.rel .LBB2_7-.Ltmp6, $1  }
0x56: {  	_ =	sdelay $0x3  }
.LBB2_9:
0x57: {  	_ =	sfence.sel $0x180000  }
0x58: {  	[bflag:$0x0] =	sbarrier.arrive $0xFFFF  }
0x59: {  	p0 =	sne.s32 s3, $0x0;
	_ =	strace $0x90000050  }
0x5a: {  	s0 =	sadd.s32 @!p0 $0x100000, s0;
	[bflag:$0x2] =	sbarrier.arrive $0xFFFF  }
0x5b: {  	[sflag:s0] =	ssyncadd.tile.s32 @!p0 $0x1;
	_ =	shalt  }
.Lfunc_end2:
_tile_overlayer_lowered:
.L_overlay_start_2:
0x5c: {  	(tag) =	ssettag $0x2  }
0x5d: {  	s0 =	rddreg [dreg:$0x0];
	s2 =	stileid.u32  }
0x5e: {  	s1 =	rddreg [dreg:$0x1];
	p0 =	sne.s32 s2, $0x0  }
0x5f: {  	s3 =	rddreg [dreg:$0x2];
	[bflag:$0x3] =	sbarrier.arrive $0xFFFF;
	s2 =	simm.s32 @!p0 $0x1C01  }
0x60: {  	[timem:s3], [sflag:s2] =	dma.local @!p0 [hbm:s0], s1  }
0x61: {  	s0 =	simm.s32 @!p0 $0x1  }
0x62: {  	_ =	swait.ge @!p0 [sflag:s0], s1  }
0x63: {  	s1 =	ssub.s32 @!p0 $0x0, s1;
	[sflag:s0] =	ssyncset.done @!p0 $0x0  }
0x64: {  	[sflag:s0] =	ssyncadd.s32 @!p0 s1  }
0x65: {  	[bflag:$0x3] =	sbarrier.arrive $0xFFFF  }
0x66: {  	_ =	shalt  }

</sc_bundles>
